<compile_context>
chip_gen: v7x
topology: tpu7x:2x2x1
jax: 0.10.2.dev20260603
libtpu: 0.0.44.dev20260713+nightly
codegen_flags: <defaults>
</compile_context>

<pallas_src>
import functools

import jax
import jax.numpy as jnp
from jax import lax
from jax.experimental import pallas as pl
from jax.experimental.pallas import tpu as pltpu
import jax.experimental.pallas.tpu_sc as plsc

N = 10000
E = 320000
D = 128
H = 128
C = 70

NC = 2
NS = 16
NW = NC * NS
EPW = E // NW
B = 125
NB = EPW // B
CH = NB // 2
NP = 10240
RPT = NP // NS

_mesh = plsc.VectorSubcoreMesh(core_axis_name="c", subcore_axis_name="s",
                               num_cores=NC, num_subcores=NS)


@functools.partial(
    pl.kernel,
    out_type=jax.ShapeDtypeStruct((NC, NP), jnp.float32),
    mesh=_mesh,
    scratch_types=[
        pltpu.VMEM((NB, B), jnp.int32),
        pltpu.VMEM((128,), jnp.float32),
        pltpu.VMEM((RPT,), jnp.float32),
        pltpu.VMEM_SHARED((NP,), jnp.float32),
    ],
)
def _deg_kernel(e4_hbm, out_hbm, dst_v, ones_v, zb_v, deg_sh):
    c = lax.axis_index("c")
    s = lax.axis_index("s")
    wid = c * NS + s

    def fill_ones(i, carry):
        ones_v[pl.ds(i * 16, 16)] = jnp.full((16,), 1.0, jnp.float32)
        return carry
    lax.fori_loop(0, 8, fill_ones, 0)

    def fill_zero(i, carry):
        zb_v[pl.ds(i * 16, 16)] = jnp.zeros((16,), jnp.float32)
        return carry
    lax.fori_loop(0, RPT // 16, fill_zero, 0)

    pltpu.sync_copy(zb_v, deg_sh.at[pl.ds(s * RPT, RPT)])
    pltpu.sync_copy(e4_hbm.at[1].at[wid], dst_v)
    plsc.subcore_barrier()

    def body(j, carry):
        pltpu.sync_copy(ones_v.at[pl.ds(0, B)],
                        deg_sh.at[dst_v.at[j]], add=True)
        return carry
    lax.fori_loop(0, NB, body, 0)

    plsc.subcore_barrier()
    pltpu.sync_copy(deg_sh.at[pl.ds(s * RPT, RPT)],
                    out_hbm.at[c].at[pl.ds(s * RPT, RPT)])


@functools.partial(
    pl.kernel,
    out_type=jax.ShapeDtypeStruct((NC, NP, D), jnp.float32),
    mesh=_mesh,
    scratch_types=[
        pltpu.VMEM((CH, B), jnp.int32),
        pltpu.VMEM((CH, B), jnp.int32),
        pltpu.VMEM((B, D), jnp.float32),
        pltpu.VMEM((B, D), jnp.float32),
        pltpu.VMEM_SHARED((NP, D), jnp.float32),
        pltpu.SemaphoreType.DMA,
        pltpu.SemaphoreType.DMA,
    ],
)
def _agg_kernel(z_hbm, e4_hbm, out_hbm,
                src_v, dst_v, buf_a, buf_b, acc_sh, sem_a, sem_b):
    c = lax.axis_index("c")
    s = lax.axis_index("s")
    wid = c * NS + s

    def zrow(i, carry):
        buf_a[i // 8, pl.ds((i % 8) * 16, 16)] = jnp.zeros((16,), jnp.float32)
        return carry
    lax.fori_loop(0, B * (D // 16), zrow, 0)
    for k in range(RPT // B):
        pltpu.sync_copy(buf_a, acc_sh.at[pl.ds(s * RPT + k * B, B)])
    if RPT % B:
        pltpu.sync_copy(buf_a.at[pl.ds(0, RPT % B)],
                        acc_sh.at[pl.ds(s * RPT + (RPT // B) * B, RPT % B)])

    def load_chunk(ci):
        pltpu.sync_copy(e4_hbm.at[0].at[wid].at[pl.ds(ci * CH, CH)], src_v)
        pltpu.sync_copy(e4_hbm.at[1].at[wid].at[pl.ds(ci * CH, CH)], dst_v)

    load_chunk(0)
    plsc.subcore_barrier()

    def g_start(j, buf, sem):
        pltpu.async_copy(z_hbm.at[src_v.at[j]], buf, sem)

    def g_wait(j, buf, sem):
        pltpu.make_async_copy(z_hbm.at[src_v.at[j]], buf, sem).wait()

    def scat(j, buf):
        pltpu.sync_copy(buf, acc_sh.at[dst_v.at[j]], add=True)

    def run_pipeline(count):
        g_start(0, buf_a, sem_a)
        nloop = (count - 1) // 2 if count % 2 else (count - 2) // 2

        def body(jj, carry):
            j0 = jj * 2
            g_start(j0 + 1, buf_b, sem_b)
            g_wait(j0, buf_a, sem_a)
            scat(j0, buf_a)
            g_start(j0 + 2, buf_a, sem_a)
            g_wait(j0 + 1, buf_b, sem_b)
            scat(j0 + 1, buf_b)
            return carry
        lax.fori_loop(0, nloop, body, 0)

        if count % 2:
            g_wait(count - 1, buf_a, sem_a)
            scat(count - 1, buf_a)
        else:
            g_start(count - 1, buf_b, sem_b)
            g_wait(count - 2, buf_a, sem_a)
            scat(count - 2, buf_a)
            g_wait(count - 1, buf_b, sem_b)
            scat(count - 1, buf_b)

    run_pipeline(CH)
    load_chunk(1)
    run_pipeline(NB - CH)

    plsc.subcore_barrier()
    pltpu.sync_copy(acc_sh.at[pl.ds(s * RPT, RPT)],
                    out_hbm.at[c].at[pl.ds(s * RPT, RPT)])


_BR = 5120
_GRID = NP // _BR


def _tc1_body(x_ref, w1_ref, dp_ref, z1_ref, invd_ref):
    invd_row = lax.rsqrt(dp_ref[0:1] + dp_ref[1:2] + 1.0)
    invd_col = invd_row.reshape(_BR, 1)
    y = jnp.dot(x_ref[...], w1_ref[...], preferred_element_type=jnp.float32)
    z1_ref[...] = y * invd_col
    invd_ref[...] = invd_row


def _tc2_body(p_ref, invd_ref, b1_ref, w2_ref, z2_ref):
    invd_col = invd_ref[...].reshape(_BR, 1)
    h1 = jnp.maximum((p_ref[0] + p_ref[1]) * invd_col + b1_ref[...], 0.0)
    z2_ref[...] = jnp.dot(h1, w2_ref[...], preferred_element_type=jnp.float32) * invd_col


def _tc3_body(p_ref, invd_ref, b2_ref, wc_ref, bc_ref, out_ref):
    invd_col = invd_ref[...].reshape(_BR, 1)
    h2 = jnp.maximum((p_ref[0] + p_ref[1]) * invd_col + b2_ref[...], 0.0)
    out_ref[...] = jnp.dot(h2, wc_ref[...], preferred_element_type=jnp.float32) + bc_ref[...]


_tc1 = pl.pallas_call(
    _tc1_body,
    grid=(_GRID,),
    in_specs=[
        pl.BlockSpec((_BR, D), lambda i: (i, 0)),
        pl.BlockSpec((D, H), lambda i: (0, 0)),
        pl.BlockSpec((NC, _BR), lambda i: (0, i)),
    ],
    out_specs=[
        pl.BlockSpec((_BR, H), lambda i: (i, 0)),
        pl.BlockSpec((1, _BR), lambda i: (0, i)),
    ],
    out_shape=[
        jax.ShapeDtypeStruct((NP, H), jnp.float32),
        jax.ShapeDtypeStruct((1, NP), jnp.float32),
    ],
)

_tc2 = pl.pallas_call(
    _tc2_body,
    grid=(_GRID,),
    in_specs=[
        pl.BlockSpec((NC, _BR, H), lambda i: (0, i, 0)),
        pl.BlockSpec((1, _BR), lambda i: (0, i)),
        pl.BlockSpec((1, H), lambda i: (0, 0)),
        pl.BlockSpec((H, H), lambda i: (0, 0)),
    ],
    out_specs=pl.BlockSpec((_BR, H), lambda i: (i, 0)),
    out_shape=jax.ShapeDtypeStruct((NP, H), jnp.float32),
)

_tc3 = pl.pallas_call(
    _tc3_body,
    grid=(_GRID,),
    in_specs=[
        pl.BlockSpec((NC, _BR, H), lambda i: (0, i, 0)),
        pl.BlockSpec((1, _BR), lambda i: (0, i)),
        pl.BlockSpec((1, H), lambda i: (0, 0)),
        pl.BlockSpec((H, C), lambda i: (0, 0)),
        pl.BlockSpec((1, C), lambda i: (0, 0)),
    ],
    out_specs=pl.BlockSpec((_BR, C), lambda i: (i, 0)),
    out_shape=jax.ShapeDtypeStruct((N, C), jnp.float32),
)


def kernel(x, edge_index, W1, b1, W2, b2, Wc, bc):
    e4 = edge_index.reshape(2, NW, NB, B)

    degp = _deg_kernel(e4)
    z1, invd = _tc1(x, W1, degp)
    p1 = _agg_kernel(z1, e4)
    z2 = _tc2(p1, invd, b1.reshape(1, H), W2)
    p2 = _agg_kernel(z2, e4)
    return _tc3(p2, invd, b2.reshape(1, H), Wc, bc.reshape(1, C))

# --- scband reference (transcript-rebuilt; emitter-appended) ---
"""Pipeline reference for scband-gnn-52097953300918 (READ-ONLY COPY).

The authoritative reference and input builder live on the scoring server;
editing this copy changes nothing except your own understanding.
"""

import jax, jax.numpy as jnp
import numpy as np

N = 10000
E = 320000
D = 128
H = 128
C = 70

def setup_inputs(seed: int = 0) -> dict:
    key = jax.random.key(seed)
    ks = jax.random.split(key, 9)
    x = jax.random.normal(ks[0], (N, D), dtype=jnp.float32)
    edge_index = jax.random.randint(ks[1], (2, E), 0, N).astype(jnp.int32)
    W1 = jax.random.normal(ks[2], (D, H), dtype=jnp.float32) * (1.0 / np.sqrt(D))
    b1 = jnp.zeros((H,), dtype=jnp.float32)
    W2 = jax.random.normal(ks[3], (H, H), dtype=jnp.float32) * (1.0 / np.sqrt(H))
    b2 = jnp.zeros((H,), dtype=jnp.float32)
    Wc = jax.random.normal(ks[4], (H, C), dtype=jnp.float32) * (1.0 / np.sqrt(H))
    bc = jnp.zeros((C,), dtype=jnp.float32)
    return {"x": x, "edge_index": edge_index, "W1": W1, "b1": b1, "W2": W2, "b2": b2, "Wc": Wc, "bc": bc}

def reference(x, edge_index, W1, b1, W2, b2, Wc, bc):
    # GCN encoder (2 layers, symmetric degree normalization) + linear classifier.
    # Dropout omitted (eval-mode / deterministic reference).
    src = edge_index[0]
    dst = edge_index[1]
    ones = jnp.ones((E,), dtype=jnp.float32)
    deg = jax.ops.segment_sum(ones, dst, num_segments=N) + 1.0
    inv_sqrt_deg = 1.0 / jnp.sqrt(deg)
    norm = inv_sqrt_deg[src] * inv_sqrt_deg[dst]

    def agg(h):
        msg = h[src] * norm[:, None]
        return jax.ops.segment_sum(msg, dst, num_segments=N)

    h = jnp.maximum(agg(x) @ W1 + b1, 0.0)
    h = jnp.maximum(agg(h) @ W2 + b2, 0.0)  # last_activation=True
    logits = h @ Wc + bc
    return logits

if __name__ == "__main__":
    import jax
    _d = setup_inputs()
    print(jax.jit(kernel)(*tuple(_d.values())))

</pallas_src>

<mosaic_0001>
#map = affine_map<(d0, d1) -> (0, 0)>
#map1 = affine_map<(d0, d1) -> (0, 0, 0, 0)>
#map2 = affine_map<(d0, d1) -> (0, 0, 0)>
module attributes {stable_mosaic.version = 14 : i64} {
  func.func @_agg_kernel(%arg0: i32, %arg1: i32, %arg2: memref<10240x128xf32, #tpu.memory_space<hbm>>, %arg3: memref<2x32x80x125xi32, #tpu.memory_space<hbm>>, %arg4: memref<2x10240x128xf32, #tpu.memory_space<hbm>>, %arg5: memref<40x125xi32, #tpu.memory_space<vmem>>, %arg6: memref<40x125xi32, #tpu.memory_space<vmem>>, %arg7: memref<125x128xf32, #tpu.memory_space<vmem>>, %arg8: memref<125x128xf32, #tpu.memory_space<vmem>>, %arg9: memref<10240x128xf32, #tpu.memory_space<vmem_shared>>, %arg10: memref<!tpu.dma_semaphore, #tpu.memory_space<semaphore_mem>>, %arg11: memref<!tpu.dma_semaphore, #tpu.memory_space<semaphore_mem>>) attributes {dimension_semantics = [#tpu.dimension_semantics<core_parallel>, #tpu.dimension_semantics<subcore_parallel>], iteration_bounds = array<i64: 2, 16>, scalar_prefetch = 0 : i64, scratch_operands = 7 : i64, tpu.core_type = #tpu.core_type<sc_vector_subcore>, window_params = [{transform_indices = #map}, {transform_indices = #map1}, {transform_indices = #map2}]} {
    %mul3A = arith.constant 16 : i32
    %mul3A_0 = arith.muli %arg0, %mul3A : i32
    %add3A = arith.addi %mul3A_0, %arg1 : i32
    %scan3A = arith.constant 0 : i32
    %scan3A_1 = arith.constant 0 : i32
    %scan3A_2 = arith.constant 1000 : i32
    %scan3A_3 = arith.addi %scan3A_1, %scan3A_2 : i32
    %scan3A_4 = arith.constant 1 : i32
    scf.for %scan3A_108 = %scan3A_1 to %scan3A_3 step %scan3A_4  : i32 {
      %broadcast_in_dim3A = arith.constant 0.000000e+00 : f32
      %broadcast_in_dim3A_109 = vector.broadcast %broadcast_in_dim3A : f32 to vector<16xf32>
      %jit3A = arith.constant 8 : i32
      %div3A = arith.divsi %scan3A_108, %jit3A : i32
      %sign3A = arith.constant 0 : i32
      %sign3A_110 = arith.cmpi sgt, %scan3A_108, %sign3A : i32
      %sign3A_111 = arith.extui %sign3A_110 : i1 to i32
      %sign3A_112 = arith.constant 0 : i32
      %sign3A_113 = arith.cmpi slt, %scan3A_108, %sign3A_112 : i32
      %sign3A_114 = arith.extui %sign3A_113 : i1 to i32
      %sign3A_115 = arith.subi %sign3A_111, %sign3A_114 : i32
      %sign3A_116 = arith.constant 0 : i32
      %sign3A_117 = arith.cmpi sgt, %jit3A, %sign3A_116 : i32
      %sign3A_118 = arith.extui %sign3A_117 : i1 to i32
      %sign3A_119 = arith.constant 0 : i32
      %sign3A_120 = arith.cmpi slt, %jit3A, %sign3A_119 : i32
      %sign3A_121 = arith.extui %sign3A_120 : i1 to i32
      %sign3A_122 = arith.subi %sign3A_118, %sign3A_121 : i32
      %ne3A = arith.cmpi ne, %sign3A_115, %sign3A_122 : i32
      %rem3A = arith.remsi %scan3A_108, %jit3A : i32
      %ne3A_123 = arith.constant 0 : i32
      %ne3A_124 = arith.cmpi ne, %rem3A, %ne3A_123 : i32
      %and3A = arith.andi %ne3A, %ne3A_124 : i1
      %sub3A = arith.constant 1 : i32
      %sub3A_125 = arith.subi %div3A, %sub3A : i32
      %select_n3A = arith.select %and3A, %sub3A_125, %div3A : i32
      %jit3A_126 = arith.constant 8 : i32
      %eq3A = arith.constant 0 : i32
      %eq3A_127 = arith.cmpi eq, %jit3A_126, %eq3A : i32
      %jit3A_128 = arith.constant 1 : i32
      %select_n3A_129 = arith.select %eq3A_127, %jit3A_128, %jit3A_126 : i32
      %rem3A_130 = arith.remsi %scan3A_108, %select_n3A_129 : i32
      %ne3A_131 = arith.constant 0 : i32
      %ne3A_132 = arith.cmpi ne, %rem3A_130, %ne3A_131 : i32
      %lt3A = arith.constant 0 : i32
      %lt3A_133 = arith.cmpi slt, %rem3A_130, %lt3A : i32
      %lt3A_134 = arith.constant 0 : i32
      %lt3A_135 = arith.cmpi slt, %select_n3A_129, %lt3A_134 : i32
      %ne3A_136 = arith.xori %lt3A_133, %lt3A_135 : i1
      %and3A_137 = arith.andi %ne3A_136, %ne3A_132 : i1
      %add3A_138 = arith.addi %rem3A_130, %select_n3A_129 : i32
      %select_n3A_139 = arith.select %and3A_137, %add3A_138, %rem3A_130 : i32
      %mul3A_140 = arith.constant 16 : i32
      %mul3A_141 = arith.muli %select_n3A_139, %mul3A_140 : i32
      %swap3A = arith.index_cast %select_n3A : i32 to index
      %swap3A_142 = arith.index_cast %mul3A_141 : i32 to index
      %swap3A_143 = tpu.vector_load %arg7[%swap3A, %swap3A_142] {strides = array<i32>} : memref<125x128xf32, #tpu.memory_space<vmem>>, vector<1x16xf32>,
      %swap3A_144 = vector.shape_cast %swap3A_143 : vector<1x16xf32> to vector<16xf32>
      %swap3A_145 = vector.shape_cast %broadcast_in_dim3A_109 : vector<16xf32> to vector<1x16xf32>
      tpu.vector_store %arg7[%swap3A, %swap3A_142], %swap3A_145 {strides = array<i32>} : memref<125x128xf32, #tpu.memory_space<vmem>>, vector<1x16xf32>,
    }
    %scan3A_5 = arith.constant 1000 : i32
    %mul3A_6 = arith.constant 640 : i32
    %mul3A_7 = arith.muli %arg1, %mul3A_6 : i32
    %add3A_8 = arith.constant 0 : i32
    %add3A_9 = arith.addi %mul3A_7, %add3A_8 : i32
    "tpu.region"() ({
      %run_scoped3A_108 = tpu.sem_alloc : memref<!tpu.dma_semaphore, #tpu.memory_space<semaphore_mem>>
      %dma_start3A_109 = arith.constant 0 : i32
      %dma_start3A_110 = tpu.memref_slice %arg9[%add3A_9, %dma_start3A_109] : memref<10240x128xf32, #tpu.memory_space<vmem_shared>> -> memref<125x128xf32, #tpu.memory_space<vmem_shared>>
      %dma_start3A_111 = arith.constant 0 : i32
      %dma_start3A_112 = tpu.memref_slice %arg9[%add3A_9, %dma_start3A_111] : memref<10240x128xf32, #tpu.memory_space<vmem_shared>> -> memref<125x128xf32, #tpu.memory_space<vmem_shared>>
      tpu.enqueue_dma source(%arg7 : memref<125x128xf32, #tpu.memory_space<vmem>>) target(%dma_start3A_112 : memref<125x128xf32, #tpu.memory_space<vmem_shared>>) target_semaphore(%run_scoped3A_108 : memref<!tpu.dma_semaphore, #tpu.memory_space<semaphore_mem>>)
      %dma_wait3A_113 = arith.constant 0 : i32
      %dma_wait3A_114 = tpu.memref_slice %arg9[%add3A_9, %dma_wait3A_113] : memref<10240x128xf32, #tpu.memory_space<vmem_shared>> -> memref<125x128xf32, #tpu.memory_space<vmem_shared>>
      %dma_wait3A_115 = arith.constant 0 : i32
      %dma_wait3A_116 = tpu.memref_slice %arg9[%add3A_9, %dma_wait3A_115] : memref<10240x128xf32, #tpu.memory_space<vmem_shared>> -> memref<125x128xf32, #tpu.memory_space<vmem_shared>>
      tpu.wait_dma2 semaphore(%run_scoped3A_108 : memref<!tpu.dma_semaphore, #tpu.memory_space<semaphore_mem>>) src(%arg7 : memref<125x128xf32, #tpu.memory_space<vmem>>) dst(%dma_wait3A_116 : memref<125x128xf32, #tpu.memory_space<vmem_shared>>)
      tpu.yield
    }) : () -> ()
    %mul3A_10 = arith.constant 640 : i32
    %mul3A_11 = arith.muli %arg1, %mul3A_10 : i32
    %add3A_12 = arith.constant 125 : i32
    %add3A_13 = arith.addi %mul3A_11, %add3A_12 : i32
    "tpu.region"() ({
      %run_scoped3A_108 = tpu.sem_alloc : memref<!tpu.dma_semaphore, #tpu.memory_space<semaphore_mem>>
      %dma_start3A_109 = arith.constant 0 : i32
      %dma_start3A_110 = tpu.memref_slice %arg9[%add3A_13, %dma_start3A_109] : memref<10240x128xf32, #tpu.memory_space<vmem_shared>> -> memref<125x128xf32, #tpu.memory_space<vmem_shared>>
      %dma_start3A_111 = arith.constant 0 : i32
      %dma_start3A_112 = tpu.memref_slice %arg9[%add3A_13, %dma_start3A_111] : memref<10240x128xf32, #tpu.memory_space<vmem_shared>> -> memref<125x128xf32, #tpu.memory_space<vmem_shared>>
      tpu.enqueue_dma source(%arg7 : memref<125x128xf32, #tpu.memory_space<vmem>>) target(%dma_start3A_112 : memref<125x128xf32, #tpu.memory_space<vmem_shared>>) target_semaphore(%run_scoped3A_108 : memref<!tpu.dma_semaphore, #tpu.memory_space<semaphore_mem>>)
      %dma_wait3A_113 = arith.constant 0 : i32
      %dma_wait3A_114 = tpu.memref_slice %arg9[%add3A_13, %dma_wait3A_113] : memref<10240x128xf32, #tpu.memory_space<vmem_shared>> -> memref<125x128xf32, #tpu.memory_space<vmem_shared>>
      %dma_wait3A_115 = arith.constant 0 : i32
      %dma_wait3A_116 = tpu.memref_slice %arg9[%add3A_13, %dma_wait3A_115] : memref<10240x128xf32, #tpu.memory_space<vmem_shared>> -> memref<125x128xf32, #tpu.memory_space<vmem_shared>>
      tpu.wait_dma2 semaphore(%run_scoped3A_108 : memref<!tpu.dma_semaphore, #tpu.memory_space<semaphore_mem>>) src(%arg7 : memref<125x128xf32, #tpu.memory_space<vmem>>) dst(%dma_wait3A_116 : memref<125x128xf32, #tpu.memory_space<vmem_shared>>)
      tpu.yield
    }) : () -> ()
    %mul3A_14 = arith.constant 640 : i32
    %mul3A_15 = arith.muli %arg1, %mul3A_14 : i32
    %add3A_16 = arith.constant 250 : i32
    %add3A_17 = arith.addi %mul3A_15, %add3A_16 : i32
    "tpu.region"() ({
      %run_scoped3A_108 = tpu.sem_alloc : memref<!tpu.dma_semaphore, #tpu.memory_space<semaphore_mem>>
      %dma_start3A_109 = arith.constant 0 : i32
      %dma_start3A_110 = tpu.memref_slice %arg9[%add3A_17, %dma_start3A_109] : memref<10240x128xf32, #tpu.memory_space<vmem_shared>> -> memref<125x128xf32, #tpu.memory_space<vmem_shared>>
      %dma_start3A_111 = arith.constant 0 : i32
      %dma_start3A_112 = tpu.memref_slice %arg9[%add3A_17, %dma_start3A_111] : memref<10240x128xf32, #tpu.memory_space<vmem_shared>> -> memref<125x128xf32, #tpu.memory_space<vmem_shared>>
      tpu.enqueue_dma source(%arg7 : memref<125x128xf32, #tpu.memory_space<vmem>>) target(%dma_start3A_112 : memref<125x128xf32, #tpu.memory_space<vmem_shared>>) target_semaphore(%run_scoped3A_108 : memref<!tpu.dma_semaphore, #tpu.memory_space<semaphore_mem>>)
      %dma_wait3A_113 = arith.constant 0 : i32
      %dma_wait3A_114 = tpu.memref_slice %arg9[%add3A_17, %dma_wait3A_113] : memref<10240x128xf32, #tpu.memory_space<vmem_shared>> -> memref<125x128xf32, #tpu.memory_space<vmem_shared>>
      %dma_wait3A_115 = arith.constant 0 : i32
      %dma_wait3A_116 = tpu.memref_slice %arg9[%add3A_17, %dma_wait3A_115] : memref<10240x128xf32, #tpu.memory_space<vmem_shared>> -> memref<125x128xf32, #tpu.memory_space<vmem_shared>>
      tpu.wait_dma2 semaphore(%run_scoped3A_108 : memref<!tpu.dma_semaphore, #tpu.memory_space<semaphore_mem>>) src(%arg7 : memref<125x128xf32, #tpu.memory_space<vmem>>) dst(%dma_wait3A_116 : memref<125x128xf32, #tpu.memory_space<vmem_shared>>)
      tpu.yield
    }) : () -> ()
    %mul3A_18 = arith.constant 640 : i32
    %mul3A_19 = arith.muli %arg1, %mul3A_18 : i32
    %add3A_20 = arith.constant 375 : i32
    %add3A_21 = arith.addi %mul3A_19, %add3A_20 : i32
    "tpu.region"() ({
      %run_scoped3A_108 = tpu.sem_alloc : memref<!tpu.dma_semaphore, #tpu.memory_space<semaphore_mem>>
      %dma_start3A_109 = arith.constant 0 : i32
      %dma_start3A_110 = tpu.memref_slice %arg9[%add3A_21, %dma_start3A_109] : memref<10240x128xf32, #tpu.memory_space<vmem_shared>> -> memref<125x128xf32, #tpu.memory_space<vmem_shared>>
      %dma_start3A_111 = arith.constant 0 : i32
      %dma_start3A_112 = tpu.memref_slice %arg9[%add3A_21, %dma_start3A_111] : memref<10240x128xf32, #tpu.memory_space<vmem_shared>> -> memref<125x128xf32, #tpu.memory_space<vmem_shared>>
      tpu.enqueue_dma source(%arg7 : memref<125x128xf32, #tpu.memory_space<vmem>>) target(%dma_start3A_112 : memref<125x128xf32, #tpu.memory_space<vmem_shared>>) target_semaphore(%run_scoped3A_108 : memref<!tpu.dma_semaphore, #tpu.memory_space<semaphore_mem>>)
      %dma_wait3A_113 = arith.constant 0 : i32
      %dma_wait3A_114 = tpu.memref_slice %arg9[%add3A_21, %dma_wait3A_113] : memref<10240x128xf32, #tpu.memory_space<vmem_shared>> -> memref<125x128xf32, #tpu.memory_space<vmem_shared>>
      %dma_wait3A_115 = arith.constant 0 : i32
      %dma_wait3A_116 = tpu.memref_slice %arg9[%add3A_21, %dma_wait3A_115] : memref<10240x128xf32, #tpu.memory_space<vmem_shared>> -> memref<125x128xf32, #tpu.memory_space<vmem_shared>>
      tpu.wait_dma2 semaphore(%run_scoped3A_108 : memref<!tpu.dma_semaphore, #tpu.memory_space<semaphore_mem>>) src(%arg7 : memref<125x128xf32, #tpu.memory_space<vmem>>) dst(%dma_wait3A_116 : memref<125x128xf32, #tpu.memory_space<vmem_shared>>)
      tpu.yield
    }) : () -> ()
    %mul3A_22 = arith.constant 640 : i32
    %mul3A_23 = arith.muli %arg1, %mul3A_22 : i32
    %add3A_24 = arith.constant 500 : i32
    %add3A_25 = arith.addi %mul3A_23, %add3A_24 : i32
    "tpu.region"() ({
      %run_scoped3A_108 = tpu.sem_alloc : memref<!tpu.dma_semaphore, #tpu.memory_space<semaphore_mem>>
      %dma_start3A_109 = arith.constant 0 : i32
      %dma_start3A_110 = tpu.memref_slice %arg9[%add3A_25, %dma_start3A_109] : memref<10240x128xf32, #tpu.memory_space<vmem_shared>> -> memref<125x128xf32, #tpu.memory_space<vmem_shared>>
      %dma_start3A_111 = arith.constant 0 : i32
      %dma_start3A_112 = tpu.memref_slice %arg9[%add3A_25, %dma_start3A_111] : memref<10240x128xf32, #tpu.memory_space<vmem_shared>> -> memref<125x128xf32, #tpu.memory_space<vmem_shared>>
      tpu.enqueue_dma source(%arg7 : memref<125x128xf32, #tpu.memory_space<vmem>>) target(%dma_start3A_112 : memref<125x128xf32, #tpu.memory_space<vmem_shared>>) target_semaphore(%run_scoped3A_108 : memref<!tpu.dma_semaphore, #tpu.memory_space<semaphore_mem>>)
      %dma_wait3A_113 = arith.constant 0 : i32
      %dma_wait3A_114 = tpu.memref_slice %arg9[%add3A_25, %dma_wait3A_113] : memref<10240x128xf32, #tpu.memory_space<vmem_shared>> -> memref<125x128xf32, #tpu.memory_space<vmem_shared>>
      %dma_wait3A_115 = arith.constant 0 : i32
      %dma_wait3A_116 = tpu.memref_slice %arg9[%add3A_25, %dma_wait3A_115] : memref<10240x128xf32, #tpu.memory_space<vmem_shared>> -> memref<125x128xf32, #tpu.memory_space<vmem_shared>>
      tpu.wait_dma2 semaphore(%run_scoped3A_108 : memref<!tpu.dma_semaphore, #tpu.memory_space<semaphore_mem>>) src(%arg7 : memref<125x128xf32, #tpu.memory_space<vmem>>) dst(%dma_wait3A_116 : memref<125x128xf32, #tpu.memory_space<vmem_shared>>)
      tpu.yield
    }) : () -> ()
    %mul3A_26 = arith.constant 640 : i32
    %mul3A_27 = arith.muli %arg1, %mul3A_26 : i32
    %add3A_28 = arith.constant 625 : i32
    %add3A_29 = arith.addi %mul3A_27, %add3A_28 : i32
    "tpu.region"() ({
      %run_scoped3A_108 = tpu.sem_alloc : memref<!tpu.dma_semaphore, #tpu.memory_space<semaphore_mem>>
      %dma_start3A_109 = arith.constant 0 : i32
      %dma_start3A_110 = arith.constant 0 : i32
      %dma_start3A_111 = tpu.memref_slice %arg7[%dma_start3A_109, %dma_start3A_110] : memref<125x128xf32, #tpu.memory_space<vmem>> -> memref<15x128xf32, #tpu.memory_space<vmem>>
      %dma_start3A_112 = arith.constant 0 : i32
      %dma_start3A_113 = tpu.memref_slice %arg9[%add3A_29, %dma_start3A_112] : memref<10240x128xf32, #tpu.memory_space<vmem_shared>> -> memref<15x128xf32, #tpu.memory_space<vmem_shared>>
      %dma_start3A_114 = arith.constant 0 : i32
      %dma_start3A_115 = tpu.memref_slice %arg9[%add3A_29, %dma_start3A_114] : memref<10240x128xf32, #tpu.memory_space<vmem_shared>> -> memref<15x128xf32, #tpu.memory_space<vmem_shared>>
      %dma_start3A_116 = arith.constant 0 : i32
      %dma_start3A_117 = arith.constant 0 : i32
      %dma_start3A_118 = tpu.memref_slice %arg7[%dma_start3A_116, %dma_start3A_117] : memref<125x128xf32, #tpu.memory_space<vmem>> -> memref<15x128xf32, #tpu.memory_space<vmem>>
      tpu.enqueue_dma source(%dma_start3A_118 : memref<15x128xf32, #tpu.memory_space<vmem>>) target(%dma_start3A_115 : memref<15x128xf32, #tpu.memory_space<vmem_shared>>) target_semaphore(%run_scoped3A_108 : memref<!tpu.dma_semaphore, #tpu.memory_space<semaphore_mem>>)
      %dma_wait3A_119 = arith.constant 0 : i32
      %dma_wait3A_120 = arith.constant 0 : i32
      %dma_wait3A_121 = tpu.memref_slice %arg7[%dma_wait3A_119, %dma_wait3A_120] : memref<125x128xf32, #tpu.memory_space<vmem>> -> memref<15x128xf32, #tpu.memory_space<vmem>>
      %dma_wait3A_122 = arith.constant 0 : i32
      %dma_wait3A_123 = tpu.memref_slice %arg9[%add3A_29, %dma_wait3A_122] : memref<10240x128xf32, #tpu.memory_space<vmem_shared>> -> memref<15x128xf32, #tpu.memory_space<vmem_shared>>
      %dma_wait3A_124 = arith.constant 0 : i32
      %dma_wait3A_125 = tpu.memref_slice %arg9[%add3A_29, %dma_wait3A_124] : memref<10240x128xf32, #tpu.memory_space<vmem_shared>> -> memref<15x128xf32, #tpu.memory_space<vmem_shared>>
      %dma_wait3A_126 = arith.constant 0 : i32
      %dma_wait3A_127 = arith.constant 0 : i32
      %dma_wait3A_128 = tpu.memref_slice %arg7[%dma_wait3A_126, %dma_wait3A_127] : memref<125x128xf32, #tpu.memory_space<vmem>> -> memref<15x128xf32, #tpu.memory_space<vmem>>
      tpu.wait_dma2 semaphore(%run_scoped3A_108 : memref<!tpu.dma_semaphore, #tpu.memory_space<semaphore_mem>>) src(%dma_wait3A_128 : memref<15x128xf32, #tpu.memory_space<vmem>>) dst(%dma_wait3A_125 : memref<15x128xf32, #tpu.memory_space<vmem_shared>>)
      tpu.yield
    }) : () -> ()
    %run_scoped3A = arith.constant 0 : i32
    "tpu.region"() ({
      %run_scoped3A_108 = tpu.sem_alloc : memref<!tpu.dma_semaphore, #tpu.memory_space<semaphore_mem>>
      %dma_start3A_109 = arith.constant 0 : i32
      %dma_start3A_110 = arith.constant 0 : i32
      %dma_start3A_111 = arith.constant 0 : i32
      %dma_start3A_112 = tpu.memref_slice %arg3[%run_scoped3A, %dma_start3A_109, %dma_start3A_110, %dma_start3A_111] : memref<2x32x80x125xi32, #tpu.memory_space<hbm>> -> memref<1x32x80x125xi32, #tpu.memory_space<hbm>>
      %dma_start3A_113 = tpu.memref_squeeze %dma_start3A_112 : memref<1x32x80x125xi32, #tpu.memory_space<hbm>> -> memref<32x80x125xi32, #tpu.memory_space<hbm>>
      %dma_start3A_114 = arith.constant 0 : i32
      %dma_start3A_115 = arith.constant 0 : i32
      %dma_start3A_116 = tpu.memref_slice %dma_start3A_113[%add3A, %dma_start3A_114, %dma_start3A_115] : memref<32x80x125xi32, #tpu.memory_space<hbm>> -> memref<1x80x125xi32, #tpu.memory_space<hbm>>
      %dma_start3A_117 = tpu.memref_squeeze %dma_start3A_116 : memref<1x80x125xi32, #tpu.memory_space<hbm>> -> memref<80x125xi32, #tpu.memory_space<hbm>>
      %dma_start3A_118 = arith.constant 0 : i32
      %dma_start3A_119 = arith.constant 0 : i32
      %dma_start3A_120 = tpu.memref_slice %dma_start3A_117[%dma_start3A_118, %dma_start3A_119] : memref<80x125xi32, #tpu.memory_space<hbm>> -> memref<40x125xi32, #tpu.memory_space<hbm>>
      %dma_start3A_121 = arith.constant 0 : i32
      %dma_start3A_122 = arith.constant 0 : i32
      %dma_start3A_123 = arith.constant 0 : i32
      %dma_start3A_124 = tpu.memref_slice %arg3[%run_scoped3A, %dma_start3A_121, %dma_start3A_122, %dma_start3A_123] : memref<2x32x80x125xi32, #tpu.memory_space<hbm>> -> memref<1x32x80x125xi32, #tpu.memory_space<hbm>>
      %dma_start3A_125 = tpu.memref_squeeze %dma_start3A_124 : memref<1x32x80x125xi32, #tpu.memory_space<hbm>> -> memref<32x80x125xi32, #tpu.memory_space<hbm>>
      %dma_start3A_126 = arith.constant 0 : i32
      %dma_start3A_127 = arith.constant 0 : i32
      %dma_start3A_128 = tpu.memref_slice %dma_start3A_125[%add3A, %dma_start3A_126, %dma_start3A_127] : memref<32x80x125xi32, #tpu.memory_space<hbm>> -> memref<1x80x125xi32, #tpu.memory_space<hbm>>
      %dma_start3A_129 = tpu.memref_squeeze %dma_start3A_128 : memref<1x80x125xi32, #tpu.memory_space<hbm>> -> memref<80x125xi32, #tpu.memory_space<hbm>>
      %dma_start3A_130 = arith.constant 0 : i32
      %dma_start3A_131 = arith.constant 0 : i32
      %dma_start3A_132 = tpu.memref_slice %dma_start3A_129[%dma_start3A_130, %dma_start3A_131] : memref<80x125xi32, #tpu.memory_space<hbm>> -> memref<40x125xi32, #tpu.memory_space<hbm>>
      tpu.enqueue_dma source(%dma_start3A_132 : memref<40x125xi32, #tpu.memory_space<hbm>>) target(%arg5 : memref<40x125xi32, #tpu.memory_space<vmem>>) target_semaphore(%run_scoped3A_108 : memref<!tpu.dma_semaphore, #tpu.memory_space<semaphore_mem>>)
      %dma_wait3A_133 = arith.constant 0 : i32
      %dma_wait3A_134 = arith.constant 0 : i32
      %dma_wait3A_135 = arith.constant 0 : i32
      %dma_wait3A_136 = tpu.memref_slice %arg3[%run_scoped3A, %dma_wait3A_133, %dma_wait3A_134, %dma_wait3A_135] : memref<2x32x80x125xi32, #tpu.memory_space<hbm>> -> memref<1x32x80x125xi32, #tpu.memory_space<hbm>>
      %dma_wait3A_137 = tpu.memref_squeeze %dma_wait3A_136 : memref<1x32x80x125xi32, #tpu.memory_space<hbm>> -> memref<32x80x125xi32, #tpu.memory_space<hbm>>
      %dma_wait3A_138 = arith.constant 0 : i32
      %dma_wait3A_139 = arith.constant 0 : i32
      %dma_wait3A_140 = tpu.memref_slice %dma_wait3A_137[%add3A, %dma_wait3A_138, %dma_wait3A_139] : memref<32x80x125xi32, #tpu.memory_space<hbm>> -> memref<1x80x125xi32, #tpu.memory_space<hbm>>
      %dma_wait3A_141 = tpu.memref_squeeze %dma_wait3A_140 : memref<1x80x125xi32, #tpu.memory_space<hbm>> -> memref<80x125xi32, #tpu.memory_space<hbm>>
      %dma_wait3A_142 = arith.constant 0 : i32
      %dma_wait3A_143 = arith.constant 0 : i32
      %dma_wait3A_144 = tpu.memref_slice %dma_wait3A_141[%dma_wait3A_142, %dma_wait3A_143] : memref<80x125xi32, #tpu.memory_space<hbm>> -> memref<40x125xi32, #tpu.memory_space<hbm>>
      %dma_wait3A_145 = arith.constant 0 : i32
      %dma_wait3A_146 = arith.constant 0 : i32
      %dma_wait3A_147 = arith.constant 0 : i32
      %dma_wait3A_148 = tpu.memref_slice %arg3[%run_scoped3A, %dma_wait3A_145, %dma_wait3A_146, %dma_wait3A_147] : memref<2x32x80x125xi32, #tpu.memory_space<hbm>> -> memref<1x32x80x125xi32, #tpu.memory_space<hbm>>
      %dma_wait3A_149 = tpu.memref_squeeze %dma_wait3A_148 : memref<1x32x80x125xi32, #tpu.memory_space<hbm>> -> memref<32x80x125xi32, #tpu.memory_space<hbm>>
      %dma_wait3A_150 = arith.constant 0 : i32
      %dma_wait3A_151 = arith.constant 0 : i32
      %dma_wait3A_152 = tpu.memref_slice %dma_wait3A_149[%add3A, %dma_wait3A_150, %dma_wait3A_151] : memref<32x80x125xi32, #tpu.memory_space<hbm>> -> memref<1x80x125xi32, #tpu.memory_space<hbm>>
      %dma_wait3A_153 = tpu.memref_squeeze %dma_wait3A_152 : memref<1x80x125xi32, #tpu.memory_space<hbm>> -> memref<80x125xi32, #tpu.memory_space<hbm>>
      %dma_wait3A_154 = arith.constant 0 : i32
      %dma_wait3A_155 = arith.constant 0 : i32
      %dma_wait3A_156 = tpu.memref_slice %dma_wait3A_153[%dma_wait3A_154, %dma_wait3A_155] : memref<80x125xi32, #tpu.memory_space<hbm>> -> memref<40x125xi32, #tpu.memory_space<hbm>>
      tpu.wait_dma2 semaphore(%run_scoped3A_108 : memref<!tpu.dma_semaphore, #tpu.memory_space<semaphore_mem>>) src(%dma_wait3A_156 : memref<40x125xi32, #tpu.memory_space<hbm>>) dst(%arg5 : memref<40x125xi32, #tpu.memory_space<vmem>>)
      tpu.yield
    }) : () -> ()
    %run_scoped3A_30 = arith.constant 1 : i32
    "tpu.region"() ({
      %run_scoped3A_108 = tpu.sem_alloc : memref<!tpu.dma_semaphore, #tpu.memory_space<semaphore_mem>>
      %dma_start3A_109 = arith.constant 0 : i32
      %dma_start3A_110 = arith.constant 0 : i32
      %dma_start3A_111 = arith.constant 0 : i32
      %dma_start3A_112 = tpu.memref_slice %arg3[%run_scoped3A_30, %dma_start3A_109, %dma_start3A_110, %dma_start3A_111] : memref<2x32x80x125xi32, #tpu.memory_space<hbm>> -> memref<1x32x80x125xi32, #tpu.memory_space<hbm>>
      %dma_start3A_113 = tpu.memref_squeeze %dma_start3A_112 : memref<1x32x80x125xi32, #tpu.memory_space<hbm>> -> memref<32x80x125xi32, #tpu.memory_space<hbm>>
      %dma_start3A_114 = arith.constant 0 : i32
      %dma_start3A_115 = arith.constant 0 : i32
      %dma_start3A_116 = tpu.memref_slice %dma_start3A_113[%add3A, %dma_start3A_114, %dma_start3A_115] : memref<32x80x125xi32, #tpu.memory_space<hbm>> -> memref<1x80x125xi32, #tpu.memory_space<hbm>>
      %dma_start3A_117 = tpu.memref_squeeze %dma_start3A_116 : memref<1x80x125xi32, #tpu.memory_space<hbm>> -> memref<80x125xi32, #tpu.memory_space<hbm>>
      %dma_start3A_118 = arith.constant 0 : i32
      %dma_start3A_119 = arith.constant 0 : i32
      %dma_start3A_120 = tpu.memref_slice %dma_start3A_117[%dma_start3A_118, %dma_start3A_119] : memref<80x125xi32, #tpu.memory_space<hbm>> -> memref<40x125xi32, #tpu.memory_space<hbm>>
      %dma_start3A_121 = arith.constant 0 : i32
      %dma_start3A_122 = arith.constant 0 : i32
      %dma_start3A_123 = arith.constant 0 : i32
      %dma_start3A_124 = tpu.memref_slice %arg3[%run_scoped3A_30, %dma_start3A_121, %dma_start3A_122, %dma_start3A_123] : memref<2x32x80x125xi32, #tpu.memory_space<hbm>> -> memref<1x32x80x125xi32, #tpu.memory_space<hbm>>
      %dma_start3A_125 = tpu.memref_squeeze %dma_start3A_124 : memref<1x32x80x125xi32, #tpu.memory_space<hbm>> -> memref<32x80x125xi32, #tpu.memory_space<hbm>>
      %dma_start3A_126 = arith.constant 0 : i32
      %dma_start3A_127 = arith.constant 0 : i32
      %dma_start3A_128 = tpu.memref_slice %dma_start3A_125[%add3A, %dma_start3A_126, %dma_start3A_127] : memref<32x80x125xi32, #tpu.memory_space<hbm>> -> memref<1x80x125xi32, #tpu.memory_space<hbm>>
      %dma_start3A_129 = tpu.memref_squeeze %dma_start3A_128 : memref<1x80x125xi32, #tpu.memory_space<hbm>> -> memref<80x125xi32, #tpu.memory_space<hbm>>
      %dma_start3A_130 = arith.constant 0 : i32
      %dma_start3A_131 = arith.constant 0 : i32
      %dma_start3A_132 = tpu.memref_slice %dma_start3A_129[%dma_start3A_130, %dma_start3A_131] : memref<80x125xi32, #tpu.memory_space<hbm>> -> memref<40x125xi32, #tpu.memory_space<hbm>>
      tpu.enqueue_dma source(%dma_start3A_132 : memref<40x125xi32, #tpu.memory_space<hbm>>) target(%arg6 : memref<40x125xi32, #tpu.memory_space<vmem>>) target_semaphore(%run_scoped3A_108 : memref<!tpu.dma_semaphore, #tpu.memory_space<semaphore_mem>>)
      %dma_wait3A_133 = arith.constant 0 : i32
      %dma_wait3A_134 = arith.constant 0 : i32
      %dma_wait3A_135 = arith.constant 0 : i32
      %dma_wait3A_136 = tpu.memref_slice %arg3[%run_scoped3A_30, %dma_wait3A_133, %dma_wait3A_134, %dma_wait3A_135] : memref<2x32x80x125xi32, #tpu.memory_space<hbm>> -> memref<1x32x80x125xi32, #tpu.memory_space<hbm>>
      %dma_wait3A_137 = tpu.memref_squeeze %dma_wait3A_136 : memref<1x32x80x125xi32, #tpu.memory_space<hbm>> -> memref<32x80x125xi32, #tpu.memory_space<hbm>>
      %dma_wait3A_138 = arith.constant 0 : i32
      %dma_wait3A_139 = arith.constant 0 : i32
      %dma_wait3A_140 = tpu.memref_slice %dma_wait3A_137[%add3A, %dma_wait3A_138, %dma_wait3A_139] : memref<32x80x125xi32, #tpu.memory_space<hbm>> -> memref<1x80x125xi32, #tpu.memory_space<hbm>>
      %dma_wait3A_141 = tpu.memref_squeeze %dma_wait3A_140 : memref<1x80x125xi32, #tpu.memory_space<hbm>> -> memref<80x125xi32, #tpu.memory_space<hbm>>
      %dma_wait3A_142 = arith.constant 0 : i32
      %dma_wait3A_143 = arith.constant 0 : i32
      %dma_wait3A_144 = tpu.memref_slice %dma_wait3A_141[%dma_wait3A_142, %dma_wait3A_143] : memref<80x125xi32, #tpu.memory_space<hbm>> -> memref<40x125xi32, #tpu.memory_space<hbm>>
      %dma_wait3A_145 = arith.constant 0 : i32
      %dma_wait3A_146 = arith.constant 0 : i32
      %dma_wait3A_147 = arith.constant 0 : i32
      %dma_wait3A_148 = tpu.memref_slice %arg3[%run_scoped3A_30, %dma_wait3A_145, %dma_wait3A_146, %dma_wait3A_147] : memref<2x32x80x125xi32, #tpu.memory_space<hbm>> -> memref<1x32x80x125xi32, #tpu.memory_space<hbm>>
      %dma_wait3A_149 = tpu.memref_squeeze %dma_wait3A_148 : memref<1x32x80x125xi32, #tpu.memory_space<hbm>> -> memref<32x80x125xi32, #tpu.memory_space<hbm>>
      %dma_wait3A_150 = arith.constant 0 : i32
      %dma_wait3A_151 = arith.constant 0 : i32
      %dma_wait3A_152 = tpu.memref_slice %dma_wait3A_149[%add3A, %dma_wait3A_150, %dma_wait3A_151] : memref<32x80x125xi32, #tpu.memory_space<hbm>> -> memref<1x80x125xi32, #tpu.memory_space<hbm>>
      %dma_wait3A_153 = tpu.memref_squeeze %dma_wait3A_152 : memref<1x80x125xi32, #tpu.memory_space<hbm>> -> memref<80x125xi32, #tpu.memory_space<hbm>>
      %dma_wait3A_154 = arith.constant 0 : i32
      %dma_wait3A_155 = arith.constant 0 : i32
      %dma_wait3A_156 = tpu.memref_slice %dma_wait3A_153[%dma_wait3A_154, %dma_wait3A_155] : memref<80x125xi32, #tpu.memory_space<hbm>> -> memref<40x125xi32, #tpu.memory_space<hbm>>
      tpu.wait_dma2 semaphore(%run_scoped3A_108 : memref<!tpu.dma_semaphore, #tpu.memory_space<semaphore_mem>>) src(%dma_wait3A_156 : memref<40x125xi32, #tpu.memory_space<hbm>>) dst(%arg6 : memref<40x125xi32, #tpu.memory_space<vmem>>)
      tpu.yield
    }) : () -> ()
    %barrier3A = arith.constant 0 : index
    tpu.barrier barrier_id(%barrier3A)
    %dma_start3A = arith.constant 0 : i32
    %dma_start3A_31 = arith.constant 0 : i32
    %dma_start3A_32 = tpu.memref_slice %arg5[%dma_start3A, %dma_start3A_31] : memref<40x125xi32, #tpu.memory_space<vmem>> -> memref<1x125xi32, #tpu.memory_space<vmem>>
    %dma_start3A_33 = tpu.memref_squeeze %dma_start3A_32 : memref<1x125xi32, #tpu.memory_space<vmem>> -> memref<125xi32, #tpu.memory_space<vmem>>
    %dma_start3A_34 = arith.constant 0 : i32
    %dma_start3A_35 = arith.constant 0 : i32
    %dma_start3A_36 = tpu.memref_slice %arg2[%dma_start3A_34, %dma_start3A_35] : memref<10240x128xf32, #tpu.memory_space<hbm>> -> memref<10240x128xf32, #tpu.memory_space<hbm>>
    tpu.enqueue_indirect_dma source(%dma_start3A_36 : memref<10240x128xf32, #tpu.memory_space<hbm>>) target(%arg7 : memref<125x128xf32, #tpu.memory_space<vmem>>) offsets(%dma_start3A_33 : memref<125xi32, #tpu.memory_space<vmem>>) semaphore(%arg10 : memref<!tpu.dma_semaphore, #tpu.memory_space<semaphore_mem>>)
    %scan3A_37 = arith.constant 0 : i32
    %scan3A_38 = arith.constant 0 : i32
    %scan3A_39 = arith.constant 19 : i32
    %scan3A_40 = arith.addi %scan3A_38, %scan3A_39 : i32
    %scan3A_41 = arith.constant 1 : i32
    scf.for %scan3A_108 = %scan3A_38 to %scan3A_40 step %scan3A_41  : i32 {
      %mul3A_109 = arith.constant 2 : i32
      %mul3A_110 = arith.muli %scan3A_108, %mul3A_109 : i32
      %add3A_111 = arith.constant 1 : i32
      %add3A_112 = arith.addi %mul3A_110, %add3A_111 : i32
      %dma_start3A_113 = arith.constant 0 : i32
      %dma_start3A_114 = tpu.memref_slice %arg5[%add3A_112, %dma_start3A_113] : memref<40x125xi32, #tpu.memory_space<vmem>> -> memref<1x125xi32, #tpu.memory_space<vmem>>
      %dma_start3A_115 = tpu.memref_squeeze %dma_start3A_114 : memref<1x125xi32, #tpu.memory_space<vmem>> -> memref<125xi32, #tpu.memory_space<vmem>>
      %dma_start3A_116 = arith.constant 0 : i32
      %dma_start3A_117 = arith.constant 0 : i32
      %dma_start3A_118 = tpu.memref_slice %arg2[%dma_start3A_116, %dma_start3A_117] : memref<10240x128xf32, #tpu.memory_space<hbm>> -> memref<10240x128xf32, #tpu.memory_space<hbm>>
      tpu.enqueue_indirect_dma source(%dma_start3A_118 : memref<10240x128xf32, #tpu.memory_space<hbm>>) target(%arg8 : memref<125x128xf32, #tpu.memory_space<vmem>>) offsets(%dma_start3A_115 : memref<125xi32, #tpu.memory_space<vmem>>) semaphore(%arg11 : memref<!tpu.dma_semaphore, #tpu.memory_space<semaphore_mem>>)
      %dma_wait3A_119 = arith.constant 0 : i32
      %dma_wait3A_120 = tpu.memref_slice %arg5[%mul3A_110, %dma_wait3A_119] : memref<40x125xi32, #tpu.memory_space<vmem>> -> memref<1x125xi32, #tpu.memory_space<vmem>>
      %dma_wait3A_121 = tpu.memref_squeeze %dma_wait3A_120 : memref<1x125xi32, #tpu.memory_space<vmem>> -> memref<125xi32, #tpu.memory_space<vmem>>
      %dma_wait3A_122 = arith.constant 0 : i32
      %dma_wait3A_123 = arith.constant 0 : i32
      %dma_wait3A_124 = tpu.memref_slice %arg2[%dma_wait3A_122, %dma_wait3A_123] : memref<10240x128xf32, #tpu.memory_space<hbm>> -> memref<10240x128xf32, #tpu.memory_space<hbm>>
      tpu.wait_indirect_dma semaphore(%arg10 : memref<!tpu.dma_semaphore, #tpu.memory_space<semaphore_mem>>) src(%dma_wait3A_124 : memref<10240x128xf32, #tpu.memory_space<hbm>>) dst(%arg7 : memref<125x128xf32, #tpu.memory_space<vmem>>)
      "tpu.region"() ({
        %run_scoped3A_143 = tpu.sem_alloc : memref<!tpu.dma_semaphore, #tpu.memory_space<semaphore_mem>>
        %dma_start3A_144 = arith.constant 0 : i32
        %dma_start3A_145 = tpu.memref_slice %arg6[%mul3A_110, %dma_start3A_144] : memref<40x125xi32, #tpu.memory_space<vmem>> -> memref<1x125xi32, #tpu.memory_space<vmem>>
        %dma_start3A_146 = tpu.memref_squeeze %dma_start3A_145 : memref<1x125xi32, #tpu.memory_space<vmem>> -> memref<125xi32, #tpu.memory_space<vmem>>
        %dma_start3A_147 = arith.constant 0 : i32
        %dma_start3A_148 = arith.constant 0 : i32
        %dma_start3A_149 = tpu.memref_slice %arg9[%dma_start3A_147, %dma_start3A_148] : memref<10240x128xf32, #tpu.memory_space<vmem_shared>> -> memref<10240x128xf32, #tpu.memory_space<vmem_shared>>
        tpu.enqueue_indirect_dma source(%arg7 : memref<125x128xf32, #tpu.memory_space<vmem>>) target(%dma_start3A_149 : memref<10240x128xf32, #tpu.memory_space<vmem_shared>>) offsets(%dma_start3A_146 : memref<125xi32, #tpu.memory_space<vmem>>) semaphore(%run_scoped3A_143 : memref<!tpu.dma_semaphore, #tpu.memory_space<semaphore_mem>>) {add = true}
        %dma_wait3A_150 = arith.constant 0 : i32
        %dma_wait3A_151 = tpu.memref_slice %arg6[%mul3A_110, %dma_wait3A_150] : memref<40x125xi32, #tpu.memory_space<vmem>> -> memref<1x125xi32, #tpu.memory_space<vmem>>
        %dma_wait3A_152 = tpu.memref_squeeze %dma_wait3A_151 : memref<1x125xi32, #tpu.memory_space<vmem>> -> memref<125xi32, #tpu.memory_space<vmem>>
        %dma_wait3A_153 = arith.constant 0 : i32
        %dma_wait3A_154 = arith.constant 0 : i32
        %dma_wait3A_155 = tpu.memref_slice %arg9[%dma_wait3A_153, %dma_wait3A_154] : memref<10240x128xf32, #tpu.memory_space<vmem_shared>> -> memref<10240x128xf32, #tpu.memory_space<vmem_shared>>
        tpu.wait_indirect_dma semaphore(%run_scoped3A_143 : memref<!tpu.dma_semaphore, #tpu.memory_space<semaphore_mem>>) src(%arg7 : memref<125x128xf32, #tpu.memory_space<vmem>>) dst(%dma_wait3A_155 : memref<10240x128xf32, #tpu.memory_space<vmem_shared>>)
        tpu.yield
      }) : () -> ()
      %add3A_125 = arith.constant 2 : i32
      %add3A_126 = arith.addi %mul3A_110, %add3A_125 : i32
      %dma_start3A_127 = arith.constant 0 : i32
      %dma_start3A_128 = tpu.memref_slice %arg5[%add3A_126, %dma_start3A_127] : memref<40x125xi32, #tpu.memory_space<vmem>> -> memref<1x125xi32, #tpu.memory_space<vmem>>
      %dma_start3A_129 = tpu.memref_squeeze %dma_start3A_128 : memref<1x125xi32, #tpu.memory_space<vmem>> -> memref<125xi32, #tpu.memory_space<vmem>>
      %dma_start3A_130 = arith.constant 0 : i32
      %dma_start3A_131 = arith.constant 0 : i32
      %dma_start3A_132 = tpu.memref_slice %arg2[%dma_start3A_130, %dma_start3A_131] : memref<10240x128xf32, #tpu.memory_space<hbm>> -> memref<10240x128xf32, #tpu.memory_space<hbm>>
      tpu.enqueue_indirect_dma source(%dma_start3A_132 : memref<10240x128xf32, #tpu.memory_space<hbm>>) target(%arg7 : memref<125x128xf32, #tpu.memory_space<vmem>>) offsets(%dma_start3A_129 : memref<125xi32, #tpu.memory_space<vmem>>) semaphore(%arg10 : memref<!tpu.dma_semaphore, #tpu.memory_space<semaphore_mem>>)
      %add3A_133 = arith.constant 1 : i32
      %add3A_134 = arith.addi %mul3A_110, %add3A_133 : i32
      %dma_wait3A_135 = arith.constant 0 : i32
      %dma_wait3A_136 = tpu.memref_slice %arg5[%add3A_134, %dma_wait3A_135] : memref<40x125xi32, #tpu.memory_space<vmem>> -> memref<1x125xi32, #tpu.memory_space<vmem>>
      %dma_wait3A_137 = tpu.memref_squeeze %dma_wait3A_136 : memref<1x125xi32, #tpu.memory_space<vmem>> -> memref<125xi32, #tpu.memory_space<vmem>>
      %dma_wait3A_138 = arith.constant 0 : i32
      %dma_wait3A_139 = arith.constant 0 : i32
      %dma_wait3A_140 = tpu.memref_slice %arg2[%dma_wait3A_138, %dma_wait3A_139] : memref<10240x128xf32, #tpu.memory_space<hbm>> -> memref<10240x128xf32, #tpu.memory_space<hbm>>
      tpu.wait_indirect_dma semaphore(%arg11 : memref<!tpu.dma_semaphore, #tpu.memory_space<semaphore_mem>>) src(%dma_wait3A_140 : memref<10240x128xf32, #tpu.memory_space<hbm>>) dst(%arg8 : memref<125x128xf32, #tpu.memory_space<vmem>>)
      %add3A_141 = arith.constant 1 : i32
      %add3A_142 = arith.addi %mul3A_110, %add3A_141 : i32
      "tpu.region"() ({
        %run_scoped3A_143 = tpu.sem_alloc : memref<!tpu.dma_semaphore, #tpu.memory_space<semaphore_mem>>
        %dma_start3A_144 = arith.constant 0 : i32
        %dma_start3A_145 = tpu.memref_slice %arg6[%add3A_142, %dma_start3A_144] : memref<40x125xi32, #tpu.memory_space<vmem>> -> memref<1x125xi32, #tpu.memory_space<vmem>>
        %dma_start3A_146 = tpu.memref_squeeze %dma_start3A_145 : memref<1x125xi32, #tpu.memory_space<vmem>> -> memref<125xi32, #tpu.memory_space<vmem>>
        %dma_start3A_147 = arith.constant 0 : i32
        %dma_start3A_148 = arith.constant 0 : i32
        %dma_start3A_149 = tpu.memref_slice %arg9[%dma_start3A_147, %dma_start3A_148] : memref<10240x128xf32, #tpu.memory_space<vmem_shared>> -> memref<10240x128xf32, #tpu.memory_space<vmem_shared>>
        tpu.enqueue_indirect_dma source(%arg8 : memref<125x128xf32, #tpu.memory_space<vmem>>) target(%dma_start3A_149 : memref<10240x128xf32, #tpu.memory_space<vmem_shared>>) offsets(%dma_start3A_146 : memref<125xi32, #tpu.memory_space<vmem>>) semaphore(%run_scoped3A_143 : memref<!tpu.dma_semaphore, #tpu.memory_space<semaphore_mem>>) {add = true}
        %dma_wait3A_150 = arith.constant 0 : i32
        %dma_wait3A_151 = tpu.memref_slice %arg6[%add3A_142, %dma_wait3A_150] : memref<40x125xi32, #tpu.memory_space<vmem>> -> memref<1x125xi32, #tpu.memory_space<vmem>>
        %dma_wait3A_152 = tpu.memref_squeeze %dma_wait3A_151 : memref<1x125xi32, #tpu.memory_space<vmem>> -> memref<125xi32, #tpu.memory_space<vmem>>
        %dma_wait3A_153 = arith.constant 0 : i32
        %dma_wait3A_154 = arith.constant 0 : i32
        %dma_wait3A_155 = tpu.memref_slice %arg9[%dma_wait3A_153, %dma_wait3A_154] : memref<10240x128xf32, #tpu.memory_space<vmem_shared>> -> memref<10240x128xf32, #tpu.memory_space<vmem_shared>>
        tpu.wait_indirect_dma semaphore(%run_scoped3A_143 : memref<!tpu.dma_semaphore, #tpu.memory_space<semaphore_mem>>) src(%arg8 : memref<125x128xf32, #tpu.memory_space<vmem>>) dst(%dma_wait3A_155 : memref<10240x128xf32, #tpu.memory_space<vmem_shared>>)
        tpu.yield
      }) : () -> ()
    }
    %scan3A_42 = arith.constant 19 : i32
    %dma_start3A_43 = arith.constant 39 : i32
    %dma_start3A_44 = arith.constant 0 : i32
    %dma_start3A_45 = tpu.memref_slice %arg5[%dma_start3A_43, %dma_start3A_44] : memref<40x125xi32, #tpu.memory_space<vmem>> -> memref<1x125xi32, #tpu.memory_space<vmem>>
    %dma_start3A_46 = tpu.memref_squeeze %dma_start3A_45 : memref<1x125xi32, #tpu.memory_space<vmem>> -> memref<125xi32, #tpu.memory_space<vmem>>
    %dma_start3A_47 = arith.constant 0 : i32
    %dma_start3A_48 = arith.constant 0 : i32
    %dma_start3A_49 = tpu.memref_slice %arg2[%dma_start3A_47, %dma_start3A_48] : memref<10240x128xf32, #tpu.memory_space<hbm>> -> memref<10240x128xf32, #tpu.memory_space<hbm>>
    tpu.enqueue_indirect_dma source(%dma_start3A_49 : memref<10240x128xf32, #tpu.memory_space<hbm>>) target(%arg8 : memref<125x128xf32, #tpu.memory_space<vmem>>) offsets(%dma_start3A_46 : memref<125xi32, #tpu.memory_space<vmem>>) semaphore(%arg11 : memref<!tpu.dma_semaphore, #tpu.memory_space<semaphore_mem>>)
    %dma_wait3A = arith.constant 38 : i32
    %dma_wait3A_50 = arith.constant 0 : i32
    %dma_wait3A_51 = tpu.memref_slice %arg5[%dma_wait3A, %dma_wait3A_50] : memref<40x125xi32, #tpu.memory_space<vmem>> -> memref<1x125xi32, #tpu.memory_space<vmem>>
    %dma_wait3A_52 = tpu.memref_squeeze %dma_wait3A_51 : memref<1x125xi32, #tpu.memory_space<vmem>> -> memref<125xi32, #tpu.memory_space<vmem>>
    %dma_wait3A_53 = arith.constant 0 : i32
    %dma_wait3A_54 = arith.constant 0 : i32
    %dma_wait3A_55 = tpu.memref_slice %arg2[%dma_wait3A_53, %dma_wait3A_54] : memref<10240x128xf32, #tpu.memory_space<hbm>> -> memref<10240x128xf32, #tpu.memory_space<hbm>>
    tpu.wait_indirect_dma semaphore(%arg10 : memref<!tpu.dma_semaphore, #tpu.memory_space<semaphore_mem>>) src(%dma_wait3A_55 : memref<10240x128xf32, #tpu.memory_space<hbm>>) dst(%arg7 : memref<125x128xf32, #tpu.memory_space<vmem>>)
    %run_scoped3A_56 = arith.constant 38 : i32
    "tpu.region"() ({
      %run_scoped3A_108 = tpu.sem_alloc : memref<!tpu.dma_semaphore, #tpu.memory_space<semaphore_mem>>
      %dma_start3A_109 = arith.constant 0 : i32
      %dma_start3A_110 = tpu.memref_slice %arg6[%run_scoped3A_56, %dma_start3A_109] : memref<40x125xi32, #tpu.memory_space<vmem>> -> memref<1x125xi32, #tpu.memory_space<vmem>>
      %dma_start3A_111 = tpu.memref_squeeze %dma_start3A_110 : memref<1x125xi32, #tpu.memory_space<vmem>> -> memref<125xi32, #tpu.memory_space<vmem>>
      %dma_start3A_112 = arith.constant 0 : i32
      %dma_start3A_113 = arith.constant 0 : i32
      %dma_start3A_114 = tpu.memref_slice %arg9[%dma_start3A_112, %dma_start3A_113] : memref<10240x128xf32, #tpu.memory_space<vmem_shared>> -> memref<10240x128xf32, #tpu.memory_space<vmem_shared>>
      tpu.enqueue_indirect_dma source(%arg7 : memref<125x128xf32, #tpu.memory_space<vmem>>) target(%dma_start3A_114 : memref<10240x128xf32, #tpu.memory_space<vmem_shared>>) offsets(%dma_start3A_111 : memref<125xi32, #tpu.memory_space<vmem>>) semaphore(%run_scoped3A_108 : memref<!tpu.dma_semaphore, #tpu.memory_space<semaphore_mem>>) {add = true}
      %dma_wait3A_115 = arith.constant 0 : i32
      %dma_wait3A_116 = tpu.memref_slice %arg6[%run_scoped3A_56, %dma_wait3A_115] : memref<40x125xi32, #tpu.memory_space<vmem>> -> memref<1x125xi32, #tpu.memory_space<vmem>>
      %dma_wait3A_117 = tpu.memref_squeeze %dma_wait3A_116 : memref<1x125xi32, #tpu.memory_space<vmem>> -> memref<125xi32, #tpu.memory_space<vmem>>
      %dma_wait3A_118 = arith.constant 0 : i32
      %dma_wait3A_119 = arith.constant 0 : i32
      %dma_wait3A_120 = tpu.memref_slice %arg9[%dma_wait3A_118, %dma_wait3A_119] : memref<10240x128xf32, #tpu.memory_space<vmem_shared>> -> memref<10240x128xf32, #tpu.memory_space<vmem_shared>>
      tpu.wait_indirect_dma semaphore(%run_scoped3A_108 : memref<!tpu.dma_semaphore, #tpu.memory_space<semaphore_mem>>) src(%arg7 : memref<125x128xf32, #tpu.memory_space<vmem>>) dst(%dma_wait3A_120 : memref<10240x128xf32, #tpu.memory_space<vmem_shared>>)
      tpu.yield
    }) : () -> ()
    %dma_wait3A_57 = arith.constant 39 : i32
    %dma_wait3A_58 = arith.constant 0 : i32
    %dma_wait3A_59 = tpu.memref_slice %arg5[%dma_wait3A_57, %dma_wait3A_58] : memref<40x125xi32, #tpu.memory_space<vmem>> -> memref<1x125xi32, #tpu.memory_space<vmem>>
    %dma_wait3A_60 = tpu.memref_squeeze %dma_wait3A_59 : memref<1x125xi32, #tpu.memory_space<vmem>> -> memref<125xi32, #tpu.memory_space<vmem>>
    %dma_wait3A_61 = arith.constant 0 : i32
    %dma_wait3A_62 = arith.constant 0 : i32
    %dma_wait3A_63 = tpu.memref_slice %arg2[%dma_wait3A_61, %dma_wait3A_62] : memref<10240x128xf32, #tpu.memory_space<hbm>> -> memref<10240x128xf32, #tpu.memory_space<hbm>>
    tpu.wait_indirect_dma semaphore(%arg11 : memref<!tpu.dma_semaphore, #tpu.memory_space<semaphore_mem>>) src(%dma_wait3A_63 : memref<10240x128xf32, #tpu.memory_space<hbm>>) dst(%arg8 : memref<125x128xf32, #tpu.memory_space<vmem>>)
    %run_scoped3A_64 = arith.constant 39 : i32
    "tpu.region"() ({
      %run_scoped3A_108 = tpu.sem_alloc : memref<!tpu.dma_semaphore, #tpu.memory_space<semaphore_mem>>
      %dma_start3A_109 = arith.constant 0 : i32
      %dma_start3A_110 = tpu.memref_slice %arg6[%run_scoped3A_64, %dma_start3A_109] : memref<40x125xi32, #tpu.memory_space<vmem>> -> memref<1x125xi32, #tpu.memory_space<vmem>>
      %dma_start3A_111 = tpu.memref_squeeze %dma_start3A_110 : memref<1x125xi32, #tpu.memory_space<vmem>> -> memref<125xi32, #tpu.memory_space<vmem>>
      %dma_start3A_112 = arith.constant 0 : i32
      %dma_start3A_113 = arith.constant 0 : i32
      %dma_start3A_114 = tpu.memref_slice %arg9[%dma_start3A_112, %dma_start3A_113] : memref<10240x128xf32, #tpu.memory_space<vmem_shared>> -> memref<10240x128xf32, #tpu.memory_space<vmem_shared>>
      tpu.enqueue_indirect_dma source(%arg8 : memref<125x128xf32, #tpu.memory_space<vmem>>) target(%dma_start3A_114 : memref<10240x128xf32, #tpu.memory_space<vmem_shared>>) offsets(%dma_start3A_111 : memref<125xi32, #tpu.memory_space<vmem>>) semaphore(%run_scoped3A_108 : memref<!tpu.dma_semaphore, #tpu.memory_space<semaphore_mem>>) {add = true}
      %dma_wait3A_115 = arith.constant 0 : i32
      %dma_wait3A_116 = tpu.memref_slice %arg6[%run_scoped3A_64, %dma_wait3A_115] : memref<40x125xi32, #tpu.memory_space<vmem>> -> memref<1x125xi32, #tpu.memory_space<vmem>>
      %dma_wait3A_117 = tpu.memref_squeeze %dma_wait3A_116 : memref<1x125xi32, #tpu.memory_space<vmem>> -> memref<125xi32, #tpu.memory_space<vmem>>
      %dma_wait3A_118 = arith.constant 0 : i32
      %dma_wait3A_119 = arith.constant 0 : i32
      %dma_wait3A_120 = tpu.memref_slice %arg9[%dma_wait3A_118, %dma_wait3A_119] : memref<10240x128xf32, #tpu.memory_space<vmem_shared>> -> memref<10240x128xf32, #tpu.memory_space<vmem_shared>>
      tpu.wait_indirect_dma semaphore(%run_scoped3A_108 : memref<!tpu.dma_semaphore, #tpu.memory_space<semaphore_mem>>) src(%arg8 : memref<125x128xf32, #tpu.memory_space<vmem>>) dst(%dma_wait3A_120 : memref<10240x128xf32, #tpu.memory_space<vmem_shared>>)
      tpu.yield
    }) : () -> ()
    %run_scoped3A_65 = arith.constant 0 : i32
    "tpu.region"() ({
      %run_scoped3A_108 = tpu.sem_alloc : memref<!tpu.dma_semaphore, #tpu.memory_space<semaphore_mem>>
      %dma_start3A_109 = arith.constant 0 : i32
      %dma_start3A_110 = arith.constant 0 : i32
      %dma_start3A_111 = arith.constant 0 : i32
      %dma_start3A_112 = tpu.memref_slice %arg3[%run_scoped3A_65, %dma_start3A_109, %dma_start3A_110, %dma_start3A_111] : memref<2x32x80x125xi32, #tpu.memory_space<hbm>> -> memref<1x32x80x125xi32, #tpu.memory_space<hbm>>
      %dma_start3A_113 = tpu.memref_squeeze %dma_start3A_112 : memref<1x32x80x125xi32, #tpu.memory_space<hbm>> -> memref<32x80x125xi32, #tpu.memory_space<hbm>>
      %dma_start3A_114 = arith.constant 0 : i32
      %dma_start3A_115 = arith.constant 0 : i32
      %dma_start3A_116 = tpu.memref_slice %dma_start3A_113[%add3A, %dma_start3A_114, %dma_start3A_115] : memref<32x80x125xi32, #tpu.memory_space<hbm>> -> memref<1x80x125xi32, #tpu.memory_space<hbm>>
      %dma_start3A_117 = tpu.memref_squeeze %dma_start3A_116 : memref<1x80x125xi32, #tpu.memory_space<hbm>> -> memref<80x125xi32, #tpu.memory_space<hbm>>
      %dma_start3A_118 = arith.constant 40 : i32
      %dma_start3A_119 = arith.constant 0 : i32
      %dma_start3A_120 = tpu.memref_slice %dma_start3A_117[%dma_start3A_118, %dma_start3A_119] : memref<80x125xi32, #tpu.memory_space<hbm>> -> memref<40x125xi32, #tpu.memory_space<hbm>>
      %dma_start3A_121 = arith.constant 0 : i32
      %dma_start3A_122 = arith.constant 0 : i32
      %dma_start3A_123 = arith.constant 0 : i32
      %dma_start3A_124 = tpu.memref_slice %arg3[%run_scoped3A_65, %dma_start3A_121, %dma_start3A_122, %dma_start3A_123] : memref<2x32x80x125xi32, #tpu.memory_space<hbm>> -> memref<1x32x80x125xi32, #tpu.memory_space<hbm>>
      %dma_start3A_125 = tpu.memref_squeeze %dma_start3A_124 : memref<1x32x80x125xi32, #tpu.memory_space<hbm>> -> memref<32x80x125xi32, #tpu.memory_space<hbm>>
      %dma_start3A_126 = arith.constant 0 : i32
      %dma_start3A_127 = arith.constant 0 : i32
      %dma_start3A_128 = tpu.memref_slice %dma_start3A_125[%add3A, %dma_start3A_126, %dma_start3A_127] : memref<32x80x125xi32, #tpu.memory_space<hbm>> -> memref<1x80x125xi32, #tpu.memory_space<hbm>>
      %dma_start3A_129 = tpu.memref_squeeze %dma_start3A_128 : memref<1x80x125xi32, #tpu.memory_space<hbm>> -> memref<80x125xi32, #tpu.memory_space<hbm>>
      %dma_start3A_130 = arith.constant 40 : i32
      %dma_start3A_131 = arith.constant 0 : i32
      %dma_start3A_132 = tpu.memref_slice %dma_start3A_129[%dma_start3A_130, %dma_start3A_131] : memref<80x125xi32, #tpu.memory_space<hbm>> -> memref<40x125xi32, #tpu.memory_space<hbm>>
      tpu.enqueue_dma source(%dma_start3A_132 : memref<40x125xi32, #tpu.memory_space<hbm>>) target(%arg5 : memref<40x125xi32, #tpu.memory_space<vmem>>) target_semaphore(%run_scoped3A_108 : memref<!tpu.dma_semaphore, #tpu.memory_space<semaphore_mem>>)
      %dma_wait3A_133 = arith.constant 0 : i32
      %dma_wait3A_134 = arith.constant 0 : i32
      %dma_wait3A_135 = arith.constant 0 : i32
      %dma_wait3A_136 = tpu.memref_slice %arg3[%run_scoped3A_65, %dma_wait3A_133, %dma_wait3A_134, %dma_wait3A_135] : memref<2x32x80x125xi32, #tpu.memory_space<hbm>> -> memref<1x32x80x125xi32, #tpu.memory_space<hbm>>
      %dma_wait3A_137 = tpu.memref_squeeze %dma_wait3A_136 : memref<1x32x80x125xi32, #tpu.memory_space<hbm>> -> memref<32x80x125xi32, #tpu.memory_space<hbm>>
      %dma_wait3A_138 = arith.constant 0 : i32
      %dma_wait3A_139 = arith.constant 0 : i32
      %dma_wait3A_140 = tpu.memref_slice %dma_wait3A_137[%add3A, %dma_wait3A_138, %dma_wait3A_139] : memref<32x80x125xi32, #tpu.memory_space<hbm>> -> memref<1x80x125xi32, #tpu.memory_space<hbm>>
      %dma_wait3A_141 = tpu.memref_squeeze %dma_wait3A_140 : memref<1x80x125xi32, #tpu.memory_space<hbm>> -> memref<80x125xi32, #tpu.memory_space<hbm>>
      %dma_wait3A_142 = arith.constant 40 : i32
      %dma_wait3A_143 = arith.constant 0 : i32
      %dma_wait3A_144 = tpu.memref_slice %dma_wait3A_141[%dma_wait3A_142, %dma_wait3A_143] : memref<80x125xi32, #tpu.memory_space<hbm>> -> memref<40x125xi32, #tpu.memory_space<hbm>>
      %dma_wait3A_145 = arith.constant 0 : i32
      %dma_wait3A_146 = arith.constant 0 : i32
      %dma_wait3A_147 = arith.constant 0 : i32
      %dma_wait3A_148 = tpu.memref_slice %arg3[%run_scoped3A_65, %dma_wait3A_145, %dma_wait3A_146, %dma_wait3A_147] : memref<2x32x80x125xi32, #tpu.memory_space<hbm>> -> memref<1x32x80x125xi32, #tpu.memory_space<hbm>>
      %dma_wait3A_149 = tpu.memref_squeeze %dma_wait3A_148 : memref<1x32x80x125xi32, #tpu.memory_space<hbm>> -> memref<32x80x125xi32, #tpu.memory_space<hbm>>
      %dma_wait3A_150 = arith.constant 0 : i32
      %dma_wait3A_151 = arith.constant 0 : i32
      %dma_wait3A_152 = tpu.memref_slice %dma_wait3A_149[%add3A, %dma_wait3A_150, %dma_wait3A_151] : memref<32x80x125xi32, #tpu.memory_space<hbm>> -> memref<1x80x125xi32, #tpu.memory_space<hbm>>
      %dma_wait3A_153 = tpu.memref_squeeze %dma_wait3A_152 : memref<1x80x125xi32, #tpu.memory_space<hbm>> -> memref<80x125xi32, #tpu.memory_space<hbm>>
      %dma_wait3A_154 = arith.constant 40 : i32
      %dma_wait3A_155 = arith.constant 0 : i32
      %dma_wait3A_156 = tpu.memref_slice %dma_wait3A_153[%dma_wait3A_154, %dma_wait3A_155] : memref<80x125xi32, #tpu.memory_space<hbm>> -> memref<40x125xi32, #tpu.memory_space<hbm>>
      tpu.wait_dma2 semaphore(%run_scoped3A_108 : memref<!tpu.dma_semaphore, #tpu.memory_space<semaphore_mem>>) src(%dma_wait3A_156 : memref<40x125xi32, #tpu.memory_space<hbm>>) dst(%arg5 : memref<40x125xi32, #tpu.memory_space<vmem>>)
      tpu.yield
    }) : () -> ()
    %run_scoped3A_66 = arith.constant 1 : i32
    "tpu.region"() ({
      %run_scoped3A_108 = tpu.sem_alloc : memref<!tpu.dma_semaphore, #tpu.memory_space<semaphore_mem>>
      %dma_start3A_109 = arith.constant 0 : i32
      %dma_start3A_110 = arith.constant 0 : i32
      %dma_start3A_111 = arith.constant 0 : i32
      %dma_start3A_112 = tpu.memref_slice %arg3[%run_scoped3A_66, %dma_start3A_109, %dma_start3A_110, %dma_start3A_111] : memref<2x32x80x125xi32, #tpu.memory_space<hbm>> -> memref<1x32x80x125xi32, #tpu.memory_space<hbm>>
      %dma_start3A_113 = tpu.memref_squeeze %dma_start3A_112 : memref<1x32x80x125xi32, #tpu.memory_space<hbm>> -> memref<32x80x125xi32, #tpu.memory_space<hbm>>
      %dma_start3A_114 = arith.constant 0 : i32
      %dma_start3A_115 = arith.constant 0 : i32
      %dma_start3A_116 = tpu.memref_slice %dma_start3A_113[%add3A, %dma_start3A_114, %dma_start3A_115] : memref<32x80x125xi32, #tpu.memory_space<hbm>> -> memref<1x80x125xi32, #tpu.memory_space<hbm>>
      %dma_start3A_117 = tpu.memref_squeeze %dma_start3A_116 : memref<1x80x125xi32, #tpu.memory_space<hbm>> -> memref<80x125xi32, #tpu.memory_space<hbm>>
      %dma_start3A_118 = arith.constant 40 : i32
      %dma_start3A_119 = arith.constant 0 : i32
      %dma_start3A_120 = tpu.memref_slice %dma_start3A_117[%dma_start3A_118, %dma_start3A_119] : memref<80x125xi32, #tpu.memory_space<hbm>> -> memref<40x125xi32, #tpu.memory_space<hbm>>
      %dma_start3A_121 = arith.constant 0 : i32
      %dma_start3A_122 = arith.constant 0 : i32
      %dma_start3A_123 = arith.constant 0 : i32
      %dma_start3A_124 = tpu.memref_slice %arg3[%run_scoped3A_66, %dma_start3A_121, %dma_start3A_122, %dma_start3A_123] : memref<2x32x80x125xi32, #tpu.memory_space<hbm>> -> memref<1x32x80x125xi32, #tpu.memory_space<hbm>>
      %dma_start3A_125 = tpu.memref_squeeze %dma_start3A_124 : memref<1x32x80x125xi32, #tpu.memory_space<hbm>> -> memref<32x80x125xi32, #tpu.memory_space<hbm>>
      %dma_start3A_126 = arith.constant 0 : i32
      %dma_start3A_127 = arith.constant 0 : i32
      %dma_start3A_128 = tpu.memref_slice %dma_start3A_125[%add3A, %dma_start3A_126, %dma_start3A_127] : memref<32x80x125xi32, #tpu.memory_space<hbm>> -> memref<1x80x125xi32, #tpu.memory_space<hbm>>
      %dma_start3A_129 = tpu.memref_squeeze %dma_start3A_128 : memref<1x80x125xi32, #tpu.memory_space<hbm>> -> memref<80x125xi32, #tpu.memory_space<hbm>>
      %dma_start3A_130 = arith.constant 40 : i32
      %dma_start3A_131 = arith.constant 0 : i32
      %dma_start3A_132 = tpu.memref_slice %dma_start3A_129[%dma_start3A_130, %dma_start3A_131] : memref<80x125xi32, #tpu.memory_space<hbm>> -> memref<40x125xi32, #tpu.memory_space<hbm>>
      tpu.enqueue_dma source(%dma_start3A_132 : memref<40x125xi32, #tpu.memory_space<hbm>>) target(%arg6 : memref<40x125xi32, #tpu.memory_space<vmem>>) target_semaphore(%run_scoped3A_108 : memref<!tpu.dma_semaphore, #tpu.memory_space<semaphore_mem>>)
      %dma_wait3A_133 = arith.constant 0 : i32
      %dma_wait3A_134 = arith.constant 0 : i32
      %dma_wait3A_135 = arith.constant 0 : i32
      %dma_wait3A_136 = tpu.memref_slice %arg3[%run_scoped3A_66, %dma_wait3A_133, %dma_wait3A_134, %dma_wait3A_135] : memref<2x32x80x125xi32, #tpu.memory_space<hbm>> -> memref<1x32x80x125xi32, #tpu.memory_space<hbm>>
      %dma_wait3A_137 = tpu.memref_squeeze %dma_wait3A_136 : memref<1x32x80x125xi32, #tpu.memory_space<hbm>> -> memref<32x80x125xi32, #tpu.memory_space<hbm>>
      %dma_wait3A_138 = arith.constant 0 : i32
      %dma_wait3A_139 = arith.constant 0 : i32
      %dma_wait3A_140 = tpu.memref_slice %dma_wait3A_137[%add3A, %dma_wait3A_138, %dma_wait3A_139] : memref<32x80x125xi32, #tpu.memory_space<hbm>> -> memref<1x80x125xi32, #tpu.memory_space<hbm>>
      %dma_wait3A_141 = tpu.memref_squeeze %dma_wait3A_140 : memref<1x80x125xi32, #tpu.memory_space<hbm>> -> memref<80x125xi32, #tpu.memory_space<hbm>>
      %dma_wait3A_142 = arith.constant 40 : i32
      %dma_wait3A_143 = arith.constant 0 : i32
      %dma_wait3A_144 = tpu.memref_slice %dma_wait3A_141[%dma_wait3A_142, %dma_wait3A_143] : memref<80x125xi32, #tpu.memory_space<hbm>> -> memref<40x125xi32, #tpu.memory_space<hbm>>
      %dma_wait3A_145 = arith.constant 0 : i32
      %dma_wait3A_146 = arith.constant 0 : i32
      %dma_wait3A_147 = arith.constant 0 : i32
      %dma_wait3A_148 = tpu.memref_slice %arg3[%run_scoped3A_66, %dma_wait3A_145, %dma_wait3A_146, %dma_wait3A_147] : memref<2x32x80x125xi32, #tpu.memory_space<hbm>> -> memref<1x32x80x125xi32, #tpu.memory_space<hbm>>
      %dma_wait3A_149 = tpu.memref_squeeze %dma_wait3A_148 : memref<1x32x80x125xi32, #tpu.memory_space<hbm>> -> memref<32x80x125xi32, #tpu.memory_space<hbm>>
      %dma_wait3A_150 = arith.constant 0 : i32
      %dma_wait3A_151 = arith.constant 0 : i32
      %dma_wait3A_152 = tpu.memref_slice %dma_wait3A_149[%add3A, %dma_wait3A_150, %dma_wait3A_151] : memref<32x80x125xi32, #tpu.memory_space<hbm>> -> memref<1x80x125xi32, #tpu.memory_space<hbm>>
      %dma_wait3A_153 = tpu.memref_squeeze %dma_wait3A_152 : memref<1x80x125xi32, #tpu.memory_space<hbm>> -> memref<80x125xi32, #tpu.memory_space<hbm>>
      %dma_wait3A_154 = arith.constant 40 : i32
      %dma_wait3A_155 = arith.constant 0 : i32
      %dma_wait3A_156 = tpu.memref_slice %dma_wait3A_153[%dma_wait3A_154, %dma_wait3A_155] : memref<80x125xi32, #tpu.memory_space<hbm>> -> memref<40x125xi32, #tpu.memory_space<hbm>>
      tpu.wait_dma2 semaphore(%run_scoped3A_108 : memref<!tpu.dma_semaphore, #tpu.memory_space<semaphore_mem>>) src(%dma_wait3A_156 : memref<40x125xi32, #tpu.memory_space<hbm>>) dst(%arg6 : memref<40x125xi32, #tpu.memory_space<vmem>>)
      tpu.yield
    }) : () -> ()
    %dma_start3A_67 = arith.constant 0 : i32
    %dma_start3A_68 = arith.constant 0 : i32
    %dma_start3A_69 = tpu.memref_slice %arg5[%dma_start3A_67, %dma_start3A_68] : memref<40x125xi32, #tpu.memory_space<vmem>> -> memref<1x125xi32, #tpu.memory_space<vmem>>
    %dma_start3A_70 = tpu.memref_squeeze %dma_start3A_69 : memref<1x125xi32, #tpu.memory_space<vmem>> -> memref<125xi32, #tpu.memory_space<vmem>>
    %dma_start3A_71 = arith.constant 0 : i32
    %dma_start3A_72 = arith.constant 0 : i32
    %dma_start3A_73 = tpu.memref_slice %arg2[%dma_start3A_71, %dma_start3A_72] : memref<10240x128xf32, #tpu.memory_space<hbm>> -> memref<10240x128xf32, #tpu.memory_space<hbm>>
    tpu.enqueue_indirect_dma source(%dma_start3A_73 : memref<10240x128xf32, #tpu.memory_space<hbm>>) target(%arg7 : memref<125x128xf32, #tpu.memory_space<vmem>>) offsets(%dma_start3A_70 : memref<125xi32, #tpu.memory_space<vmem>>) semaphore(%arg10 : memref<!tpu.dma_semaphore, #tpu.memory_space<semaphore_mem>>)
    %scan3A_74 = arith.constant 0 : i32
    %scan3A_75 = arith.constant 0 : i32
    %scan3A_76 = arith.constant 19 : i32
    %scan3A_77 = arith.addi %scan3A_75, %scan3A_76 : i32
    %scan3A_78 = arith.constant 1 : i32
    scf.for %scan3A_108 = %scan3A_75 to %scan3A_77 step %scan3A_78  : i32 {
      %mul3A_109 = arith.constant 2 : i32
      %mul3A_110 = arith.muli %scan3A_108, %mul3A_109 : i32
      %add3A_111 = arith.constant 1 : i32
      %add3A_112 = arith.addi %mul3A_110, %add3A_111 : i32
      %dma_start3A_113 = arith.constant 0 : i32
      %dma_start3A_114 = tpu.memref_slice %arg5[%add3A_112, %dma_start3A_113] : memref<40x125xi32, #tpu.memory_space<vmem>> -> memref<1x125xi32, #tpu.memory_space<vmem>>
      %dma_start3A_115 = tpu.memref_squeeze %dma_start3A_114 : memref<1x125xi32, #tpu.memory_space<vmem>> -> memref<125xi32, #tpu.memory_space<vmem>>
      %dma_start3A_116 = arith.constant 0 : i32
      %dma_start3A_117 = arith.constant 0 : i32
      %dma_start3A_118 = tpu.memref_slice %arg2[%dma_start3A_116, %dma_start3A_117] : memref<10240x128xf32, #tpu.memory_space<hbm>> -> memref<10240x128xf32, #tpu.memory_space<hbm>>
      tpu.enqueue_indirect_dma source(%dma_start3A_118 : memref<10240x128xf32, #tpu.memory_space<hbm>>) target(%arg8 : memref<125x128xf32, #tpu.memory_space<vmem>>) offsets(%dma_start3A_115 : memref<125xi32, #tpu.memory_space<vmem>>) semaphore(%arg11 : memref<!tpu.dma_semaphore, #tpu.memory_space<semaphore_mem>>)
      %dma_wait3A_119 = arith.constant 0 : i32
      %dma_wait3A_120 = tpu.memref_slice %arg5[%mul3A_110, %dma_wait3A_119] : memref<40x125xi32, #tpu.memory_space<vmem>> -> memref<1x125xi32, #tpu.memory_space<vmem>>
      %dma_wait3A_121 = tpu.memref_squeeze %dma_wait3A_120 : memref<1x125xi32, #tpu.memory_space<vmem>> -> memref<125xi32, #tpu.memory_space<vmem>>
      %dma_wait3A_122 = arith.constant 0 : i32
      %dma_wait3A_123 = arith.constant 0 : i32
      %dma_wait3A_124 = tpu.memref_slice %arg2[%dma_wait3A_122, %dma_wait3A_123] : memref<10240x128xf32, #tpu.memory_space<hbm>> -> memref<10240x128xf32, #tpu.memory_space<hbm>>
      tpu.wait_indirect_dma semaphore(%arg10 : memref<!tpu.dma_semaphore, #tpu.memory_space<semaphore_mem>>) src(%dma_wait3A_124 : memref<10240x128xf32, #tpu.memory_space<hbm>>) dst(%arg7 : memref<125x128xf32, #tpu.memory_space<vmem>>)
      "tpu.region"() ({
        %run_scoped3A_143 = tpu.sem_alloc : memref<!tpu.dma_semaphore, #tpu.memory_space<semaphore_mem>>
        %dma_start3A_144 = arith.constant 0 : i32
        %dma_start3A_145 = tpu.memref_slice %arg6[%mul3A_110, %dma_start3A_144] : memref<40x125xi32, #tpu.memory_space<vmem>> -> memref<1x125xi32, #tpu.memory_space<vmem>>
        %dma_start3A_146 = tpu.memref_squeeze %dma_start3A_145 : memref<1x125xi32, #tpu.memory_space<vmem>> -> memref<125xi32, #tpu.memory_space<vmem>>
        %dma_start3A_147 = arith.constant 0 : i32
        %dma_start3A_148 = arith.constant 0 : i32
        %dma_start3A_149 = tpu.memref_slice %arg9[%dma_start3A_147, %dma_start3A_148] : memref<10240x128xf32, #tpu.memory_space<vmem_shared>> -> memref<10240x128xf32, #tpu.memory_space<vmem_shared>>
        tpu.enqueue_indirect_dma source(%arg7 : memref<125x128xf32, #tpu.memory_space<vmem>>) target(%dma_start3A_149 : memref<10240x128xf32, #tpu.memory_space<vmem_shared>>) offsets(%dma_start3A_146 : memref<125xi32, #tpu.memory_space<vmem>>) semaphore(%run_scoped3A_143 : memref<!tpu.dma_semaphore, #tpu.memory_space<semaphore_mem>>) {add = true}
        %dma_wait3A_150 = arith.constant 0 : i32
        %dma_wait3A_151 = tpu.memref_slice %arg6[%mul3A_110, %dma_wait3A_150] : memref<40x125xi32, #tpu.memory_space<vmem>> -> memref<1x125xi32, #tpu.memory_space<vmem>>
        %dma_wait3A_152 = tpu.memref_squeeze %dma_wait3A_151 : memref<1x125xi32, #tpu.memory_space<vmem>> -> memref<125xi32, #tpu.memory_space<vmem>>
        %dma_wait3A_153 = arith.constant 0 : i32
        %dma_wait3A_154 = arith.constant 0 : i32
        %dma_wait3A_155 = tpu.memref_slice %arg9[%dma_wait3A_153, %dma_wait3A_154] : memref<10240x128xf32, #tpu.memory_space<vmem_shared>> -> memref<10240x128xf32, #tpu.memory_space<vmem_shared>>
        tpu.wait_indirect_dma semaphore(%run_scoped3A_143 : memref<!tpu.dma_semaphore, #tpu.memory_space<semaphore_mem>>) src(%arg7 : memref<125x128xf32, #tpu.memory_space<vmem>>) dst(%dma_wait3A_155 : memref<10240x128xf32, #tpu.memory_space<vmem_shared>>)
        tpu.yield
      }) : () -> ()
      %add3A_125 = arith.constant 2 : i32
      %add3A_126 = arith.addi %mul3A_110, %add3A_125 : i32
      %dma_start3A_127 = arith.constant 0 : i32
      %dma_start3A_128 = tpu.memref_slice %arg5[%add3A_126, %dma_start3A_127] : memref<40x125xi32, #tpu.memory_space<vmem>> -> memref<1x125xi32, #tpu.memory_space<vmem>>
      %dma_start3A_129 = tpu.memref_squeeze %dma_start3A_128 : memref<1x125xi32, #tpu.memory_space<vmem>> -> memref<125xi32, #tpu.memory_space<vmem>>
      %dma_start3A_130 = arith.constant 0 : i32
      %dma_start3A_131 = arith.constant 0 : i32
      %dma_start3A_132 = tpu.memref_slice %arg2[%dma_start3A_130, %dma_start3A_131] : memref<10240x128xf32, #tpu.memory_space<hbm>> -> memref<10240x128xf32, #tpu.memory_space<hbm>>
      tpu.enqueue_indirect_dma source(%dma_start3A_132 : memref<10240x128xf32, #tpu.memory_space<hbm>>) target(%arg7 : memref<125x128xf32, #tpu.memory_space<vmem>>) offsets(%dma_start3A_129 : memref<125xi32, #tpu.memory_space<vmem>>) semaphore(%arg10 : memref<!tpu.dma_semaphore, #tpu.memory_space<semaphore_mem>>)
      %add3A_133 = arith.constant 1 : i32
      %add3A_134 = arith.addi %mul3A_110, %add3A_133 : i32
      %dma_wait3A_135 = arith.constant 0 : i32
      %dma_wait3A_136 = tpu.memref_slice %arg5[%add3A_134, %dma_wait3A_135] : memref<40x125xi32, #tpu.memory_space<vmem>> -> memref<1x125xi32, #tpu.memory_space<vmem>>
      %dma_wait3A_137 = tpu.memref_squeeze %dma_wait3A_136 : memref<1x125xi32, #tpu.memory_space<vmem>> -> memref<125xi32, #tpu.memory_space<vmem>>
      %dma_wait3A_138 = arith.constant 0 : i32
      %dma_wait3A_139 = arith.constant 0 : i32
      %dma_wait3A_140 = tpu.memref_slice %arg2[%dma_wait3A_138, %dma_wait3A_139] : memref<10240x128xf32, #tpu.memory_space<hbm>> -> memref<10240x128xf32, #tpu.memory_space<hbm>>
      tpu.wait_indirect_dma semaphore(%arg11 : memref<!tpu.dma_semaphore, #tpu.memory_space<semaphore_mem>>) src(%dma_wait3A_140 : memref<10240x128xf32, #tpu.memory_space<hbm>>) dst(%arg8 : memref<125x128xf32, #tpu.memory_space<vmem>>)
      %add3A_141 = arith.constant 1 : i32
      %add3A_142 = arith.addi %mul3A_110, %add3A_141 : i32
      "tpu.region"() ({
        %run_scoped3A_143 = tpu.sem_alloc : memref<!tpu.dma_semaphore, #tpu.memory_space<semaphore_mem>>
        %dma_start3A_144 = arith.constant 0 : i32
        %dma_start3A_145 = tpu.memref_slice %arg6[%add3A_142, %dma_start3A_144] : memref<40x125xi32, #tpu.memory_space<vmem>> -> memref<1x125xi32, #tpu.memory_space<vmem>>
        %dma_start3A_146 = tpu.memref_squeeze %dma_start3A_145 : memref<1x125xi32, #tpu.memory_space<vmem>> -> memref<125xi32, #tpu.memory_space<vmem>>
        %dma_start3A_147 = arith.constant 0 : i32
        %dma_start3A_148 = arith.constant 0 : i32
        %dma_start3A_149 = tpu.memref_slice %arg9[%dma_start3A_147, %dma_start3A_148] : memref<10240x128xf32, #tpu.memory_space<vmem_shared>> -> memref<10240x128xf32, #tpu.memory_space<vmem_shared>>
        tpu.enqueue_indirect_dma source(%arg8 : memref<125x128xf32, #tpu.memory_space<vmem>>) target(%dma_start3A_149 : memref<10240x128xf32, #tpu.memory_space<vmem_shared>>) offsets(%dma_start3A_146 : memref<125xi32, #tpu.memory_space<vmem>>) semaphore(%run_scoped3A_143 : memref<!tpu.dma_semaphore, #tpu.memory_space<semaphore_mem>>) {add = true}
        %dma_wait3A_150 = arith.constant 0 : i32
        %dma_wait3A_151 = tpu.memref_slice %arg6[%add3A_142, %dma_wait3A_150] : memref<40x125xi32, #tpu.memory_space<vmem>> -> memref<1x125xi32, #tpu.memory_space<vmem>>
        %dma_wait3A_152 = tpu.memref_squeeze %dma_wait3A_151 : memref<1x125xi32, #tpu.memory_space<vmem>> -> memref<125xi32, #tpu.memory_space<vmem>>
        %dma_wait3A_153 = arith.constant 0 : i32
        %dma_wait3A_154 = arith.constant 0 : i32
        %dma_wait3A_155 = tpu.memref_slice %arg9[%dma_wait3A_153, %dma_wait3A_154] : memref<10240x128xf32, #tpu.memory_space<vmem_shared>> -> memref<10240x128xf32, #tpu.memory_space<vmem_shared>>
        tpu.wait_indirect_dma semaphore(%run_scoped3A_143 : memref<!tpu.dma_semaphore, #tpu.memory_space<semaphore_mem>>) src(%arg8 : memref<125x128xf32, #tpu.memory_space<vmem>>) dst(%dma_wait3A_155 : memref<10240x128xf32, #tpu.memory_space<vmem_shared>>)
        tpu.yield
      }) : () -> ()
    }
    %scan3A_79 = arith.constant 19 : i32
    %dma_start3A_80 = arith.constant 39 : i32
    %dma_start3A_81 = arith.constant 0 : i32
    %dma_start3A_82 = tpu.memref_slice %arg5[%dma_start3A_80, %dma_start3A_81] : memref<40x125xi32, #tpu.memory_space<vmem>> -> memref<1x125xi32, #tpu.memory_space<vmem>>
    %dma_start3A_83 = tpu.memref_squeeze %dma_start3A_82 : memref<1x125xi32, #tpu.memory_space<vmem>> -> memref<125xi32, #tpu.memory_space<vmem>>
    %dma_start3A_84 = arith.constant 0 : i32
    %dma_start3A_85 = arith.constant 0 : i32
    %dma_start3A_86 = tpu.memref_slice %arg2[%dma_start3A_84, %dma_start3A_85] : memref<10240x128xf32, #tpu.memory_space<hbm>> -> memref<10240x128xf32, #tpu.memory_space<hbm>>
    tpu.enqueue_indirect_dma source(%dma_start3A_86 : memref<10240x128xf32, #tpu.memory_space<hbm>>) target(%arg8 : memref<125x128xf32, #tpu.memory_space<vmem>>) offsets(%dma_start3A_83 : memref<125xi32, #tpu.memory_space<vmem>>) semaphore(%arg11 : memref<!tpu.dma_semaphore, #tpu.memory_space<semaphore_mem>>)
    %dma_wait3A_87 = arith.constant 38 : i32
    %dma_wait3A_88 = arith.constant 0 : i32
    %dma_wait3A_89 = tpu.memref_slice %arg5[%dma_wait3A_87, %dma_wait3A_88] : memref<40x125xi32, #tpu.memory_space<vmem>> -> memref<1x125xi32, #tpu.memory_space<vmem>>
    %dma_wait3A_90 = tpu.memref_squeeze %dma_wait3A_89 : memref<1x125xi32, #tpu.memory_space<vmem>> -> memref<125xi32, #tpu.memory_space<vmem>>
    %dma_wait3A_91 = arith.constant 0 : i32
    %dma_wait3A_92 = arith.constant 0 : i32
    %dma_wait3A_93 = tpu.memref_slice %arg2[%dma_wait3A_91, %dma_wait3A_92] : memref<10240x128xf32, #tpu.memory_space<hbm>> -> memref<10240x128xf32, #tpu.memory_space<hbm>>
    tpu.wait_indirect_dma semaphore(%arg10 : memref<!tpu.dma_semaphore, #tpu.memory_space<semaphore_mem>>) src(%dma_wait3A_93 : memref<10240x128xf32, #tpu.memory_space<hbm>>) dst(%arg7 : memref<125x128xf32, #tpu.memory_space<vmem>>)
    %run_scoped3A_94 = arith.constant 38 : i32
    "tpu.region"() ({
      %run_scoped3A_108 = tpu.sem_alloc : memref<!tpu.dma_semaphore, #tpu.memory_space<semaphore_mem>>
      %dma_start3A_109 = arith.constant 0 : i32
      %dma_start3A_110 = tpu.memref_slice %arg6[%run_scoped3A_94, %dma_start3A_109] : memref<40x125xi32, #tpu.memory_space<vmem>> -> memref<1x125xi32, #tpu.memory_space<vmem>>
      %dma_start3A_111 = tpu.memref_squeeze %dma_start3A_110 : memref<1x125xi32, #tpu.memory_space<vmem>> -> memref<125xi32, #tpu.memory_space<vmem>>
      %dma_start3A_112 = arith.constant 0 : i32
      %dma_start3A_113 = arith.constant 0 : i32
      %dma_start3A_114 = tpu.memref_slice %arg9[%dma_start3A_112, %dma_start3A_113] : memref<10240x128xf32, #tpu.memory_space<vmem_shared>> -> memref<10240x128xf32, #tpu.memory_space<vmem_shared>>
      tpu.enqueue_indirect_dma source(%arg7 : memref<125x128xf32, #tpu.memory_space<vmem>>) target(%dma_start3A_114 : memref<10240x128xf32, #tpu.memory_space<vmem_shared>>) offsets(%dma_start3A_111 : memref<125xi32, #tpu.memory_space<vmem>>) semaphore(%run_scoped3A_108 : memref<!tpu.dma_semaphore, #tpu.memory_space<semaphore_mem>>) {add = true}
      %dma_wait3A_115 = arith.constant 0 : i32
      %dma_wait3A_116 = tpu.memref_slice %arg6[%run_scoped3A_94, %dma_wait3A_115] : memref<40x125xi32, #tpu.memory_space<vmem>> -> memref<1x125xi32, #tpu.memory_space<vmem>>
      %dma_wait3A_117 = tpu.memref_squeeze %dma_wait3A_116 : memref<1x125xi32, #tpu.memory_space<vmem>> -> memref<125xi32, #tpu.memory_space<vmem>>
      %dma_wait3A_118 = arith.constant 0 : i32
      %dma_wait3A_119 = arith.constant 0 : i32
      %dma_wait3A_120 = tpu.memref_slice %arg9[%dma_wait3A_118, %dma_wait3A_119] : memref<10240x128xf32, #tpu.memory_space<vmem_shared>> -> memref<10240x128xf32, #tpu.memory_space<vmem_shared>>
      tpu.wait_indirect_dma semaphore(%run_scoped3A_108 : memref<!tpu.dma_semaphore, #tpu.memory_space<semaphore_mem>>) src(%arg7 : memref<125x128xf32, #tpu.memory_space<vmem>>) dst(%dma_wait3A_120 : memref<10240x128xf32, #tpu.memory_space<vmem_shared>>)
      tpu.yield
    }) : () -> ()
    %dma_wait3A_95 = arith.constant 39 : i32
    %dma_wait3A_96 = arith.constant 0 : i32
    %dma_wait3A_97 = tpu.memref_slice %arg5[%dma_wait3A_95, %dma_wait3A_96] : memref<40x125xi32, #tpu.memory_space<vmem>> -> memref<1x125xi32, #tpu.memory_space<vmem>>
    %dma_wait3A_98 = tpu.memref_squeeze %dma_wait3A_97 : memref<1x125xi32, #tpu.memory_space<vmem>> -> memref<125xi32, #tpu.memory_space<vmem>>
    %dma_wait3A_99 = arith.constant 0 : i32
    %dma_wait3A_100 = arith.constant 0 : i32
    %dma_wait3A_101 = tpu.memref_slice %arg2[%dma_wait3A_99, %dma_wait3A_100] : memref<10240x128xf32, #tpu.memory_space<hbm>> -> memref<10240x128xf32, #tpu.memory_space<hbm>>
    tpu.wait_indirect_dma semaphore(%arg11 : memref<!tpu.dma_semaphore, #tpu.memory_space<semaphore_mem>>) src(%dma_wait3A_101 : memref<10240x128xf32, #tpu.memory_space<hbm>>) dst(%arg8 : memref<125x128xf32, #tpu.memory_space<vmem>>)
    %run_scoped3A_102 = arith.constant 39 : i32
    "tpu.region"() ({
      %run_scoped3A_108 = tpu.sem_alloc : memref<!tpu.dma_semaphore, #tpu.memory_space<semaphore_mem>>
      %dma_start3A_109 = arith.constant 0 : i32
      %dma_start3A_110 = tpu.memref_slice %arg6[%run_scoped3A_102, %dma_start3A_109] : memref<40x125xi32, #tpu.memory_space<vmem>> -> memref<1x125xi32, #tpu.memory_space<vmem>>
      %dma_start3A_111 = tpu.memref_squeeze %dma_start3A_110 : memref<1x125xi32, #tpu.memory_space<vmem>> -> memref<125xi32, #tpu.memory_space<vmem>>
      %dma_start3A_112 = arith.constant 0 : i32
      %dma_start3A_113 = arith.constant 0 : i32
      %dma_start3A_114 = tpu.memref_slice %arg9[%dma_start3A_112, %dma_start3A_113] : memref<10240x128xf32, #tpu.memory_space<vmem_shared>> -> memref<10240x128xf32, #tpu.memory_space<vmem_shared>>
      tpu.enqueue_indirect_dma source(%arg8 : memref<125x128xf32, #tpu.memory_space<vmem>>) target(%dma_start3A_114 : memref<10240x128xf32, #tpu.memory_space<vmem_shared>>) offsets(%dma_start3A_111 : memref<125xi32, #tpu.memory_space<vmem>>) semaphore(%run_scoped3A_108 : memref<!tpu.dma_semaphore, #tpu.memory_space<semaphore_mem>>) {add = true}
      %dma_wait3A_115 = arith.constant 0 : i32
      %dma_wait3A_116 = tpu.memref_slice %arg6[%run_scoped3A_102, %dma_wait3A_115] : memref<40x125xi32, #tpu.memory_space<vmem>> -> memref<1x125xi32, #tpu.memory_space<vmem>>
      %dma_wait3A_117 = tpu.memref_squeeze %dma_wait3A_116 : memref<1x125xi32, #tpu.memory_space<vmem>> -> memref<125xi32, #tpu.memory_space<vmem>>
      %dma_wait3A_118 = arith.constant 0 : i32
      %dma_wait3A_119 = arith.constant 0 : i32
      %dma_wait3A_120 = tpu.memref_slice %arg9[%dma_wait3A_118, %dma_wait3A_119] : memref<10240x128xf32, #tpu.memory_space<vmem_shared>> -> memref<10240x128xf32, #tpu.memory_space<vmem_shared>>
      tpu.wait_indirect_dma semaphore(%run_scoped3A_108 : memref<!tpu.dma_semaphore, #tpu.memory_space<semaphore_mem>>) src(%arg8 : memref<125x128xf32, #tpu.memory_space<vmem>>) dst(%dma_wait3A_120 : memref<10240x128xf32, #tpu.memory_space<vmem_shared>>)
      tpu.yield
    }) : () -> ()
    %barrier3A_103 = arith.constant 0 : index
    tpu.barrier barrier_id(%barrier3A_103)
    %mul3A_104 = arith.constant 640 : i32
    %mul3A_105 = arith.muli %arg1, %mul3A_104 : i32
    %mul3A_106 = arith.constant 640 : i32
    %mul3A_107 = arith.muli %arg1, %mul3A_106 : i32
    "tpu.region"() ({
      %run_scoped3A_108 = tpu.sem_alloc : memref<!tpu.dma_semaphore, #tpu.memory_space<semaphore_mem>>
      %dma_start3A_109 = arith.constant 0 : i32
      %dma_start3A_110 = arith.constant 0 : i32
      %dma_start3A_111 = tpu.memref_slice %arg4[%arg0, %dma_start3A_109, %dma_start3A_110] : memref<2x10240x128xf32, #tpu.memory_space<hbm>> -> memref<1x10240x128xf32, #tpu.memory_space<hbm>>
      %dma_start3A_112 = tpu.memref_squeeze %dma_start3A_111 : memref<1x10240x128xf32, #tpu.memory_space<hbm>> -> memref<10240x128xf32, #tpu.memory_space<hbm>>
      %dma_start3A_113 = arith.constant 0 : i32
      %dma_start3A_114 = tpu.memref_slice %dma_start3A_112[%mul3A_107, %dma_start3A_113] : memref<10240x128xf32, #tpu.memory_space<hbm>> -> memref<640x128xf32, #tpu.memory_space<hbm>>
      %dma_start3A_115 = arith.constant 0 : i32
      %dma_start3A_116 = tpu.memref_slice %arg9[%mul3A_105, %dma_start3A_115] : memref<10240x128xf32, #tpu.memory_space<vmem_shared>> -> memref<640x128xf32, #tpu.memory_space<vmem_shared>>
      tpu.enqueue_dma source(%dma_start3A_116 : memref<640x128xf32, #tpu.memory_space<vmem_shared>>) target(%dma_start3A_114 : memref<640x128xf32, #tpu.memory_space<hbm>>) target_semaphore(%run_scoped3A_108 : memref<!tpu.dma_semaphore, #tpu.memory_space<semaphore_mem>>)
      %dma_wait3A_117 = arith.constant 0 : i32
      %dma_wait3A_118 = arith.constant 0 : i32
      %dma_wait3A_119 = tpu.memref_slice %arg4[%arg0, %dma_wait3A_117, %dma_wait3A_118] : memref<2x10240x128xf32, #tpu.memory_space<hbm>> -> memref<1x10240x128xf32, #tpu.memory_space<hbm>>
      %dma_wait3A_120 = tpu.memref_squeeze %dma_wait3A_119 : memref<1x10240x128xf32, #tpu.memory_space<hbm>> -> memref<10240x128xf32, #tpu.memory_space<hbm>>
      %dma_wait3A_121 = arith.constant 0 : i32
      %dma_wait3A_122 = tpu.memref_slice %dma_wait3A_120[%mul3A_107, %dma_wait3A_121] : memref<10240x128xf32, #tpu.memory_space<hbm>> -> memref<640x128xf32, #tpu.memory_space<hbm>>
      %dma_wait3A_123 = arith.constant 0 : i32
      %dma_wait3A_124 = tpu.memref_slice %arg9[%mul3A_105, %dma_wait3A_123] : memref<10240x128xf32, #tpu.memory_space<vmem_shared>> -> memref<640x128xf32, #tpu.memory_space<vmem_shared>>
      tpu.wait_dma2 semaphore(%run_scoped3A_108 : memref<!tpu.dma_semaphore, #tpu.memory_space<semaphore_mem>>) src(%dma_wait3A_124 : memref<640x128xf32, #tpu.memory_space<vmem_shared>>) dst(%dma_wait3A_122 : memref<640x128xf32, #tpu.memory_space<hbm>>)
      tpu.yield
    }) : () -> ()
    return
  }
}

#map = affine_map<(d0, d1) -> (0, 0, 0, 0)>
#map1 = affine_map<(d0, d1) -> (0, 0)>
module attributes {stable_mosaic.version = 14 : i64} {
  func.func @_deg_kernel(%arg0: i32, %arg1: i32, %arg2: memref<2x32x80x125xi32, #tpu.memory_space<hbm>>, %arg3: memref<2x10240xf32, #tpu.memory_space<hbm>>, %arg4: memref<80x125xi32, #tpu.memory_space<vmem>>, %arg5: memref<128xf32, #tpu.memory_space<vmem>>, %arg6: memref<640xf32, #tpu.memory_space<vmem>>, %arg7: memref<10240xf32, #tpu.memory_space<vmem_shared>>) attributes {dimension_semantics = [#tpu.dimension_semantics<core_parallel>, #tpu.dimension_semantics<subcore_parallel>], iteration_bounds = array<i64: 2, 16>, scalar_prefetch = 0 : i64, scratch_operands = 4 : i64, tpu.core_type = #tpu.core_type<sc_vector_subcore>, window_params = [{transform_indices = #map}, {transform_indices = #map1}]} {
    %mul3A = arith.constant 16 : i32
    %mul3A_0 = arith.muli %arg0, %mul3A : i32
    %add3A = arith.addi %mul3A_0, %arg1 : i32
    %scan3A = arith.constant 0 : i32
    %scan3A_1 = arith.constant 0 : i32
    %scan3A_2 = arith.constant 8 : i32
    %scan3A_3 = arith.addi %scan3A_1, %scan3A_2 : i32
    %scan3A_4 = arith.constant 1 : i32
    scf.for %scan3A_25 = %scan3A_1 to %scan3A_3 step %scan3A_4  : i32 {
      %broadcast_in_dim3A = arith.constant 1.000000e+00 : f32
      %broadcast_in_dim3A_26 = vector.broadcast %broadcast_in_dim3A : f32 to vector<16xf32>
      %mul3A_27 = arith.constant 16 : i32
      %mul3A_28 = arith.muli %scan3A_25, %mul3A_27 : i32
      %swap3A = arith.index_cast %mul3A_28 : i32 to index
      %swap3A_29 = tpu.vector_load %arg5[%swap3A] {strides = array<i32>} : memref<128xf32, #tpu.memory_space<vmem>>, vector<16xf32>,
      %swap3A_30 = vector.shape_cast %swap3A_29 : vector<16xf32> to vector<16xf32>
      %swap3A_31 = vector.shape_cast %broadcast_in_dim3A_26 : vector<16xf32> to vector<16xf32>
      tpu.vector_store %arg5[%swap3A], %swap3A_31 {strides = array<i32>} : memref<128xf32, #tpu.memory_space<vmem>>, vector<16xf32>,
    }
    %scan3A_5 = arith.constant 8 : i32
    %scan3A_6 = arith.constant 0 : i32
    %scan3A_7 = arith.constant 0 : i32
    %scan3A_8 = arith.constant 40 : i32
    %scan3A_9 = arith.addi %scan3A_7, %scan3A_8 : i32
    %scan3A_10 = arith.constant 1 : i32
    scf.for %scan3A_25 = %scan3A_7 to %scan3A_9 step %scan3A_10  : i32 {
      %broadcast_in_dim3A = arith.constant 0.000000e+00 : f32
      %broadcast_in_dim3A_26 = vector.broadcast %broadcast_in_dim3A : f32 to vector<16xf32>
      %mul3A_27 = arith.constant 16 : i32
      %mul3A_28 = arith.muli %scan3A_25, %mul3A_27 : i32
      %swap3A = arith.index_cast %mul3A_28 : i32 to index
      %swap3A_29 = tpu.vector_load %arg6[%swap3A] {strides = array<i32>} : memref<640xf32, #tpu.memory_space<vmem>>, vector<16xf32>,
      %swap3A_30 = vector.shape_cast %swap3A_29 : vector<16xf32> to vector<16xf32>
      %swap3A_31 = vector.shape_cast %broadcast_in_dim3A_26 : vector<16xf32> to vector<16xf32>
      tpu.vector_store %arg6[%swap3A], %swap3A_31 {strides = array<i32>} : memref<640xf32, #tpu.memory_space<vmem>>, vector<16xf32>,
    }
    %scan3A_11 = arith.constant 40 : i32
    %mul3A_12 = arith.constant 640 : i32
    %mul3A_13 = arith.muli %arg1, %mul3A_12 : i32
    "tpu.region"() ({
      %run_scoped3A_25 = tpu.sem_alloc : memref<!tpu.dma_semaphore, #tpu.memory_space<semaphore_mem>>
      %dma_start3A = tpu.memref_slice %arg7[%mul3A_13] : memref<10240xf32, #tpu.memory_space<vmem_shared>> -> memref<640xf32, #tpu.memory_space<vmem_shared>>
      %dma_start3A_26 = tpu.memref_slice %arg7[%mul3A_13] : memref<10240xf32, #tpu.memory_space<vmem_shared>> -> memref<640xf32, #tpu.memory_space<vmem_shared>>
      tpu.enqueue_dma source(%arg6 : memref<640xf32, #tpu.memory_space<vmem>>) target(%dma_start3A_26 : memref<640xf32, #tpu.memory_space<vmem_shared>>) target_semaphore(%run_scoped3A_25 : memref<!tpu.dma_semaphore, #tpu.memory_space<semaphore_mem>>)
      %dma_wait3A = tpu.memref_slice %arg7[%mul3A_13] : memref<10240xf32, #tpu.memory_space<vmem_shared>> -> memref<640xf32, #tpu.memory_space<vmem_shared>>
      %dma_wait3A_27 = tpu.memref_slice %arg7[%mul3A_13] : memref<10240xf32, #tpu.memory_space<vmem_shared>> -> memref<640xf32, #tpu.memory_space<vmem_shared>>
      tpu.wait_dma2 semaphore(%run_scoped3A_25 : memref<!tpu.dma_semaphore, #tpu.memory_space<semaphore_mem>>) src(%arg6 : memref<640xf32, #tpu.memory_space<vmem>>) dst(%dma_wait3A_27 : memref<640xf32, #tpu.memory_space<vmem_shared>>)
      tpu.yield
    }) : () -> ()
    %run_scoped3A = arith.constant 1 : i32
    "tpu.region"() ({
      %run_scoped3A_25 = tpu.sem_alloc : memref<!tpu.dma_semaphore, #tpu.memory_space<semaphore_mem>>
      %dma_start3A = arith.constant 0 : i32
      %dma_start3A_26 = arith.constant 0 : i32
      %dma_start3A_27 = arith.constant 0 : i32
      %dma_start3A_28 = tpu.memref_slice %arg2[%run_scoped3A, %dma_start3A, %dma_start3A_26, %dma_start3A_27] : memref<2x32x80x125xi32, #tpu.memory_space<hbm>> -> memref<1x32x80x125xi32, #tpu.memory_space<hbm>>
      %dma_start3A_29 = tpu.memref_squeeze %dma_start3A_28 : memref<1x32x80x125xi32, #tpu.memory_space<hbm>> -> memref<32x80x125xi32, #tpu.memory_space<hbm>>
      %dma_start3A_30 = arith.constant 0 : i32
      %dma_start3A_31 = arith.constant 0 : i32
      %dma_start3A_32 = tpu.memref_slice %dma_start3A_29[%add3A, %dma_start3A_30, %dma_start3A_31] : memref<32x80x125xi32, #tpu.memory_space<hbm>> -> memref<1x80x125xi32, #tpu.memory_space<hbm>>
      %dma_start3A_33 = tpu.memref_squeeze %dma_start3A_32 : memref<1x80x125xi32, #tpu.memory_space<hbm>> -> memref<80x125xi32, #tpu.memory_space<hbm>>
      %dma_start3A_34 = arith.constant 0 : i32
      %dma_start3A_35 = arith.constant 0 : i32
      %dma_start3A_36 = arith.constant 0 : i32
      %dma_start3A_37 = tpu.memref_slice %arg2[%run_scoped3A, %dma_start3A_34, %dma_start3A_35, %dma_start3A_36] : memref<2x32x80x125xi32, #tpu.memory_space<hbm>> -> memref<1x32x80x125xi32, #tpu.memory_space<hbm>>
      %dma_start3A_38 = tpu.memref_squeeze %dma_start3A_37 : memref<1x32x80x125xi32, #tpu.memory_space<hbm>> -> memref<32x80x125xi32, #tpu.memory_space<hbm>>
      %dma_start3A_39 = arith.constant 0 : i32
      %dma_start3A_40 = arith.constant 0 : i32
      %dma_start3A_41 = tpu.memref_slice %dma_start3A_38[%add3A, %dma_start3A_39, %dma_start3A_40] : memref<32x80x125xi32, #tpu.memory_space<hbm>> -> memref<1x80x125xi32, #tpu.memory_space<hbm>>
      %dma_start3A_42 = tpu.memref_squeeze %dma_start3A_41 : memref<1x80x125xi32, #tpu.memory_space<hbm>> -> memref<80x125xi32, #tpu.memory_space<hbm>>
      tpu.enqueue_dma source(%dma_start3A_42 : memref<80x125xi32, #tpu.memory_space<hbm>>) target(%arg4 : memref<80x125xi32, #tpu.memory_space<vmem>>) target_semaphore(%run_scoped3A_25 : memref<!tpu.dma_semaphore, #tpu.memory_space<semaphore_mem>>)
      %dma_wait3A = arith.constant 0 : i32
      %dma_wait3A_43 = arith.constant 0 : i32
      %dma_wait3A_44 = arith.constant 0 : i32
      %dma_wait3A_45 = tpu.memref_slice %arg2[%run_scoped3A, %dma_wait3A, %dma_wait3A_43, %dma_wait3A_44] : memref<2x32x80x125xi32, #tpu.memory_space<hbm>> -> memref<1x32x80x125xi32, #tpu.memory_space<hbm>>
      %dma_wait3A_46 = tpu.memref_squeeze %dma_wait3A_45 : memref<1x32x80x125xi32, #tpu.memory_space<hbm>> -> memref<32x80x125xi32, #tpu.memory_space<hbm>>
      %dma_wait3A_47 = arith.constant 0 : i32
      %dma_wait3A_48 = arith.constant 0 : i32
      %dma_wait3A_49 = tpu.memref_slice %dma_wait3A_46[%add3A, %dma_wait3A_47, %dma_wait3A_48] : memref<32x80x125xi32, #tpu.memory_space<hbm>> -> memref<1x80x125xi32, #tpu.memory_space<hbm>>
      %dma_wait3A_50 = tpu.memref_squeeze %dma_wait3A_49 : memref<1x80x125xi32, #tpu.memory_space<hbm>> -> memref<80x125xi32, #tpu.memory_space<hbm>>
      %dma_wait3A_51 = arith.constant 0 : i32
      %dma_wait3A_52 = arith.constant 0 : i32
      %dma_wait3A_53 = arith.constant 0 : i32
      %dma_wait3A_54 = tpu.memref_slice %arg2[%run_scoped3A, %dma_wait3A_51, %dma_wait3A_52, %dma_wait3A_53] : memref<2x32x80x125xi32, #tpu.memory_space<hbm>> -> memref<1x32x80x125xi32, #tpu.memory_space<hbm>>
      %dma_wait3A_55 = tpu.memref_squeeze %dma_wait3A_54 : memref<1x32x80x125xi32, #tpu.memory_space<hbm>> -> memref<32x80x125xi32, #tpu.memory_space<hbm>>
      %dma_wait3A_56 = arith.constant 0 : i32
      %dma_wait3A_57 = arith.constant 0 : i32
      %dma_wait3A_58 = tpu.memref_slice %dma_wait3A_55[%add3A, %dma_wait3A_56, %dma_wait3A_57] : memref<32x80x125xi32, #tpu.memory_space<hbm>> -> memref<1x80x125xi32, #tpu.memory_space<hbm>>
      %dma_wait3A_59 = tpu.memref_squeeze %dma_wait3A_58 : memref<1x80x125xi32, #tpu.memory_space<hbm>> -> memref<80x125xi32, #tpu.memory_space<hbm>>
      tpu.wait_dma2 semaphore(%run_scoped3A_25 : memref<!tpu.dma_semaphore, #tpu.memory_space<semaphore_mem>>) src(%dma_wait3A_59 : memref<80x125xi32, #tpu.memory_space<hbm>>) dst(%arg4 : memref<80x125xi32, #tpu.memory_space<vmem>>)
      tpu.yield
    }) : () -> ()
    %barrier3A = arith.constant 0 : index
    tpu.barrier barrier_id(%barrier3A)
    %scan3A_14 = arith.constant 0 : i32
    %scan3A_15 = arith.constant 0 : i32
    %scan3A_16 = arith.constant 80 : i32
    %scan3A_17 = arith.addi %scan3A_15, %scan3A_16 : i32
    %scan3A_18 = arith.constant 1 : i32
    scf.for %scan3A_25 = %scan3A_15 to %scan3A_17 step %scan3A_18  : i32 {
      "tpu.region"() ({
        %run_scoped3A_26 = tpu.sem_alloc : memref<!tpu.dma_semaphore, #tpu.memory_space<semaphore_mem>>
        %dma_start3A = arith.constant 0 : i32
        %dma_start3A_27 = tpu.memref_slice %arg5[%dma_start3A] : memref<128xf32, #tpu.memory_space<vmem>> -> memref<125xf32, #tpu.memory_space<vmem>>
        %dma_start3A_28 = arith.constant 0 : i32
        %dma_start3A_29 = tpu.memref_slice %arg4[%scan3A_25, %dma_start3A_28] : memref<80x125xi32, #tpu.memory_space<vmem>> -> memref<1x125xi32, #tpu.memory_space<vmem>>
        %dma_start3A_30 = tpu.memref_squeeze %dma_start3A_29 : memref<1x125xi32, #tpu.memory_space<vmem>> -> memref<125xi32, #tpu.memory_space<vmem>>
        %dma_start3A_31 = arith.constant 0 : i32
        %dma_start3A_32 = tpu.memref_slice %arg7[%dma_start3A_31] : memref<10240xf32, #tpu.memory_space<vmem_shared>> -> memref<10240xf32, #tpu.memory_space<vmem_shared>>
        tpu.enqueue_indirect_dma source(%dma_start3A_27 : memref<125xf32, #tpu.memory_space<vmem>>) target(%dma_start3A_32 : memref<10240xf32, #tpu.memory_space<vmem_shared>>) offsets(%dma_start3A_30 : memref<125xi32, #tpu.memory_space<vmem>>) semaphore(%run_scoped3A_26 : memref<!tpu.dma_semaphore, #tpu.memory_space<semaphore_mem>>) {add = true}
        %dma_wait3A = arith.constant 0 : i32
        %dma_wait3A_33 = tpu.memref_slice %arg5[%dma_wait3A] : memref<128xf32, #tpu.memory_space<vmem>> -> memref<125xf32, #tpu.memory_space<vmem>>
        %dma_wait3A_34 = arith.constant 0 : i32
        %dma_wait3A_35 = tpu.memref_slice %arg4[%scan3A_25, %dma_wait3A_34] : memref<80x125xi32, #tpu.memory_space<vmem>> -> memref<1x125xi32, #tpu.memory_space<vmem>>
        %dma_wait3A_36 = tpu.memref_squeeze %dma_wait3A_35 : memref<1x125xi32, #tpu.memory_space<vmem>> -> memref<125xi32, #tpu.memory_space<vmem>>
        %dma_wait3A_37 = arith.constant 0 : i32
        %dma_wait3A_38 = tpu.memref_slice %arg7[%dma_wait3A_37] : memref<10240xf32, #tpu.memory_space<vmem_shared>> -> memref<10240xf32, #tpu.memory_space<vmem_shared>>
        tpu.wait_indirect_dma semaphore(%run_scoped3A_26 : memref<!tpu.dma_semaphore, #tpu.memory_space<semaphore_mem>>) src(%dma_wait3A_33 : memref<125xf32, #tpu.memory_space<vmem>>) dst(%dma_wait3A_38 : memref<10240xf32, #tpu.memory_space<vmem_shared>>)
        tpu.yield
      }) : () -> ()
    }
    %scan3A_19 = arith.constant 80 : i32
    %barrier3A_20 = arith.constant 0 : index
    tpu.barrier barrier_id(%barrier3A_20)
    %mul3A_21 = arith.constant 640 : i32
    %mul3A_22 = arith.muli %arg1, %mul3A_21 : i32
    %mul3A_23 = arith.constant 640 : i32
    %mul3A_24 = arith.muli %arg1, %mul3A_23 : i32
    "tpu.region"() ({
      %run_scoped3A_25 = tpu.sem_alloc : memref<!tpu.dma_semaphore, #tpu.memory_space<semaphore_mem>>
      %dma_start3A = arith.constant 0 : i32
      %dma_start3A_26 = tpu.memref_slice %arg3[%arg0, %dma_start3A] : memref<2x10240xf32, #tpu.memory_space<hbm>> -> memref<1x10240xf32, #tpu.memory_space<hbm>>
      %dma_start3A_27 = tpu.memref_squeeze %dma_start3A_26 : memref<1x10240xf32, #tpu.memory_space<hbm>> -> memref<10240xf32, #tpu.memory_space<hbm>>
      %dma_start3A_28 = tpu.memref_slice %dma_start3A_27[%mul3A_24] : memref<10240xf32, #tpu.memory_space<hbm>> -> memref<640xf32, #tpu.memory_space<hbm>>
      %dma_start3A_29 = tpu.memref_slice %arg7[%mul3A_22] : memref<10240xf32, #tpu.memory_space<vmem_shared>> -> memref<640xf32, #tpu.memory_space<vmem_shared>>
      tpu.enqueue_dma source(%dma_start3A_29 : memref<640xf32, #tpu.memory_space<vmem_shared>>) target(%dma_start3A_28 : memref<640xf32, #tpu.memory_space<hbm>>) target_semaphore(%run_scoped3A_25 : memref<!tpu.dma_semaphore, #tpu.memory_space<semaphore_mem>>)
      %dma_wait3A = arith.constant 0 : i32
      %dma_wait3A_30 = tpu.memref_slice %arg3[%arg0, %dma_wait3A] : memref<2x10240xf32, #tpu.memory_space<hbm>> -> memref<1x10240xf32, #tpu.memory_space<hbm>>
      %dma_wait3A_31 = tpu.memref_squeeze %dma_wait3A_30 : memref<1x10240xf32, #tpu.memory_space<hbm>> -> memref<10240xf32, #tpu.memory_space<hbm>>
      %dma_wait3A_32 = tpu.memref_slice %dma_wait3A_31[%mul3A_24] : memref<10240xf32, #tpu.memory_space<hbm>> -> memref<640xf32, #tpu.memory_space<hbm>>
      %dma_wait3A_33 = tpu.memref_slice %arg7[%mul3A_22] : memref<10240xf32, #tpu.memory_space<vmem_shared>> -> memref<640xf32, #tpu.memory_space<vmem_shared>>
      tpu.wait_dma2 semaphore(%run_scoped3A_25 : memref<!tpu.dma_semaphore, #tpu.memory_space<semaphore_mem>>) src(%dma_wait3A_33 : memref<640xf32, #tpu.memory_space<vmem_shared>>) dst(%dma_wait3A_32 : memref<640xf32, #tpu.memory_space<hbm>>)
      tpu.yield
    }) : () -> ()
    return
  }
}

#map = affine_map<(d0, d1) -> (0, 0)>
#map1 = affine_map<(d0, d1) -> (0, 0, 0, 0)>
#map2 = affine_map<(d0, d1) -> (0, 0, 0)>
module attributes {stable_mosaic.version = 14 : i64} {
  func.func @_agg_kernel(%arg0: i32, %arg1: i32, %arg2: memref<10240x128xf32, #tpu.memory_space<hbm>>, %arg3: memref<2x32x80x125xi32, #tpu.memory_space<hbm>>, %arg4: memref<2x10240x128xf32, #tpu.memory_space<hbm>>, %arg5: memref<40x125xi32, #tpu.memory_space<vmem>>, %arg6: memref<40x125xi32, #tpu.memory_space<vmem>>, %arg7: memref<125x128xf32, #tpu.memory_space<vmem>>, %arg8: memref<125x128xf32, #tpu.memory_space<vmem>>, %arg9: memref<10240x128xf32, #tpu.memory_space<vmem_shared>>, %arg10: memref<!tpu.dma_semaphore, #tpu.memory_space<semaphore_mem>>, %arg11: memref<!tpu.dma_semaphore, #tpu.memory_space<semaphore_mem>>) attributes {dimension_semantics = [#tpu.dimension_semantics<core_parallel>, #tpu.dimension_semantics<subcore_parallel>], iteration_bounds = array<i64: 2, 16>, scalar_prefetch = 0 : i64, scratch_operands = 7 : i64, tpu.core_type = #tpu.core_type<sc_vector_subcore>, window_params = [{transform_indices = #map}, {transform_indices = #map1}, {transform_indices = #map2}]} {
    %mul3A = arith.constant 16 : i32
    %mul3A_0 = arith.muli %arg0, %mul3A : i32
    %add3A = arith.addi %mul3A_0, %arg1 : i32
    %scan3A = arith.constant 0 : i32
    %scan3A_1 = arith.constant 0 : i32
    %scan3A_2 = arith.constant 1000 : i32
    %scan3A_3 = arith.addi %scan3A_1, %scan3A_2 : i32
    %scan3A_4 = arith.constant 1 : i32
    scf.for %scan3A_108 = %scan3A_1 to %scan3A_3 step %scan3A_4  : i32 {
      %broadcast_in_dim3A = arith.constant 0.000000e+00 : f32
      %broadcast_in_dim3A_109 = vector.broadcast %broadcast_in_dim3A : f32 to vector<16xf32>
      %jit3A = arith.constant 8 : i32
      %div3A = arith.divsi %scan3A_108, %jit3A : i32
      %sign3A = arith.constant 0 : i32
      %sign3A_110 = arith.cmpi sgt, %scan3A_108, %sign3A : i32
      %sign3A_111 = arith.extui %sign3A_110 : i1 to i32
      %sign3A_112 = arith.constant 0 : i32
      %sign3A_113 = arith.cmpi slt, %scan3A_108, %sign3A_112 : i32
      %sign3A_114 = arith.extui %sign3A_113 : i1 to i32
      %sign3A_115 = arith.subi %sign3A_111, %sign3A_114 : i32
      %sign3A_116 = arith.constant 0 : i32
      %sign3A_117 = arith.cmpi sgt, %jit3A, %sign3A_116 : i32
      %sign3A_118 = arith.extui %sign3A_117 : i1 to i32
      %sign3A_119 = arith.constant 0 : i32
      %sign3A_120 = arith.cmpi slt, %jit3A, %sign3A_119 : i32
      %sign3A_121 = arith.extui %sign3A_120 : i1 to i32
      %sign3A_122 = arith.subi %sign3A_118, %sign3A_121 : i32
      %ne3A = arith.cmpi ne, %sign3A_115, %sign3A_122 : i32
      %rem3A = arith.remsi %scan3A_108, %jit3A : i32
      %ne3A_123 = arith.constant 0 : i32
      %ne3A_124 = arith.cmpi ne, %rem3A, %ne3A_123 : i32
      %and3A = arith.andi %ne3A, %ne3A_124 : i1
      %sub3A = arith.constant 1 : i32
      %sub3A_125 = arith.subi %div3A, %sub3A : i32
      %select_n3A = arith.select %and3A, %sub3A_125, %div3A : i32
      %jit3A_126 = arith.constant 8 : i32
      %eq3A = arith.constant 0 : i32
      %eq3A_127 = arith.cmpi eq, %jit3A_126, %eq3A : i32
      %jit3A_128 = arith.constant 1 : i32
      %select_n3A_129 = arith.select %eq3A_127, %jit3A_128, %jit3A_126 : i32
      %rem3A_130 = arith.remsi %scan3A_108, %select_n3A_129 : i32
      %ne3A_131 = arith.constant 0 : i32
      %ne3A_132 = arith.cmpi ne, %rem3A_130, %ne3A_131 : i32
      %lt3A = arith.constant 0 : i32
      %lt3A_133 = arith.cmpi slt, %rem3A_130, %lt3A : i32
      %lt3A_134 = arith.constant 0 : i32
      %lt3A_135 = arith.cmpi slt, %select_n3A_129, %lt3A_134 : i32
      %ne3A_136 = arith.xori %lt3A_133, %lt3A_135 : i1
      %and3A_137 = arith.andi %ne3A_136, %ne3A_132 : i1
      %add3A_138 = arith.addi %rem3A_130, %select_n3A_129 : i32
      %select_n3A_139 = arith.select %and3A_137, %add3A_138, %rem3A_130 : i32
      %mul3A_140 = arith.constant 16 : i32
      %mul3A_141 = arith.muli %select_n3A_139, %mul3A_140 : i32
      %swap3A = arith.index_cast %select_n3A : i32 to index
      %swap3A_142 = arith.index_cast %mul3A_141 : i32 to index
      %swap3A_143 = tpu.vector_load %arg7[%swap3A, %swap3A_142] {strides = array<i32>} : memref<125x128xf32, #tpu.memory_space<vmem>>, vector<1x16xf32>,
      %swap3A_144 = vector.shape_cast %swap3A_143 : vector<1x16xf32> to vector<16xf32>
      %swap3A_145 = vector.shape_cast %broadcast_in_dim3A_109 : vector<16xf32> to vector<1x16xf32>
      tpu.vector_store %arg7[%swap3A, %swap3A_142], %swap3A_145 {strides = array<i32>} : memref<125x128xf32, #tpu.memory_space<vmem>>, vector<1x16xf32>,
    }
    %scan3A_5 = arith.constant 1000 : i32
    %mul3A_6 = arith.constant 640 : i32
    %mul3A_7 = arith.muli %arg1, %mul3A_6 : i32
    %add3A_8 = arith.constant 0 : i32
    %add3A_9 = arith.addi %mul3A_7, %add3A_8 : i32
    "tpu.region"() ({
      %run_scoped3A_108 = tpu.sem_alloc : memref<!tpu.dma_semaphore, #tpu.memory_space<semaphore_mem>>
      %dma_start3A_109 = arith.constant 0 : i32
      %dma_start3A_110 = tpu.memref_slice %arg9[%add3A_9, %dma_start3A_109] : memref<10240x128xf32, #tpu.memory_space<vmem_shared>> -> memref<125x128xf32, #tpu.memory_space<vmem_shared>>
      %dma_start3A_111 = arith.constant 0 : i32
      %dma_start3A_112 = tpu.memref_slice %arg9[%add3A_9, %dma_start3A_111] : memref<10240x128xf32, #tpu.memory_space<vmem_shared>> -> memref<125x128xf32, #tpu.memory_space<vmem_shared>>
      tpu.enqueue_dma source(%arg7 : memref<125x128xf32, #tpu.memory_space<vmem>>) target(%dma_start3A_112 : memref<125x128xf32, #tpu.memory_space<vmem_shared>>) target_semaphore(%run_scoped3A_108 : memref<!tpu.dma_semaphore, #tpu.memory_space<semaphore_mem>>)
      %dma_wait3A_113 = arith.constant 0 : i32
      %dma_wait3A_114 = tpu.memref_slice %arg9[%add3A_9, %dma_wait3A_113] : memref<10240x128xf32, #tpu.memory_space<vmem_shared>> -> memref<125x128xf32, #tpu.memory_space<vmem_shared>>
      %dma_wait3A_115 = arith.constant 0 : i32
      %dma_wait3A_116 = tpu.memref_slice %arg9[%add3A_9, %dma_wait3A_115] : memref<10240x128xf32, #tpu.memory_space<vmem_shared>> -> memref<125x128xf32, #tpu.memory_space<vmem_shared>>
      tpu.wait_dma2 semaphore(%run_scoped3A_108 : memref<!tpu.dma_semaphore, #tpu.memory_space<semaphore_mem>>) src(%arg7 : memref<125x128xf32, #tpu.memory_space<vmem>>) dst(%dma_wait3A_116 : memref<125x128xf32, #tpu.memory_space<vmem_shared>>)
      tpu.yield
    }) : () -> ()
    %mul3A_10 = arith.constant 640 : i32
    %mul3A_11 = arith.muli %arg1, %mul3A_10 : i32
    %add3A_12 = arith.constant 125 : i32
    %add3A_13 = arith.addi %mul3A_11, %add3A_12 : i32
    "tpu.region"() ({
      %run_scoped3A_108 = tpu.sem_alloc : memref<!tpu.dma_semaphore, #tpu.memory_space<semaphore_mem>>
      %dma_start3A_109 = arith.constant 0 : i32
      %dma_start3A_110 = tpu.memref_slice %arg9[%add3A_13, %dma_start3A_109] : memref<10240x128xf32, #tpu.memory_space<vmem_shared>> -> memref<125x128xf32, #tpu.memory_space<vmem_shared>>
      %dma_start3A_111 = arith.constant 0 : i32
      %dma_start3A_112 = tpu.memref_slice %arg9[%add3A_13, %dma_start3A_111] : memref<10240x128xf32, #tpu.memory_space<vmem_shared>> -> memref<125x128xf32, #tpu.memory_space<vmem_shared>>
      tpu.enqueue_dma source(%arg7 : memref<125x128xf32, #tpu.memory_space<vmem>>) target(%dma_start3A_112 : memref<125x128xf32, #tpu.memory_space<vmem_shared>>) target_semaphore(%run_scoped3A_108 : memref<!tpu.dma_semaphore, #tpu.memory_space<semaphore_mem>>)
      %dma_wait3A_113 = arith.constant 0 : i32
      %dma_wait3A_114 = tpu.memref_slice %arg9[%add3A_13, %dma_wait3A_113] : memref<10240x128xf32, #tpu.memory_space<vmem_shared>> -> memref<125x128xf32, #tpu.memory_space<vmem_shared>>
      %dma_wait3A_115 = arith.constant 0 : i32
      %dma_wait3A_116 = tpu.memref_slice %arg9[%add3A_13, %dma_wait3A_115] : memref<10240x128xf32, #tpu.memory_space<vmem_shared>> -> memref<125x128xf32, #tpu.memory_space<vmem_shared>>
      tpu.wait_dma2 semaphore(%run_scoped3A_108 : memref<!tpu.dma_semaphore, #tpu.memory_space<semaphore_mem>>) src(%arg7 : memref<125x128xf32, #tpu.memory_space<vmem>>) dst(%dma_wait3A_116 : memref<125x128xf32, #tpu.memory_space<vmem_shared>>)
      tpu.yield
    }) : () -> ()
    %mul3A_14 = arith.constant 640 : i32
    %mul3A_15 = arith.muli %arg1, %mul3A_14 : i32
    %add3A_16 = arith.constant 250 : i32
    %add3A_17 = arith.addi %mul3A_15, %add3A_16 : i32
    "tpu.region"() ({
      %run_scoped3A_108 = tpu.sem_alloc : memref<!tpu.dma_semaphore, #tpu.memory_space<semaphore_mem>>
      %dma_start3A_109 = arith.constant 0 : i32
      %dma_start3A_110 = tpu.memref_slice %arg9[%add3A_17, %dma_start3A_109] : memref<10240x128xf32, #tpu.memory_space<vmem_shared>> -> memref<125x128xf32, #tpu.memory_space<vmem_shared>>
      %dma_start3A_111 = arith.constant 0 : i32
      %dma_start3A_112 = tpu.memref_slice %arg9[%add3A_17, %dma_start3A_111] : memref<10240x128xf32, #tpu.memory_space<vmem_shared>> -> memref<125x128xf32, #tpu.memory_space<vmem_shared>>
      tpu.enqueue_dma source(%arg7 : memref<125x128xf32, #tpu.memory_space<vmem>>) target(%dma_start3A_112 : memref<125x128xf32, #tpu.memory_space<vmem_shared>>) target_semaphore(%run_scoped3A_108 : memref<!tpu.dma_semaphore, #tpu.memory_space<semaphore_mem>>)
      %dma_wait3A_113 = arith.constant 0 : i32
      %dma_wait3A_114 = tpu.memref_slice %arg9[%add3A_17, %dma_wait3A_113] : memref<10240x128xf32, #tpu.memory_space<vmem_shared>> -> memref<125x128xf32, #tpu.memory_space<vmem_shared>>
      %dma_wait3A_115 = arith.constant 0 : i32
      %dma_wait3A_116 = tpu.memref_slice %arg9[%add3A_17, %dma_wait3A_115] : memref<10240x128xf32, #tpu.memory_space<vmem_shared>> -> memref<125x128xf32, #tpu.memory_space<vmem_shared>>
      tpu.wait_dma2 semaphore(%run_scoped3A_108 : memref<!tpu.dma_semaphore, #tpu.memory_space<semaphore_mem>>) src(%arg7 : memref<125x128xf32, #tpu.memory_space<vmem>>) dst(%dma_wait3A_116 : memref<125x128xf32, #tpu.memory_space<vmem_shared>>)
      tpu.yield
    }) : () -> ()
    %mul3A_18 = arith.constant 640 : i32
    %mul3A_19 = arith.muli %arg1, %mul3A_18 : i32
    %add3A_20 = arith.constant 375 : i32
    %add3A_21 = arith.addi %mul3A_19, %add3A_20 : i32
    "tpu.region"() ({
      %run_scoped3A_108 = tpu.sem_alloc : memref<!tpu.dma_semaphore, #tpu.memory_space<semaphore_mem>>
      %dma_start3A_109 = arith.constant 0 : i32
      %dma_start3A_110 = tpu.memref_slice %arg9[%add3A_21, %dma_start3A_109] : memref<10240x128xf32, #tpu.memory_space<vmem_shared>> -> memref<125x128xf32, #tpu.memory_space<vmem_shared>>
      %dma_start3A_111 = arith.constant 0 : i32
      %dma_start3A_112 = tpu.memref_slice %arg9[%add3A_21, %dma_start3A_111] : memref<10240x128xf32, #tpu.memory_space<vmem_shared>> -> memref<125x128xf32, #tpu.memory_space<vmem_shared>>
      tpu.enqueue_dma source(%arg7 : memref<125x128xf32, #tpu.memory_space<vmem>>) target(%dma_start3A_112 : memref<125x128xf32, #tpu.memory_space<vmem_shared>>) target_semaphore(%run_scoped3A_108 : memref<!tpu.dma_semaphore, #tpu.memory_space<semaphore_mem>>)
      %dma_wait3A_113 = arith.constant 0 : i32
      %dma_wait3A_114 = tpu.memref_slice %arg9[%add3A_21, %dma_wait3A_113] : memref<10240x128xf32, #tpu.memory_space<vmem_shared>> -> memref<125x128xf32, #tpu.memory_space<vmem_shared>>
      %dma_wait3A_115 = arith.constant 0 : i32
      %dma_wait3A_116 = tpu.memref_slice %arg9[%add3A_21, %dma_wait3A_115] : memref<10240x128xf32, #tpu.memory_space<vmem_shared>> -> memref<125x128xf32, #tpu.memory_space<vmem_shared>>
      tpu.wait_dma2 semaphore(%run_scoped3A_108 : memref<!tpu.dma_semaphore, #tpu.memory_space<semaphore_mem>>) src(%arg7 : memref<125x128xf32, #tpu.memory_space<vmem>>) dst(%dma_wait3A_116 : memref<125x128xf32, #tpu.memory_space<vmem_shared>>)
      tpu.yield
    }) : () -> ()
    %mul3A_22 = arith.constant 640 : i32
    %mul3A_23 = arith.muli %arg1, %mul3A_22 : i32
    %add3A_24 = arith.constant 500 : i32
    %add3A_25 = arith.addi %mul3A_23, %add3A_24 : i32
    "tpu.region"() ({
      %run_scoped3A_108 = tpu.sem_alloc : memref<!tpu.dma_semaphore, #tpu.memory_space<semaphore_mem>>
      %dma_start3A_109 = arith.constant 0 : i32
      %dma_start3A_110 = tpu.memref_slice %arg9[%add3A_25, %dma_start3A_109] : memref<10240x128xf32, #tpu.memory_space<vmem_shared>> -> memref<125x128xf32, #tpu.memory_space<vmem_shared>>
      %dma_start3A_111 = arith.constant 0 : i32
      %dma_start3A_112 = tpu.memref_slice %arg9[%add3A_25, %dma_start3A_111] : memref<10240x128xf32, #tpu.memory_space<vmem_shared>> -> memref<125x128xf32, #tpu.memory_space<vmem_shared>>
      tpu.enqueue_dma source(%arg7 : memref<125x128xf32, #tpu.memory_space<vmem>>) target(%dma_start3A_112 : memref<125x128xf32, #tpu.memory_space<vmem_shared>>) target_semaphore(%run_scoped3A_108 : memref<!tpu.dma_semaphore, #tpu.memory_space<semaphore_mem>>)
      %dma_wait3A_113 = arith.constant 0 : i32
      %dma_wait3A_114 = tpu.memref_slice %arg9[%add3A_25, %dma_wait3A_113] : memref<10240x128xf32, #tpu.memory_space<vmem_shared>> -> memref<125x128xf32, #tpu.memory_space<vmem_shared>>
      %dma_wait3A_115 = arith.constant 0 : i32
      %dma_wait3A_116 = tpu.memref_slice %arg9[%add3A_25, %dma_wait3A_115] : memref<10240x128xf32, #tpu.memory_space<vmem_shared>> -> memref<125x128xf32, #tpu.memory_space<vmem_shared>>
      tpu.wait_dma2 semaphore(%run_scoped3A_108 : memref<!tpu.dma_semaphore, #tpu.memory_space<semaphore_mem>>) src(%arg7 : memref<125x128xf32, #tpu.memory_space<vmem>>) dst(%dma_wait3A_116 : memref<125x128xf32, #tpu.memory_space<vmem_shared>>)
      tpu.yield
    }) : () -> ()
    %mul3A_26 = arith.constant 640 : i32
    %mul3A_27 = arith.muli %arg1, %mul3A_26 : i32
    %add3A_28 = arith.constant 625 : i32
    %add3A_29 = arith.addi %mul3A_27, %add3A_28 : i32
    "tpu.region"() ({
      %run_scoped3A_108 = tpu.sem_alloc : memref<!tpu.dma_semaphore, #tpu.memory_space<semaphore_mem>>
      %dma_start3A_109 = arith.constant 0 : i32
      %dma_start3A_110 = arith.constant 0 : i32
      %dma_start3A_111 = tpu.memref_slice %arg7[%dma_start3A_109, %dma_start3A_110] : memref<125x128xf32, #tpu.memory_space<vmem>> -> memref<15x128xf32, #tpu.memory_space<vmem>>
      %dma_start3A_112 = arith.constant 0 : i32
      %dma_start3A_113 = tpu.memref_slice %arg9[%add3A_29, %dma_start3A_112] : memref<10240x128xf32, #tpu.memory_space<vmem_shared>> -> memref<15x128xf32, #tpu.memory_space<vmem_shared>>
      %dma_start3A_114 = arith.constant 0 : i32
      %dma_start3A_115 = tpu.memref_slice %arg9[%add3A_29, %dma_start3A_114] : memref<10240x128xf32, #tpu.memory_space<vmem_shared>> -> memref<15x128xf32, #tpu.memory_space<vmem_shared>>
      %dma_start3A_116 = arith.constant 0 : i32
      %dma_start3A_117 = arith.constant 0 : i32
      %dma_start3A_118 = tpu.memref_slice %arg7[%dma_start3A_116, %dma_start3A_117] : memref<125x128xf32, #tpu.memory_space<vmem>> -> memref<15x128xf32, #tpu.memory_space<vmem>>
      tpu.enqueue_dma source(%dma_start3A_118 : memref<15x128xf32, #tpu.memory_space<vmem>>) target(%dma_start3A_115 : memref<15x128xf32, #tpu.memory_space<vmem_shared>>) target_semaphore(%run_scoped3A_108 : memref<!tpu.dma_semaphore, #tpu.memory_space<semaphore_mem>>)
      %dma_wait3A_119 = arith.constant 0 : i32
      %dma_wait3A_120 = arith.constant 0 : i32
      %dma_wait3A_121 = tpu.memref_slice %arg7[%dma_wait3A_119, %dma_wait3A_120] : memref<125x128xf32, #tpu.memory_space<vmem>> -> memref<15x128xf32, #tpu.memory_space<vmem>>
      %dma_wait3A_122 = arith.constant 0 : i32
      %dma_wait3A_123 = tpu.memref_slice %arg9[%add3A_29, %dma_wait3A_122] : memref<10240x128xf32, #tpu.memory_space<vmem_shared>> -> memref<15x128xf32, #tpu.memory_space<vmem_shared>>
      %dma_wait3A_124 = arith.constant 0 : i32
      %dma_wait3A_125 = tpu.memref_slice %arg9[%add3A_29, %dma_wait3A_124] : memref<10240x128xf32, #tpu.memory_space<vmem_shared>> -> memref<15x128xf32, #tpu.memory_space<vmem_shared>>
      %dma_wait3A_126 = arith.constant 0 : i32
      %dma_wait3A_127 = arith.constant 0 : i32
      %dma_wait3A_128 = tpu.memref_slice %arg7[%dma_wait3A_126, %dma_wait3A_127] : memref<125x128xf32, #tpu.memory_space<vmem>> -> memref<15x128xf32, #tpu.memory_space<vmem>>
      tpu.wait_dma2 semaphore(%run_scoped3A_108 : memref<!tpu.dma_semaphore, #tpu.memory_space<semaphore_mem>>) src(%dma_wait3A_128 : memref<15x128xf32, #tpu.memory_space<vmem>>) dst(%dma_wait3A_125 : memref<15x128xf32, #tpu.memory_space<vmem_shared>>)
      tpu.yield
    }) : () -> ()
    %run_scoped3A = arith.constant 0 : i32
    "tpu.region"() ({
      %run_scoped3A_108 = tpu.sem_alloc : memref<!tpu.dma_semaphore, #tpu.memory_space<semaphore_mem>>
      %dma_start3A_109 = arith.constant 0 : i32
      %dma_start3A_110 = arith.constant 0 : i32
      %dma_start3A_111 = arith.constant 0 : i32
      %dma_start3A_112 = tpu.memref_slice %arg3[%run_scoped3A, %dma_start3A_109, %dma_start3A_110, %dma_start3A_111] : memref<2x32x80x125xi32, #tpu.memory_space<hbm>> -> memref<1x32x80x125xi32, #tpu.memory_space<hbm>>
      %dma_start3A_113 = tpu.memref_squeeze %dma_start3A_112 : memref<1x32x80x125xi32, #tpu.memory_space<hbm>> -> memref<32x80x125xi32, #tpu.memory_space<hbm>>
      %dma_start3A_114 = arith.constant 0 : i32
      %dma_start3A_115 = arith.constant 0 : i32
      %dma_start3A_116 = tpu.memref_slice %dma_start3A_113[%add3A, %dma_start3A_114, %dma_start3A_115] : memref<32x80x125xi32, #tpu.memory_space<hbm>> -> memref<1x80x125xi32, #tpu.memory_space<hbm>>
      %dma_start3A_117 = tpu.memref_squeeze %dma_start3A_116 : memref<1x80x125xi32, #tpu.memory_space<hbm>> -> memref<80x125xi32, #tpu.memory_space<hbm>>
      %dma_start3A_118 = arith.constant 0 : i32
      %dma_start3A_119 = arith.constant 0 : i32
      %dma_start3A_120 = tpu.memref_slice %dma_start3A_117[%dma_start3A_118, %dma_start3A_119] : memref<80x125xi32, #tpu.memory_space<hbm>> -> memref<40x125xi32, #tpu.memory_space<hbm>>
      %dma_start3A_121 = arith.constant 0 : i32
      %dma_start3A_122 = arith.constant 0 : i32
      %dma_start3A_123 = arith.constant 0 : i32
      %dma_start3A_124 = tpu.memref_slice %arg3[%run_scoped3A, %dma_start3A_121, %dma_start3A_122, %dma_start3A_123] : memref<2x32x80x125xi32, #tpu.memory_space<hbm>> -> memref<1x32x80x125xi32, #tpu.memory_space<hbm>>
      %dma_start3A_125 = tpu.memref_squeeze %dma_start3A_124 : memref<1x32x80x125xi32, #tpu.memory_space<hbm>> -> memref<32x80x125xi32, #tpu.memory_space<hbm>>
      %dma_start3A_126 = arith.constant 0 : i32
      %dma_start3A_127 = arith.constant 0 : i32
      %dma_start3A_128 = tpu.memref_slice %dma_start3A_125[%add3A, %dma_start3A_126, %dma_start3A_127] : memref<32x80x125xi32, #tpu.memory_space<hbm>> -> memref<1x80x125xi32, #tpu.memory_space<hbm>>
      %dma_start3A_129 = tpu.memref_squeeze %dma_start3A_128 : memref<1x80x125xi32, #tpu.memory_space<hbm>> -> memref<80x125xi32, #tpu.memory_space<hbm>>
      %dma_start3A_130 = arith.constant 0 : i32
      %dma_start3A_131 = arith.constant 0 : i32
      %dma_start3A_132 = tpu.memref_slice %dma_start3A_129[%dma_start3A_130, %dma_start3A_131] : memref<80x125xi32, #tpu.memory_space<hbm>> -> memref<40x125xi32, #tpu.memory_space<hbm>>
      tpu.enqueue_dma source(%dma_start3A_132 : memref<40x125xi32, #tpu.memory_space<hbm>>) target(%arg5 : memref<40x125xi32, #tpu.memory_space<vmem>>) target_semaphore(%run_scoped3A_108 : memref<!tpu.dma_semaphore, #tpu.memory_space<semaphore_mem>>)
      %dma_wait3A_133 = arith.constant 0 : i32
      %dma_wait3A_134 = arith.constant 0 : i32
      %dma_wait3A_135 = arith.constant 0 : i32
      %dma_wait3A_136 = tpu.memref_slice %arg3[%run_scoped3A, %dma_wait3A_133, %dma_wait3A_134, %dma_wait3A_135] : memref<2x32x80x125xi32, #tpu.memory_space<hbm>> -> memref<1x32x80x125xi32, #tpu.memory_space<hbm>>
      %dma_wait3A_137 = tpu.memref_squeeze %dma_wait3A_136 : memref<1x32x80x125xi32, #tpu.memory_space<hbm>> -> memref<32x80x125xi32, #tpu.memory_space<hbm>>
      %dma_wait3A_138 = arith.constant 0 : i32
      %dma_wait3A_139 = arith.constant 0 : i32
      %dma_wait3A_140 = tpu.memref_slice %dma_wait3A_137[%add3A, %dma_wait3A_138, %dma_wait3A_139] : memref<32x80x125xi32, #tpu.memory_space<hbm>> -> memref<1x80x125xi32, #tpu.memory_space<hbm>>
      %dma_wait3A_141 = tpu.memref_squeeze %dma_wait3A_140 : memref<1x80x125xi32, #tpu.memory_space<hbm>> -> memref<80x125xi32, #tpu.memory_space<hbm>>
      %dma_wait3A_142 = arith.constant 0 : i32
      %dma_wait3A_143 = arith.constant 0 : i32
      %dma_wait3A_144 = tpu.memref_slice %dma_wait3A_141[%dma_wait3A_142, %dma_wait3A_143] : memref<80x125xi32, #tpu.memory_space<hbm>> -> memref<40x125xi32, #tpu.memory_space<hbm>>
      %dma_wait3A_145 = arith.constant 0 : i32
      %dma_wait3A_146 = arith.constant 0 : i32
      %dma_wait3A_147 = arith.constant 0 : i32
      %dma_wait3A_148 = tpu.memref_slice %arg3[%run_scoped3A, %dma_wait3A_145, %dma_wait3A_146, %dma_wait3A_147] : memref<2x32x80x125xi32, #tpu.memory_space<hbm>> -> memref<1x32x80x125xi32, #tpu.memory_space<hbm>>
      %dma_wait3A_149 = tpu.memref_squeeze %dma_wait3A_148 : memref<1x32x80x125xi32, #tpu.memory_space<hbm>> -> memref<32x80x125xi32, #tpu.memory_space<hbm>>
      %dma_wait3A_150 = arith.constant 0 : i32
      %dma_wait3A_151 = arith.constant 0 : i32
      %dma_wait3A_152 = tpu.memref_slice %dma_wait3A_149[%add3A, %dma_wait3A_150, %dma_wait3A_151] : memref<32x80x125xi32, #tpu.memory_space<hbm>> -> memref<1x80x125xi32, #tpu.memory_space<hbm>>
      %dma_wait3A_153 = tpu.memref_squeeze %dma_wait3A_152 : memref<1x80x125xi32, #tpu.memory_space<hbm>> -> memref<80x125xi32, #tpu.memory_space<hbm>>
      %dma_wait3A_154 = arith.constant 0 : i32
      %dma_wait3A_155 = arith.constant 0 : i32
      %dma_wait3A_156 = tpu.memref_slice %dma_wait3A_153[%dma_wait3A_154, %dma_wait3A_155] : memref<80x125xi32, #tpu.memory_space<hbm>> -> memref<40x125xi32, #tpu.memory_space<hbm>>
      tpu.wait_dma2 semaphore(%run_scoped3A_108 : memref<!tpu.dma_semaphore, #tpu.memory_space<semaphore_mem>>) src(%dma_wait3A_156 : memref<40x125xi32, #tpu.memory_space<hbm>>) dst(%arg5 : memref<40x125xi32, #tpu.memory_space<vmem>>)
      tpu.yield
    }) : () -> ()
    %run_scoped3A_30 = arith.constant 1 : i32
    "tpu.region"() ({
      %run_scoped3A_108 = tpu.sem_alloc : memref<!tpu.dma_semaphore, #tpu.memory_space<semaphore_mem>>
      %dma_start3A_109 = arith.constant 0 : i32
      %dma_start3A_110 = arith.constant 0 : i32
      %dma_start3A_111 = arith.constant 0 : i32
      %dma_start3A_112 = tpu.memref_slice %arg3[%run_scoped3A_30, %dma_start3A_109, %dma_start3A_110, %dma_start3A_111] : memref<2x32x80x125xi32, #tpu.memory_space<hbm>> -> memref<1x32x80x125xi32, #tpu.memory_space<hbm>>
      %dma_start3A_113 = tpu.memref_squeeze %dma_start3A_112 : memref<1x32x80x125xi32, #tpu.memory_space<hbm>> -> memref<32x80x125xi32, #tpu.memory_space<hbm>>
      %dma_start3A_114 = arith.constant 0 : i32
      %dma_start3A_115 = arith.constant 0 : i32
      %dma_start3A_116 = tpu.memref_slice %dma_start3A_113[%add3A, %dma_start3A_114, %dma_start3A_115] : memref<32x80x125xi32, #tpu.memory_space<hbm>> -> memref<1x80x125xi32, #tpu.memory_space<hbm>>
      %dma_start3A_117 = tpu.memref_squeeze %dma_start3A_116 : memref<1x80x125xi32, #tpu.memory_space<hbm>> -> memref<80x125xi32, #tpu.memory_space<hbm>>
      %dma_start3A_118 = arith.constant 0 : i32
      %dma_start3A_119 = arith.constant 0 : i32
      %dma_start3A_120 = tpu.memref_slice %dma_start3A_117[%dma_start3A_118, %dma_start3A_119] : memref<80x125xi32, #tpu.memory_space<hbm>> -> memref<40x125xi32, #tpu.memory_space<hbm>>
      %dma_start3A_121 = arith.constant 0 : i32
      %dma_start3A_122 = arith.constant 0 : i32
      %dma_start3A_123 = arith.constant 0 : i32
      %dma_start3A_124 = tpu.memref_slice %arg3[%run_scoped3A_30, %dma_start3A_121, %dma_start3A_122, %dma_start3A_123] : memref<2x32x80x125xi32, #tpu.memory_space<hbm>> -> memref<1x32x80x125xi32, #tpu.memory_space<hbm>>
      %dma_start3A_125 = tpu.memref_squeeze %dma_start3A_124 : memref<1x32x80x125xi32, #tpu.memory_space<hbm>> -> memref<32x80x125xi32, #tpu.memory_space<hbm>>
      %dma_start3A_126 = arith.constant 0 : i32
      %dma_start3A_127 = arith.constant 0 : i32
      %dma_start3A_128 = tpu.memref_slice %dma_start3A_125[%add3A, %dma_start3A_126, %dma_start3A_127] : memref<32x80x125xi32, #tpu.memory_space<hbm>> -> memref<1x80x125xi32, #tpu.memory_space<hbm>>
      %dma_start3A_129 = tpu.memref_squeeze %dma_start3A_128 : memref<1x80x125xi32, #tpu.memory_space<hbm>> -> memref<80x125xi32, #tpu.memory_space<hbm>>
      %dma_start3A_130 = arith.constant 0 : i32
      %dma_start3A_131 = arith.constant 0 : i32
      %dma_start3A_132 = tpu.memref_slice %dma_start3A_129[%dma_start3A_130, %dma_start3A_131] : memref<80x125xi32, #tpu.memory_space<hbm>> -> memref<40x125xi32, #tpu.memory_space<hbm>>
      tpu.enqueue_dma source(%dma_start3A_132 : memref<40x125xi32, #tpu.memory_space<hbm>>) target(%arg6 : memref<40x125xi32, #tpu.memory_space<vmem>>) target_semaphore(%run_scoped3A_108 : memref<!tpu.dma_semaphore, #tpu.memory_space<semaphore_mem>>)
      %dma_wait3A_133 = arith.constant 0 : i32
      %dma_wait3A_134 = arith.constant 0 : i32
      %dma_wait3A_135 = arith.constant 0 : i32
      %dma_wait3A_136 = tpu.memref_slice %arg3[%run_scoped3A_30, %dma_wait3A_133, %dma_wait3A_134, %dma_wait3A_135] : memref<2x32x80x125xi32, #tpu.memory_space<hbm>> -> memref<1x32x80x125xi32, #tpu.memory_space<hbm>>
      %dma_wait3A_137 = tpu.memref_squeeze %dma_wait3A_136 : memref<1x32x80x125xi32, #tpu.memory_space<hbm>> -> memref<32x80x125xi32, #tpu.memory_space<hbm>>
      %dma_wait3A_138 = arith.constant 0 : i32
      %dma_wait3A_139 = arith.constant 0 : i32
      %dma_wait3A_140 = tpu.memref_slice %dma_wait3A_137[%add3A, %dma_wait3A_138, %dma_wait3A_139] : memref<32x80x125xi32, #tpu.memory_space<hbm>> -> memref<1x80x125xi32, #tpu.memory_space<hbm>>
      %dma_wait3A_141 = tpu.memref_squeeze %dma_wait3A_140 : memref<1x80x125xi32, #tpu.memory_space<hbm>> -> memref<80x125xi32, #tpu.memory_space<hbm>>
      %dma_wait3A_142 = arith.constant 0 : i32
      %dma_wait3A_143 = arith.constant 0 : i32
      %dma_wait3A_144 = tpu.memref_slice %dma_wait3A_141[%dma_wait3A_142, %dma_wait3A_143] : memref<80x125xi32, #tpu.memory_space<hbm>> -> memref<40x125xi32, #tpu.memory_space<hbm>>
      %dma_wait3A_145 = arith.constant 0 : i32
      %dma_wait3A_146 = arith.constant 0 : i32
      %dma_wait3A_147 = arith.constant 0 : i32
      %dma_wait3A_148 = tpu.memref_slice %arg3[%run_scoped3A_30, %dma_wait3A_145, %dma_wait3A_146, %dma_wait3A_147] : memref<2x32x80x125xi32, #tpu.memory_space<hbm>> -> memref<1x32x80x125xi32, #tpu.memory_space<hbm>>
      %dma_wait3A_149 = tpu.memref_squeeze %dma_wait3A_148 : memref<1x32x80x125xi32, #tpu.memory_space<hbm>> -> memref<32x80x125xi32, #tpu.memory_space<hbm>>
      %dma_wait3A_150 = arith.constant 0 : i32
      %dma_wait3A_151 = arith.constant 0 : i32
      %dma_wait3A_152 = tpu.memref_slice %dma_wait3A_149[%add3A, %dma_wait3A_150, %dma_wait3A_151] : memref<32x80x125xi32, #tpu.memory_space<hbm>> -> memref<1x80x125xi32, #tpu.memory_space<hbm>>
      %dma_wait3A_153 = tpu.memref_squeeze %dma_wait3A_152 : memref<1x80x125xi32, #tpu.memory_space<hbm>> -> memref<80x125xi32, #tpu.memory_space<hbm>>
      %dma_wait3A_154 = arith.constant 0 : i32
      %dma_wait3A_155 = arith.constant 0 : i32
      %dma_wait3A_156 = tpu.memref_slice %dma_wait3A_153[%dma_wait3A_154, %dma_wait3A_155] : memref<80x125xi32, #tpu.memory_space<hbm>> -> memref<40x125xi32, #tpu.memory_space<hbm>>
      tpu.wait_dma2 semaphore(%run_scoped3A_108 : memref<!tpu.dma_semaphore, #tpu.memory_space<semaphore_mem>>) src(%dma_wait3A_156 : memref<40x125xi32, #tpu.memory_space<hbm>>) dst(%arg6 : memref<40x125xi32, #tpu.memory_space<vmem>>)
      tpu.yield
    }) : () -> ()
    %barrier3A = arith.constant 0 : index
    tpu.barrier barrier_id(%barrier3A)
    %dma_start3A = arith.constant 0 : i32
    %dma_start3A_31 = arith.constant 0 : i32
    %dma_start3A_32 = tpu.memref_slice %arg5[%dma_start3A, %dma_start3A_31] : memref<40x125xi32, #tpu.memory_space<vmem>> -> memref<1x125xi32, #tpu.memory_space<vmem>>
    %dma_start3A_33 = tpu.memref_squeeze %dma_start3A_32 : memref<1x125xi32, #tpu.memory_space<vmem>> -> memref<125xi32, #tpu.memory_space<vmem>>
    %dma_start3A_34 = arith.constant 0 : i32
    %dma_start3A_35 = arith.constant 0 : i32
    %dma_start3A_36 = tpu.memref_slice %arg2[%dma_start3A_34, %dma_start3A_35] : memref<10240x128xf32, #tpu.memory_space<hbm>> -> memref<10240x128xf32, #tpu.memory_space<hbm>>
    tpu.enqueue_indirect_dma source(%dma_start3A_36 : memref<10240x128xf32, #tpu.memory_space<hbm>>) target(%arg7 : memref<125x128xf32, #tpu.memory_space<vmem>>) offsets(%dma_start3A_33 : memref<125xi32, #tpu.memory_space<vmem>>) semaphore(%arg10 : memref<!tpu.dma_semaphore, #tpu.memory_space<semaphore_mem>>)
    %scan3A_37 = arith.constant 0 : i32
    %scan3A_38 = arith.constant 0 : i32
    %scan3A_39 = arith.constant 19 : i32
    %scan3A_40 = arith.addi %scan3A_38, %scan3A_39 : i32
    %scan3A_41 = arith.constant 1 : i32
    scf.for %scan3A_108 = %scan3A_38 to %scan3A_40 step %scan3A_41  : i32 {
      %mul3A_109 = arith.constant 2 : i32
      %mul3A_110 = arith.muli %scan3A_108, %mul3A_109 : i32
      %add3A_111 = arith.constant 1 : i32
      %add3A_112 = arith.addi %mul3A_110, %add3A_111 : i32
      %dma_start3A_113 = arith.constant 0 : i32
      %dma_start3A_114 = tpu.memref_slice %arg5[%add3A_112, %dma_start3A_113] : memref<40x125xi32, #tpu.memory_space<vmem>> -> memref<1x125xi32, #tpu.memory_space<vmem>>
      %dma_start3A_115 = tpu.memref_squeeze %dma_start3A_114 : memref<1x125xi32, #tpu.memory_space<vmem>> -> memref<125xi32, #tpu.memory_space<vmem>>
      %dma_start3A_116 = arith.constant 0 : i32
      %dma_start3A_117 = arith.constant 0 : i32
      %dma_start3A_118 = tpu.memref_slice %arg2[%dma_start3A_116, %dma_start3A_117] : memref<10240x128xf32, #tpu.memory_space<hbm>> -> memref<10240x128xf32, #tpu.memory_space<hbm>>
      tpu.enqueue_indirect_dma source(%dma_start3A_118 : memref<10240x128xf32, #tpu.memory_space<hbm>>) target(%arg8 : memref<125x128xf32, #tpu.memory_space<vmem>>) offsets(%dma_start3A_115 : memref<125xi32, #tpu.memory_space<vmem>>) semaphore(%arg11 : memref<!tpu.dma_semaphore, #tpu.memory_space<semaphore_mem>>)
      %dma_wait3A_119 = arith.constant 0 : i32
      %dma_wait3A_120 = tpu.memref_slice %arg5[%mul3A_110, %dma_wait3A_119] : memref<40x125xi32, #tpu.memory_space<vmem>> -> memref<1x125xi32, #tpu.memory_space<vmem>>
      %dma_wait3A_121 = tpu.memref_squeeze %dma_wait3A_120 : memref<1x125xi32, #tpu.memory_space<vmem>> -> memref<125xi32, #tpu.memory_space<vmem>>
      %dma_wait3A_122 = arith.constant 0 : i32
      %dma_wait3A_123 = arith.constant 0 : i32
      %dma_wait3A_124 = tpu.memref_slice %arg2[%dma_wait3A_122, %dma_wait3A_123] : memref<10240x128xf32, #tpu.memory_space<hbm>> -> memref<10240x128xf32, #tpu.memory_space<hbm>>
      tpu.wait_indirect_dma semaphore(%arg10 : memref<!tpu.dma_semaphore, #tpu.memory_space<semaphore_mem>>) src(%dma_wait3A_124 : memref<10240x128xf32, #tpu.memory_space<hbm>>) dst(%arg7 : memref<125x128xf32, #tpu.memory_space<vmem>>)
      "tpu.region"() ({
        %run_scoped3A_143 = tpu.sem_alloc : memref<!tpu.dma_semaphore, #tpu.memory_space<semaphore_mem>>
        %dma_start3A_144 = arith.constant 0 : i32
        %dma_start3A_145 = tpu.memref_slice %arg6[%mul3A_110, %dma_start3A_144] : memref<40x125xi32, #tpu.memory_space<vmem>> -> memref<1x125xi32, #tpu.memory_space<vmem>>
        %dma_start3A_146 = tpu.memref_squeeze %dma_start3A_145 : memref<1x125xi32, #tpu.memory_space<vmem>> -> memref<125xi32, #tpu.memory_space<vmem>>
        %dma_start3A_147 = arith.constant 0 : i32
        %dma_start3A_148 = arith.constant 0 : i32
        %dma_start3A_149 = tpu.memref_slice %arg9[%dma_start3A_147, %dma_start3A_148] : memref<10240x128xf32, #tpu.memory_space<vmem_shared>> -> memref<10240x128xf32, #tpu.memory_space<vmem_shared>>
        tpu.enqueue_indirect_dma source(%arg7 : memref<125x128xf32, #tpu.memory_space<vmem>>) target(%dma_start3A_149 : memref<10240x128xf32, #tpu.memory_space<vmem_shared>>) offsets(%dma_start3A_146 : memref<125xi32, #tpu.memory_space<vmem>>) semaphore(%run_scoped3A_143 : memref<!tpu.dma_semaphore, #tpu.memory_space<semaphore_mem>>) {add = true}
        %dma_wait3A_150 = arith.constant 0 : i32
        %dma_wait3A_151 = tpu.memref_slice %arg6[%mul3A_110, %dma_wait3A_150] : memref<40x125xi32, #tpu.memory_space<vmem>> -> memref<1x125xi32, #tpu.memory_space<vmem>>
        %dma_wait3A_152 = tpu.memref_squeeze %dma_wait3A_151 : memref<1x125xi32, #tpu.memory_space<vmem>> -> memref<125xi32, #tpu.memory_space<vmem>>
        %dma_wait3A_153 = arith.constant 0 : i32
        %dma_wait3A_154 = arith.constant 0 : i32
        %dma_wait3A_155 = tpu.memref_slice %arg9[%dma_wait3A_153, %dma_wait3A_154] : memref<10240x128xf32, #tpu.memory_space<vmem_shared>> -> memref<10240x128xf32, #tpu.memory_space<vmem_shared>>
        tpu.wait_indirect_dma semaphore(%run_scoped3A_143 : memref<!tpu.dma_semaphore, #tpu.memory_space<semaphore_mem>>) src(%arg7 : memref<125x128xf32, #tpu.memory_space<vmem>>) dst(%dma_wait3A_155 : memref<10240x128xf32, #tpu.memory_space<vmem_shared>>)
        tpu.yield
      }) : () -> ()
      %add3A_125 = arith.constant 2 : i32
      %add3A_126 = arith.addi %mul3A_110, %add3A_125 : i32
      %dma_start3A_127 = arith.constant 0 : i32
      %dma_start3A_128 = tpu.memref_slice %arg5[%add3A_126, %dma_start3A_127] : memref<40x125xi32, #tpu.memory_space<vmem>> -> memref<1x125xi32, #tpu.memory_space<vmem>>
      %dma_start3A_129 = tpu.memref_squeeze %dma_start3A_128 : memref<1x125xi32, #tpu.memory_space<vmem>> -> memref<125xi32, #tpu.memory_space<vmem>>
      %dma_start3A_130 = arith.constant 0 : i32
      %dma_start3A_131 = arith.constant 0 : i32
      %dma_start3A_132 = tpu.memref_slice %arg2[%dma_start3A_130, %dma_start3A_131] : memref<10240x128xf32, #tpu.memory_space<hbm>> -> memref<10240x128xf32, #tpu.memory_space<hbm>>
      tpu.enqueue_indirect_dma source(%dma_start3A_132 : memref<10240x128xf32, #tpu.memory_space<hbm>>) target(%arg7 : memref<125x128xf32, #tpu.memory_space<vmem>>) offsets(%dma_start3A_129 : memref<125xi32, #tpu.memory_space<vmem>>) semaphore(%arg10 : memref<!tpu.dma_semaphore, #tpu.memory_space<semaphore_mem>>)
      %add3A_133 = arith.constant 1 : i32
      %add3A_134 = arith.addi %mul3A_110, %add3A_133 : i32
      %dma_wait3A_135 = arith.constant 0 : i32
      %dma_wait3A_136 = tpu.memref_slice %arg5[%add3A_134, %dma_wait3A_135] : memref<40x125xi32, #tpu.memory_space<vmem>> -> memref<1x125xi32, #tpu.memory_space<vmem>>
      %dma_wait3A_137 = tpu.memref_squeeze %dma_wait3A_136 : memref<1x125xi32, #tpu.memory_space<vmem>> -> memref<125xi32, #tpu.memory_space<vmem>>
      %dma_wait3A_138 = arith.constant 0 : i32
      %dma_wait3A_139 = arith.constant 0 : i32
      %dma_wait3A_140 = tpu.memref_slice %arg2[%dma_wait3A_138, %dma_wait3A_139] : memref<10240x128xf32, #tpu.memory_space<hbm>> -> memref<10240x128xf32, #tpu.memory_space<hbm>>
      tpu.wait_indirect_dma semaphore(%arg11 : memref<!tpu.dma_semaphore, #tpu.memory_space<semaphore_mem>>) src(%dma_wait3A_140 : memref<10240x128xf32, #tpu.memory_space<hbm>>) dst(%arg8 : memref<125x128xf32, #tpu.memory_space<vmem>>)
      %add3A_141 = arith.constant 1 : i32
      %add3A_142 = arith.addi %mul3A_110, %add3A_141 : i32
      "tpu.region"() ({
        %run_scoped3A_143 = tpu.sem_alloc : memref<!tpu.dma_semaphore, #tpu.memory_space<semaphore_mem>>
        %dma_start3A_144 = arith.constant 0 : i32
        %dma_start3A_145 = tpu.memref_slice %arg6[%add3A_142, %dma_start3A_144] : memref<40x125xi32, #tpu.memory_space<vmem>> -> memref<1x125xi32, #tpu.memory_space<vmem>>
        %dma_start3A_146 = tpu.memref_squeeze %dma_start3A_145 : memref<1x125xi32, #tpu.memory_space<vmem>> -> memref<125xi32, #tpu.memory_space<vmem>>
        %dma_start3A_147 = arith.constant 0 : i32
        %dma_start3A_148 = arith.constant 0 : i32
        %dma_start3A_149 = tpu.memref_slice %arg9[%dma_start3A_147, %dma_start3A_148] : memref<10240x128xf32, #tpu.memory_space<vmem_shared>> -> memref<10240x128xf32, #tpu.memory_space<vmem_shared>>
        tpu.enqueue_indirect_dma source(%arg8 : memref<125x128xf32, #tpu.memory_space<vmem>>) target(%dma_start3A_149 : memref<10240x128xf32, #tpu.memory_space<vmem_shared>>) offsets(%dma_start3A_146 : memref<125xi32, #tpu.memory_space<vmem>>) semaphore(%run_scoped3A_143 : memref<!tpu.dma_semaphore, #tpu.memory_space<semaphore_mem>>) {add = true}
        %dma_wait3A_150 = arith.constant 0 : i32
        %dma_wait3A_151 = tpu.memref_slice %arg6[%add3A_142, %dma_wait3A_150] : memref<40x125xi32, #tpu.memory_space<vmem>> -> memref<1x125xi32, #tpu.memory_space<vmem>>
        %dma_wait3A_152 = tpu.memref_squeeze %dma_wait3A_151 : memref<1x125xi32, #tpu.memory_space<vmem>> -> memref<125xi32, #tpu.memory_space<vmem>>
        %dma_wait3A_153 = arith.constant 0 : i32
        %dma_wait3A_154 = arith.constant 0 : i32
        %dma_wait3A_155 = tpu.memref_slice %arg9[%dma_wait3A_153, %dma_wait3A_154] : memref<10240x128xf32, #tpu.memory_space<vmem_shared>> -> memref<10240x128xf32, #tpu.memory_space<vmem_shared>>
        tpu.wait_indirect_dma semaphore(%run_scoped3A_143 : memref<!tpu.dma_semaphore, #tpu.memory_space<semaphore_mem>>) src(%arg8 : memref<125x128xf32, #tpu.memory_space<vmem>>) dst(%dma_wait3A_155 : memref<10240x128xf32, #tpu.memory_space<vmem_shared>>)
        tpu.yield
      }) : () -> ()
    }
    %scan3A_42 = arith.constant 19 : i32
    %dma_start3A_43 = arith.constant 39 : i32
    %dma_start3A_44 = arith.constant 0 : i32
    %dma_start3A_45 = tpu.memref_slice %arg5[%dma_start3A_43, %dma_start3A_44] : memref<40x125xi32, #tpu.memory_space<vmem>> -> memref<1x125xi32, #tpu.memory_space<vmem>>
    %dma_start3A_46 = tpu.memref_squeeze %dma_start3A_45 : memref<1x125xi32, #tpu.memory_space<vmem>> -> memref<125xi32, #tpu.memory_space<vmem>>
    %dma_start3A_47 = arith.constant 0 : i32
    %dma_start3A_48 = arith.constant 0 : i32
    %dma_start3A_49 = tpu.memref_slice %arg2[%dma_start3A_47, %dma_start3A_48] : memref<10240x128xf32, #tpu.memory_space<hbm>> -> memref<10240x128xf32, #tpu.memory_space<hbm>>
    tpu.enqueue_indirect_dma source(%dma_start3A_49 : memref<10240x128xf32, #tpu.memory_space<hbm>>) target(%arg8 : memref<125x128xf32, #tpu.memory_space<vmem>>) offsets(%dma_start3A_46 : memref<125xi32, #tpu.memory_space<vmem>>) semaphore(%arg11 : memref<!tpu.dma_semaphore, #tpu.memory_space<semaphore_mem>>)
    %dma_wait3A = arith.constant 38 : i32
    %dma_wait3A_50 = arith.constant 0 : i32
    %dma_wait3A_51 = tpu.memref_slice %arg5[%dma_wait3A, %dma_wait3A_50] : memref<40x125xi32, #tpu.memory_space<vmem>> -> memref<1x125xi32, #tpu.memory_space<vmem>>
    %dma_wait3A_52 = tpu.memref_squeeze %dma_wait3A_51 : memref<1x125xi32, #tpu.memory_space<vmem>> -> memref<125xi32, #tpu.memory_space<vmem>>
    %dma_wait3A_53 = arith.constant 0 : i32
    %dma_wait3A_54 = arith.constant 0 : i32
    %dma_wait3A_55 = tpu.memref_slice %arg2[%dma_wait3A_53, %dma_wait3A_54] : memref<10240x128xf32, #tpu.memory_space<hbm>> -> memref<10240x128xf32, #tpu.memory_space<hbm>>
    tpu.wait_indirect_dma semaphore(%arg10 : memref<!tpu.dma_semaphore, #tpu.memory_space<semaphore_mem>>) src(%dma_wait3A_55 : memref<10240x128xf32, #tpu.memory_space<hbm>>) dst(%arg7 : memref<125x128xf32, #tpu.memory_space<vmem>>)
    %run_scoped3A_56 = arith.constant 38 : i32
    "tpu.region"() ({
      %run_scoped3A_108 = tpu.sem_alloc : memref<!tpu.dma_semaphore, #tpu.memory_space<semaphore_mem>>
      %dma_start3A_109 = arith.constant 0 : i32
      %dma_start3A_110 = tpu.memref_slice %arg6[%run_scoped3A_56, %dma_start3A_109] : memref<40x125xi32, #tpu.memory_space<vmem>> -> memref<1x125xi32, #tpu.memory_space<vmem>>
      %dma_start3A_111 = tpu.memref_squeeze %dma_start3A_110 : memref<1x125xi32, #tpu.memory_space<vmem>> -> memref<125xi32, #tpu.memory_space<vmem>>
      %dma_start3A_112 = arith.constant 0 : i32
      %dma_start3A_113 = arith.constant 0 : i32
      %dma_start3A_114 = tpu.memref_slice %arg9[%dma_start3A_112, %dma_start3A_113] : memref<10240x128xf32, #tpu.memory_space<vmem_shared>> -> memref<10240x128xf32, #tpu.memory_space<vmem_shared>>
      tpu.enqueue_indirect_dma source(%arg7 : memref<125x128xf32, #tpu.memory_space<vmem>>) target(%dma_start3A_114 : memref<10240x128xf32, #tpu.memory_space<vmem_shared>>) offsets(%dma_start3A_111 : memref<125xi32, #tpu.memory_space<vmem>>) semaphore(%run_scoped3A_108 : memref<!tpu.dma_semaphore, #tpu.memory_space<semaphore_mem>>) {add = true}
      %dma_wait3A_115 = arith.constant 0 : i32
      %dma_wait3A_116 = tpu.memref_slice %arg6[%run_scoped3A_56, %dma_wait3A_115] : memref<40x125xi32, #tpu.memory_space<vmem>> -> memref<1x125xi32, #tpu.memory_space<vmem>>
      %dma_wait3A_117 = tpu.memref_squeeze %dma_wait3A_116 : memref<1x125xi32, #tpu.memory_space<vmem>> -> memref<125xi32, #tpu.memory_space<vmem>>
      %dma_wait3A_118 = arith.constant 0 : i32
      %dma_wait3A_119 = arith.constant 0 : i32
      %dma_wait3A_120 = tpu.memref_slice %arg9[%dma_wait3A_118, %dma_wait3A_119] : memref<10240x128xf32, #tpu.memory_space<vmem_shared>> -> memref<10240x128xf32, #tpu.memory_space<vmem_shared>>
      tpu.wait_indirect_dma semaphore(%run_scoped3A_108 : memref<!tpu.dma_semaphore, #tpu.memory_space<semaphore_mem>>) src(%arg7 : memref<125x128xf32, #tpu.memory_space<vmem>>) dst(%dma_wait3A_120 : memref<10240x128xf32, #tpu.memory_space<vmem_shared>>)
      tpu.yield
    }) : () -> ()
    %dma_wait3A_57 = arith.constant 39 : i32
    %dma_wait3A_58 = arith.constant 0 : i32
    %dma_wait3A_59 = tpu.memref_slice %arg5[%dma_wait3A_57, %dma_wait3A_58] : memref<40x125xi32, #tpu.memory_space<vmem>> -> memref<1x125xi32, #tpu.memory_space<vmem>>
    %dma_wait3A_60 = tpu.memref_squeeze %dma_wait3A_59 : memref<1x125xi32, #tpu.memory_space<vmem>> -> memref<125xi32, #tpu.memory_space<vmem>>
    %dma_wait3A_61 = arith.constant 0 : i32
    %dma_wait3A_62 = arith.constant 0 : i32
    %dma_wait3A_63 = tpu.memref_slice %arg2[%dma_wait3A_61, %dma_wait3A_62] : memref<10240x128xf32, #tpu.memory_space<hbm>> -> memref<10240x128xf32, #tpu.memory_space<hbm>>
    tpu.wait_indirect_dma semaphore(%arg11 : memref<!tpu.dma_semaphore, #tpu.memory_space<semaphore_mem>>) src(%dma_wait3A_63 : memref<10240x128xf32, #tpu.memory_space<hbm>>) dst(%arg8 : memref<125x128xf32, #tpu.memory_space<vmem>>)
    %run_scoped3A_64 = arith.constant 39 : i32
    "tpu.region"() ({
      %run_scoped3A_108 = tpu.sem_alloc : memref<!tpu.dma_semaphore, #tpu.memory_space<semaphore_mem>>
      %dma_start3A_109 = arith.constant 0 : i32
      %dma_start3A_110 = tpu.memref_slice %arg6[%run_scoped3A_64, %dma_start3A_109] : memref<40x125xi32, #tpu.memory_space<vmem>> -> memref<1x125xi32, #tpu.memory_space<vmem>>
      %dma_start3A_111 = tpu.memref_squeeze %dma_start3A_110 : memref<1x125xi32, #tpu.memory_space<vmem>> -> memref<125xi32, #tpu.memory_space<vmem>>
      %dma_start3A_112 = arith.constant 0 : i32
      %dma_start3A_113 = arith.constant 0 : i32
      %dma_start3A_114 = tpu.memref_slice %arg9[%dma_start3A_112, %dma_start3A_113] : memref<10240x128xf32, #tpu.memory_space<vmem_shared>> -> memref<10240x128xf32, #tpu.memory_space<vmem_shared>>
      tpu.enqueue_indirect_dma source(%arg8 : memref<125x128xf32, #tpu.memory_space<vmem>>) target(%dma_start3A_114 : memref<10240x128xf32, #tpu.memory_space<vmem_shared>>) offsets(%dma_start3A_111 : memref<125xi32, #tpu.memory_space<vmem>>) semaphore(%run_scoped3A_108 : memref<!tpu.dma_semaphore, #tpu.memory_space<semaphore_mem>>) {add = true}
      %dma_wait3A_115 = arith.constant 0 : i32
      %dma_wait3A_116 = tpu.memref_slice %arg6[%run_scoped3A_64, %dma_wait3A_115] : memref<40x125xi32, #tpu.memory_space<vmem>> -> memref<1x125xi32, #tpu.memory_space<vmem>>
      %dma_wait3A_117 = tpu.memref_squeeze %dma_wait3A_116 : memref<1x125xi32, #tpu.memory_space<vmem>> -> memref<125xi32, #tpu.memory_space<vmem>>
      %dma_wait3A_118 = arith.constant 0 : i32
      %dma_wait3A_119 = arith.constant 0 : i32
      %dma_wait3A_120 = tpu.memref_slice %arg9[%dma_wait3A_118, %dma_wait3A_119] : memref<10240x128xf32, #tpu.memory_space<vmem_shared>> -> memref<10240x128xf32, #tpu.memory_space<vmem_shared>>
      tpu.wait_indirect_dma semaphore(%run_scoped3A_108 : memref<!tpu.dma_semaphore, #tpu.memory_space<semaphore_mem>>) src(%arg8 : memref<125x128xf32, #tpu.memory_space<vmem>>) dst(%dma_wait3A_120 : memref<10240x128xf32, #tpu.memory_space<vmem_shared>>)
      tpu.yield
    }) : () -> ()
    %run_scoped3A_65 = arith.constant 0 : i32
    "tpu.region"() ({
      %run_scoped3A_108 = tpu.sem_alloc : memref<!tpu.dma_semaphore, #tpu.memory_space<semaphore_mem>>
      %dma_start3A_109 = arith.constant 0 : i32
      %dma_start3A_110 = arith.constant 0 : i32
      %dma_start3A_111 = arith.constant 0 : i32
      %dma_start3A_112 = tpu.memref_slice %arg3[%run_scoped3A_65, %dma_start3A_109, %dma_start3A_110, %dma_start3A_111] : memref<2x32x80x125xi32, #tpu.memory_space<hbm>> -> memref<1x32x80x125xi32, #tpu.memory_space<hbm>>
      %dma_start3A_113 = tpu.memref_squeeze %dma_start3A_112 : memref<1x32x80x125xi32, #tpu.memory_space<hbm>> -> memref<32x80x125xi32, #tpu.memory_space<hbm>>
      %dma_start3A_114 = arith.constant 0 : i32
      %dma_start3A_115 = arith.constant 0 : i32
      %dma_start3A_116 = tpu.memref_slice %dma_start3A_113[%add3A, %dma_start3A_114, %dma_start3A_115] : memref<32x80x125xi32, #tpu.memory_space<hbm>> -> memref<1x80x125xi32, #tpu.memory_space<hbm>>
      %dma_start3A_117 = tpu.memref_squeeze %dma_start3A_116 : memref<1x80x125xi32, #tpu.memory_space<hbm>> -> memref<80x125xi32, #tpu.memory_space<hbm>>
      %dma_start3A_118 = arith.constant 40 : i32
      %dma_start3A_119 = arith.constant 0 : i32
      %dma_start3A_120 = tpu.memref_slice %dma_start3A_117[%dma_start3A_118, %dma_start3A_119] : memref<80x125xi32, #tpu.memory_space<hbm>> -> memref<40x125xi32, #tpu.memory_space<hbm>>
      %dma_start3A_121 = arith.constant 0 : i32
      %dma_start3A_122 = arith.constant 0 : i32
      %dma_start3A_123 = arith.constant 0 : i32
      %dma_start3A_124 = tpu.memref_slice %arg3[%run_scoped3A_65, %dma_start3A_121, %dma_start3A_122, %dma_start3A_123] : memref<2x32x80x125xi32, #tpu.memory_space<hbm>> -> memref<1x32x80x125xi32, #tpu.memory_space<hbm>>
      %dma_start3A_125 = tpu.memref_squeeze %dma_start3A_124 : memref<1x32x80x125xi32, #tpu.memory_space<hbm>> -> memref<32x80x125xi32, #tpu.memory_space<hbm>>
      %dma_start3A_126 = arith.constant 0 : i32
      %dma_start3A_127 = arith.constant 0 : i32
      %dma_start3A_128 = tpu.memref_slice %dma_start3A_125[%add3A, %dma_start3A_126, %dma_start3A_127] : memref<32x80x125xi32, #tpu.memory_space<hbm>> -> memref<1x80x125xi32, #tpu.memory_space<hbm>>
      %dma_start3A_129 = tpu.memref_squeeze %dma_start3A_128 : memref<1x80x125xi32, #tpu.memory_space<hbm>> -> memref<80x125xi32, #tpu.memory_space<hbm>>
      %dma_start3A_130 = arith.constant 40 : i32
      %dma_start3A_131 = arith.constant 0 : i32
      %dma_start3A_132 = tpu.memref_slice %dma_start3A_129[%dma_start3A_130, %dma_start3A_131] : memref<80x125xi32, #tpu.memory_space<hbm>> -> memref<40x125xi32, #tpu.memory_space<hbm>>
      tpu.enqueue_dma source(%dma_start3A_132 : memref<40x125xi32, #tpu.memory_space<hbm>>) target(%arg5 : memref<40x125xi32, #tpu.memory_space<vmem>>) target_semaphore(%run_scoped3A_108 : memref<!tpu.dma_semaphore, #tpu.memory_space<semaphore_mem>>)
      %dma_wait3A_133 = arith.constant 0 : i32
      %dma_wait3A_134 = arith.constant 0 : i32
      %dma_wait3A_135 = arith.constant 0 : i32
      %dma_wait3A_136 = tpu.memref_slice %arg3[%run_scoped3A_65, %dma_wait3A_133, %dma_wait3A_134, %dma_wait3A_135] : memref<2x32x80x125xi32, #tpu.memory_space<hbm>> -> memref<1x32x80x125xi32, #tpu.memory_space<hbm>>
      %dma_wait3A_137 = tpu.memref_squeeze %dma_wait3A_136 : memref<1x32x80x125xi32, #tpu.memory_space<hbm>> -> memref<32x80x125xi32, #tpu.memory_space<hbm>>
      %dma_wait3A_138 = arith.constant 0 : i32
      %dma_wait3A_139 = arith.constant 0 : i32
      %dma_wait3A_140 = tpu.memref_slice %dma_wait3A_137[%add3A, %dma_wait3A_138, %dma_wait3A_139] : memref<32x80x125xi32, #tpu.memory_space<hbm>> -> memref<1x80x125xi32, #tpu.memory_space<hbm>>
      %dma_wait3A_141 = tpu.memref_squeeze %dma_wait3A_140 : memref<1x80x125xi32, #tpu.memory_space<hbm>> -> memref<80x125xi32, #tpu.memory_space<hbm>>
      %dma_wait3A_142 = arith.constant 40 : i32
      %dma_wait3A_143 = arith.constant 0 : i32
      %dma_wait3A_144 = tpu.memref_slice %dma_wait3A_141[%dma_wait3A_142, %dma_wait3A_143] : memref<80x125xi32, #tpu.memory_space<hbm>> -> memref<40x125xi32, #tpu.memory_space<hbm>>
      %dma_wait3A_145 = arith.constant 0 : i32
      %dma_wait3A_146 = arith.constant 0 : i32
      %dma_wait3A_147 = arith.constant 0 : i32
      %dma_wait3A_148 = tpu.memref_slice %arg3[%run_scoped3A_65, %dma_wait3A_145, %dma_wait3A_146, %dma_wait3A_147] : memref<2x32x80x125xi32, #tpu.memory_space<hbm>> -> memref<1x32x80x125xi32, #tpu.memory_space<hbm>>
      %dma_wait3A_149 = tpu.memref_squeeze %dma_wait3A_148 : memref<1x32x80x125xi32, #tpu.memory_space<hbm>> -> memref<32x80x125xi32, #tpu.memory_space<hbm>>
      %dma_wait3A_150 = arith.constant 0 : i32
      %dma_wait3A_151 = arith.constant 0 : i32
      %dma_wait3A_152 = tpu.memref_slice %dma_wait3A_149[%add3A, %dma_wait3A_150, %dma_wait3A_151] : memref<32x80x125xi32, #tpu.memory_space<hbm>> -> memref<1x80x125xi32, #tpu.memory_space<hbm>>
      %dma_wait3A_153 = tpu.memref_squeeze %dma_wait3A_152 : memref<1x80x125xi32, #tpu.memory_space<hbm>> -> memref<80x125xi32, #tpu.memory_space<hbm>>
      %dma_wait3A_154 = arith.constant 40 : i32
      %dma_wait3A_155 = arith.constant 0 : i32
      %dma_wait3A_156 = tpu.memref_slice %dma_wait3A_153[%dma_wait3A_154, %dma_wait3A_155] : memref<80x125xi32, #tpu.memory_space<hbm>> -> memref<40x125xi32, #tpu.memory_space<hbm>>
      tpu.wait_dma2 semaphore(%run_scoped3A_108 : memref<!tpu.dma_semaphore, #tpu.memory_space<semaphore_mem>>) src(%dma_wait3A_156 : memref<40x125xi32, #tpu.memory_space<hbm>>) dst(%arg5 : memref<40x125xi32, #tpu.memory_space<vmem>>)
      tpu.yield
    }) : () -> ()
    %run_scoped3A_66 = arith.constant 1 : i32
    "tpu.region"() ({
      %run_scoped3A_108 = tpu.sem_alloc : memref<!tpu.dma_semaphore, #tpu.memory_space<semaphore_mem>>
      %dma_start3A_109 = arith.constant 0 : i32
      %dma_start3A_110 = arith.constant 0 : i32
      %dma_start3A_111 = arith.constant 0 : i32
      %dma_start3A_112 = tpu.memref_slice %arg3[%run_scoped3A_66, %dma_start3A_109, %dma_start3A_110, %dma_start3A_111] : memref<2x32x80x125xi32, #tpu.memory_space<hbm>> -> memref<1x32x80x125xi32, #tpu.memory_space<hbm>>
      %dma_start3A_113 = tpu.memref_squeeze %dma_start3A_112 : memref<1x32x80x125xi32, #tpu.memory_space<hbm>> -> memref<32x80x125xi32, #tpu.memory_space<hbm>>
      %dma_start3A_114 = arith.constant 0 : i32
      %dma_start3A_115 = arith.constant 0 : i32
      %dma_start3A_116 = tpu.memref_slice %dma_start3A_113[%add3A, %dma_start3A_114, %dma_start3A_115] : memref<32x80x125xi32, #tpu.memory_space<hbm>> -> memref<1x80x125xi32, #tpu.memory_space<hbm>>
      %dma_start3A_117 = tpu.memref_squeeze %dma_start3A_116 : memref<1x80x125xi32, #tpu.memory_space<hbm>> -> memref<80x125xi32, #tpu.memory_space<hbm>>
      %dma_start3A_118 = arith.constant 40 : i32
      %dma_start3A_119 = arith.constant 0 : i32
      %dma_start3A_120 = tpu.memref_slice %dma_start3A_117[%dma_start3A_118, %dma_start3A_119] : memref<80x125xi32, #tpu.memory_space<hbm>> -> memref<40x125xi32, #tpu.memory_space<hbm>>
      %dma_start3A_121 = arith.constant 0 : i32
      %dma_start3A_122 = arith.constant 0 : i32
      %dma_start3A_123 = arith.constant 0 : i32
      %dma_start3A_124 = tpu.memref_slice %arg3[%run_scoped3A_66, %dma_start3A_121, %dma_start3A_122, %dma_start3A_123] : memref<2x32x80x125xi32, #tpu.memory_space<hbm>> -> memref<1x32x80x125xi32, #tpu.memory_space<hbm>>
      %dma_start3A_125 = tpu.memref_squeeze %dma_start3A_124 : memref<1x32x80x125xi32, #tpu.memory_space<hbm>> -> memref<32x80x125xi32, #tpu.memory_space<hbm>>
      %dma_start3A_126 = arith.constant 0 : i32
      %dma_start3A_127 = arith.constant 0 : i32
      %dma_start3A_128 = tpu.memref_slice %dma_start3A_125[%add3A, %dma_start3A_126, %dma_start3A_127] : memref<32x80x125xi32, #tpu.memory_space<hbm>> -> memref<1x80x125xi32, #tpu.memory_space<hbm>>
      %dma_start3A_129 = tpu.memref_squeeze %dma_start3A_128 : memref<1x80x125xi32, #tpu.memory_space<hbm>> -> memref<80x125xi32, #tpu.memory_space<hbm>>
      %dma_start3A_130 = arith.constant 40 : i32
      %dma_start3A_131 = arith.constant 0 : i32
      %dma_start3A_132 = tpu.memref_slice %dma_start3A_129[%dma_start3A_130, %dma_start3A_131] : memref<80x125xi32, #tpu.memory_space<hbm>> -> memref<40x125xi32, #tpu.memory_space<hbm>>
      tpu.enqueue_dma source(%dma_start3A_132 : memref<40x125xi32, #tpu.memory_space<hbm>>) target(%arg6 : memref<40x125xi32, #tpu.memory_space<vmem>>) target_semaphore(%run_scoped3A_108 : memref<!tpu.dma_semaphore, #tpu.memory_space<semaphore_mem>>)
      %dma_wait3A_133 = arith.constant 0 : i32
      %dma_wait3A_134 = arith.constant 0 : i32
      %dma_wait3A_135 = arith.constant 0 : i32
      %dma_wait3A_136 = tpu.memref_slice %arg3[%run_scoped3A_66, %dma_wait3A_133, %dma_wait3A_134, %dma_wait3A_135] : memref<2x32x80x125xi32, #tpu.memory_space<hbm>> -> memref<1x32x80x125xi32, #tpu.memory_space<hbm>>
      %dma_wait3A_137 = tpu.memref_squeeze %dma_wait3A_136 : memref<1x32x80x125xi32, #tpu.memory_space<hbm>> -> memref<32x80x125xi32, #tpu.memory_space<hbm>>
      %dma_wait3A_138 = arith.constant 0 : i32
      %dma_wait3A_139 = arith.constant 0 : i32
      %dma_wait3A_140 = tpu.memref_slice %dma_wait3A_137[%add3A, %dma_wait3A_138, %dma_wait3A_139] : memref<32x80x125xi32, #tpu.memory_space<hbm>> -> memref<1x80x125xi32, #tpu.memory_space<hbm>>
      %dma_wait3A_141 = tpu.memref_squeeze %dma_wait3A_140 : memref<1x80x125xi32, #tpu.memory_space<hbm>> -> memref<80x125xi32, #tpu.memory_space<hbm>>
      %dma_wait3A_142 = arith.constant 40 : i32
      %dma_wait3A_143 = arith.constant 0 : i32
      %dma_wait3A_144 = tpu.memref_slice %dma_wait3A_141[%dma_wait3A_142, %dma_wait3A_143] : memref<80x125xi32, #tpu.memory_space<hbm>> -> memref<40x125xi32, #tpu.memory_space<hbm>>
      %dma_wait3A_145 = arith.constant 0 : i32
      %dma_wait3A_146 = arith.constant 0 : i32
      %dma_wait3A_147 = arith.constant 0 : i32
      %dma_wait3A_148 = tpu.memref_slice %arg3[%run_scoped3A_66, %dma_wait3A_145, %dma_wait3A_146, %dma_wait3A_147] : memref<2x32x80x125xi32, #tpu.memory_space<hbm>> -> memref<1x32x80x125xi32, #tpu.memory_space<hbm>>
      %dma_wait3A_149 = tpu.memref_squeeze %dma_wait3A_148 : memref<1x32x80x125xi32, #tpu.memory_space<hbm>> -> memref<32x80x125xi32, #tpu.memory_space<hbm>>
      %dma_wait3A_150 = arith.constant 0 : i32
      %dma_wait3A_151 = arith.constant 0 : i32
      %dma_wait3A_152 = tpu.memref_slice %dma_wait3A_149[%add3A, %dma_wait3A_150, %dma_wait3A_151] : memref<32x80x125xi32, #tpu.memory_space<hbm>> -> memref<1x80x125xi32, #tpu.memory_space<hbm>>
      %dma_wait3A_153 = tpu.memref_squeeze %dma_wait3A_152 : memref<1x80x125xi32, #tpu.memory_space<hbm>> -> memref<80x125xi32, #tpu.memory_space<hbm>>
      %dma_wait3A_154 = arith.constant 40 : i32
      %dma_wait3A_155 = arith.constant 0 : i32
      %dma_wait3A_156 = tpu.memref_slice %dma_wait3A_153[%dma_wait3A_154, %dma_wait3A_155] : memref<80x125xi32, #tpu.memory_space<hbm>> -> memref<40x125xi32, #tpu.memory_space<hbm>>
      tpu.wait_dma2 semaphore(%run_scoped3A_108 : memref<!tpu.dma_semaphore, #tpu.memory_space<semaphore_mem>>) src(%dma_wait3A_156 : memref<40x125xi32, #tpu.memory_space<hbm>>) dst(%arg6 : memref<40x125xi32, #tpu.memory_space<vmem>>)
      tpu.yield
    }) : () -> ()
    %dma_start3A_67 = arith.constant 0 : i32
    %dma_start3A_68 = arith.constant 0 : i32
    %dma_start3A_69 = tpu.memref_slice %arg5[%dma_start3A_67, %dma_start3A_68] : memref<40x125xi32, #tpu.memory_space<vmem>> -> memref<1x125xi32, #tpu.memory_space<vmem>>
    %dma_start3A_70 = tpu.memref_squeeze %dma_start3A_69 : memref<1x125xi32, #tpu.memory_space<vmem>> -> memref<125xi32, #tpu.memory_space<vmem>>
    %dma_start3A_71 = arith.constant 0 : i32
    %dma_start3A_72 = arith.constant 0 : i32
    %dma_start3A_73 = tpu.memref_slice %arg2[%dma_start3A_71, %dma_start3A_72] : memref<10240x128xf32, #tpu.memory_space<hbm>> -> memref<10240x128xf32, #tpu.memory_space<hbm>>
    tpu.enqueue_indirect_dma source(%dma_start3A_73 : memref<10240x128xf32, #tpu.memory_space<hbm>>) target(%arg7 : memref<125x128xf32, #tpu.memory_space<vmem>>) offsets(%dma_start3A_70 : memref<125xi32, #tpu.memory_space<vmem>>) semaphore(%arg10 : memref<!tpu.dma_semaphore, #tpu.memory_space<semaphore_mem>>)
    %scan3A_74 = arith.constant 0 : i32
    %scan3A_75 = arith.constant 0 : i32
    %scan3A_76 = arith.constant 19 : i32
    %scan3A_77 = arith.addi %scan3A_75, %scan3A_76 : i32
    %scan3A_78 = arith.constant 1 : i32
    scf.for %scan3A_108 = %scan3A_75 to %scan3A_77 step %scan3A_78  : i32 {
      %mul3A_109 = arith.constant 2 : i32
      %mul3A_110 = arith.muli %scan3A_108, %mul3A_109 : i32
      %add3A_111 = arith.constant 1 : i32
      %add3A_112 = arith.addi %mul3A_110, %add3A_111 : i32
      %dma_start3A_113 = arith.constant 0 : i32
      %dma_start3A_114 = tpu.memref_slice %arg5[%add3A_112, %dma_start3A_113] : memref<40x125xi32, #tpu.memory_space<vmem>> -> memref<1x125xi32, #tpu.memory_space<vmem>>
      %dma_start3A_115 = tpu.memref_squeeze %dma_start3A_114 : memref<1x125xi32, #tpu.memory_space<vmem>> -> memref<125xi32, #tpu.memory_space<vmem>>
      %dma_start3A_116 = arith.constant 0 : i32
      %dma_start3A_117 = arith.constant 0 : i32
      %dma_start3A_118 = tpu.memref_slice %arg2[%dma_start3A_116, %dma_start3A_117] : memref<10240x128xf32, #tpu.memory_space<hbm>> -> memref<10240x128xf32, #tpu.memory_space<hbm>>
      tpu.enqueue_indirect_dma source(%dma_start3A_118 : memref<10240x128xf32, #tpu.memory_space<hbm>>) target(%arg8 : memref<125x128xf32, #tpu.memory_space<vmem>>) offsets(%dma_start3A_115 : memref<125xi32, #tpu.memory_space<vmem>>) semaphore(%arg11 : memref<!tpu.dma_semaphore, #tpu.memory_space<semaphore_mem>>)
      %dma_wait3A_119 = arith.constant 0 : i32
      %dma_wait3A_120 = tpu.memref_slice %arg5[%mul3A_110, %dma_wait3A_119] : memref<40x125xi32, #tpu.memory_space<vmem>> -> memref<1x125xi32, #tpu.memory_space<vmem>>
      %dma_wait3A_121 = tpu.memref_squeeze %dma_wait3A_120 : memref<1x125xi32, #tpu.memory_space<vmem>> -> memref<125xi32, #tpu.memory_space<vmem>>
      %dma_wait3A_122 = arith.constant 0 : i32
      %dma_wait3A_123 = arith.constant 0 : i32
      %dma_wait3A_124 = tpu.memref_slice %arg2[%dma_wait3A_122, %dma_wait3A_123] : memref<10240x128xf32, #tpu.memory_space<hbm>> -> memref<10240x128xf32, #tpu.memory_space<hbm>>
      tpu.wait_indirect_dma semaphore(%arg10 : memref<!tpu.dma_semaphore, #tpu.memory_space<semaphore_mem>>) src(%dma_wait3A_124 : memref<10240x128xf32, #tpu.memory_space<hbm>>) dst(%arg7 : memref<125x128xf32, #tpu.memory_space<vmem>>)
      "tpu.region"() ({
        %run_scoped3A_143 = tpu.sem_alloc : memref<!tpu.dma_semaphore, #tpu.memory_space<semaphore_mem>>
        %dma_start3A_144 = arith.constant 0 : i32
        %dma_start3A_145 = tpu.memref_slice %arg6[%mul3A_110, %dma_start3A_144] : memref<40x125xi32, #tpu.memory_space<vmem>> -> memref<1x125xi32, #tpu.memory_space<vmem>>
        %dma_start3A_146 = tpu.memref_squeeze %dma_start3A_145 : memref<1x125xi32, #tpu.memory_space<vmem>> -> memref<125xi32, #tpu.memory_space<vmem>>
        %dma_start3A_147 = arith.constant 0 : i32
        %dma_start3A_148 = arith.constant 0 : i32
        %dma_start3A_149 = tpu.memref_slice %arg9[%dma_start3A_147, %dma_start3A_148] : memref<10240x128xf32, #tpu.memory_space<vmem_shared>> -> memref<10240x128xf32, #tpu.memory_space<vmem_shared>>
        tpu.enqueue_indirect_dma source(%arg7 : memref<125x128xf32, #tpu.memory_space<vmem>>) target(%dma_start3A_149 : memref<10240x128xf32, #tpu.memory_space<vmem_shared>>) offsets(%dma_start3A_146 : memref<125xi32, #tpu.memory_space<vmem>>) semaphore(%run_scoped3A_143 : memref<!tpu.dma_semaphore, #tpu.memory_space<semaphore_mem>>) {add = true}
        %dma_wait3A_150 = arith.constant 0 : i32
        %dma_wait3A_151 = tpu.memref_slice %arg6[%mul3A_110, %dma_wait3A_150] : memref<40x125xi32, #tpu.memory_space<vmem>> -> memref<1x125xi32, #tpu.memory_space<vmem>>
        %dma_wait3A_152 = tpu.memref_squeeze %dma_wait3A_151 : memref<1x125xi32, #tpu.memory_space<vmem>> -> memref<125xi32, #tpu.memory_space<vmem>>
        %dma_wait3A_153 = arith.constant 0 : i32
        %dma_wait3A_154 = arith.constant 0 : i32
        %dma_wait3A_155 = tpu.memref_slice %arg9[%dma_wait3A_153, %dma_wait3A_154] : memref<10240x128xf32, #tpu.memory_space<vmem_shared>> -> memref<10240x128xf32, #tpu.memory_space<vmem_shared>>
        tpu.wait_indirect_dma semaphore(%run_scoped3A_143 : memref<!tpu.dma_semaphore, #tpu.memory_space<semaphore_mem>>) src(%arg7 : memref<125x128xf32, #tpu.memory_space<vmem>>) dst(%dma_wait3A_155 : memref<10240x128xf32, #tpu.memory_space<vmem_shared>>)
        tpu.yield
      }) : () -> ()
      %add3A_125 = arith.constant 2 : i32
      %add3A_126 = arith.addi %mul3A_110, %add3A_125 : i32
      %dma_start3A_127 = arith.constant 0 : i32
      %dma_start3A_128 = tpu.memref_slice %arg5[%add3A_126, %dma_start3A_127] : memref<40x125xi32, #tpu.memory_space<vmem>> -> memref<1x125xi32, #tpu.memory_space<vmem>>
      %dma_start3A_129 = tpu.memref_squeeze %dma_start3A_128 : memref<1x125xi32, #tpu.memory_space<vmem>> -> memref<125xi32, #tpu.memory_space<vmem>>
      %dma_start3A_130 = arith.constant 0 : i32
      %dma_start3A_131 = arith.constant 0 : i32
      %dma_start3A_132 = tpu.memref_slice %arg2[%dma_start3A_130, %dma_start3A_131] : memref<10240x128xf32, #tpu.memory_space<hbm>> -> memref<10240x128xf32, #tpu.memory_space<hbm>>
      tpu.enqueue_indirect_dma source(%dma_start3A_132 : memref<10240x128xf32, #tpu.memory_space<hbm>>) target(%arg7 : memref<125x128xf32, #tpu.memory_space<vmem>>) offsets(%dma_start3A_129 : memref<125xi32, #tpu.memory_space<vmem>>) semaphore(%arg10 : memref<!tpu.dma_semaphore, #tpu.memory_space<semaphore_mem>>)
      %add3A_133 = arith.constant 1 : i32
      %add3A_134 = arith.addi %mul3A_110, %add3A_133 : i32
      %dma_wait3A_135 = arith.constant 0 : i32
      %dma_wait3A_136 = tpu.memref_slice %arg5[%add3A_134, %dma_wait3A_135] : memref<40x125xi32, #tpu.memory_space<vmem>> -> memref<1x125xi32, #tpu.memory_space<vmem>>
      %dma_wait3A_137 = tpu.memref_squeeze %dma_wait3A_136 : memref<1x125xi32, #tpu.memory_space<vmem>> -> memref<125xi32, #tpu.memory_space<vmem>>
      %dma_wait3A_138 = arith.constant 0 : i32
      %dma_wait3A_139 = arith.constant 0 : i32
      %dma_wait3A_140 = tpu.memref_slice %arg2[%dma_wait3A_138, %dma_wait3A_139] : memref<10240x128xf32, #tpu.memory_space<hbm>> -> memref<10240x128xf32, #tpu.memory_space<hbm>>
      tpu.wait_indirect_dma semaphore(%arg11 : memref<!tpu.dma_semaphore, #tpu.memory_space<semaphore_mem>>) src(%dma_wait3A_140 : memref<10240x128xf32, #tpu.memory_space<hbm>>) dst(%arg8 : memref<125x128xf32, #tpu.memory_space<vmem>>)
      %add3A_141 = arith.constant 1 : i32
      %add3A_142 = arith.addi %mul3A_110, %add3A_141 : i32
      "tpu.region"() ({
        %run_scoped3A_143 = tpu.sem_alloc : memref<!tpu.dma_semaphore, #tpu.memory_space<semaphore_mem>>
        %dma_start3A_144 = arith.constant 0 : i32
        %dma_start3A_145 = tpu.memref_slice %arg6[%add3A_142, %dma_start3A_144] : memref<40x125xi32, #tpu.memory_space<vmem>> -> memref<1x125xi32, #tpu.memory_space<vmem>>
        %dma_start3A_146 = tpu.memref_squeeze %dma_start3A_145 : memref<1x125xi32, #tpu.memory_space<vmem>> -> memref<125xi32, #tpu.memory_space<vmem>>
        %dma_start3A_147 = arith.constant 0 : i32
        %dma_start3A_148 = arith.constant 0 : i32
        %dma_start3A_149 = tpu.memref_slice %arg9[%dma_start3A_147, %dma_start3A_148] : memref<10240x128xf32, #tpu.memory_space<vmem_shared>> -> memref<10240x128xf32, #tpu.memory_space<vmem_shared>>
        tpu.enqueue_indirect_dma source(%arg8 : memref<125x128xf32, #tpu.memory_space<vmem>>) target(%dma_start3A_149 : memref<10240x128xf32, #tpu.memory_space<vmem_shared>>) offsets(%dma_start3A_146 : memref<125xi32, #tpu.memory_space<vmem>>) semaphore(%run_scoped3A_143 : memref<!tpu.dma_semaphore, #tpu.memory_space<semaphore_mem>>) {add = true}
        %dma_wait3A_150 = arith.constant 0 : i32
        %dma_wait3A_151 = tpu.memref_slice %arg6[%add3A_142, %dma_wait3A_150] : memref<40x125xi32, #tpu.memory_space<vmem>> -> memref<1x125xi32, #tpu.memory_space<vmem>>
        %dma_wait3A_152 = tpu.memref_squeeze %dma_wait3A_151 : memref<1x125xi32, #tpu.memory_space<vmem>> -> memref<125xi32, #tpu.memory_space<vmem>>
        %dma_wait3A_153 = arith.constant 0 : i32
        %dma_wait3A_154 = arith.constant 0 : i32
        %dma_wait3A_155 = tpu.memref_slice %arg9[%dma_wait3A_153, %dma_wait3A_154] : memref<10240x128xf32, #tpu.memory_space<vmem_shared>> -> memref<10240x128xf32, #tpu.memory_space<vmem_shared>>
        tpu.wait_indirect_dma semaphore(%run_scoped3A_143 : memref<!tpu.dma_semaphore, #tpu.memory_space<semaphore_mem>>) src(%arg8 : memref<125x128xf32, #tpu.memory_space<vmem>>) dst(%dma_wait3A_155 : memref<10240x128xf32, #tpu.memory_space<vmem_shared>>)
        tpu.yield
      }) : () -> ()
    }
    %scan3A_79 = arith.constant 19 : i32
    %dma_start3A_80 = arith.constant 39 : i32
    %dma_start3A_81 = arith.constant 0 : i32
    %dma_start3A_82 = tpu.memref_slice %arg5[%dma_start3A_80, %dma_start3A_81] : memref<40x125xi32, #tpu.memory_space<vmem>> -> memref<1x125xi32, #tpu.memory_space<vmem>>
    %dma_start3A_83 = tpu.memref_squeeze %dma_start3A_82 : memref<1x125xi32, #tpu.memory_space<vmem>> -> memref<125xi32, #tpu.memory_space<vmem>>
    %dma_start3A_84 = arith.constant 0 : i32
    %dma_start3A_85 = arith.constant 0 : i32
    %dma_start3A_86 = tpu.memref_slice %arg2[%dma_start3A_84, %dma_start3A_85] : memref<10240x128xf32, #tpu.memory_space<hbm>> -> memref<10240x128xf32, #tpu.memory_space<hbm>>
    tpu.enqueue_indirect_dma source(%dma_start3A_86 : memref<10240x128xf32, #tpu.memory_space<hbm>>) target(%arg8 : memref<125x128xf32, #tpu.memory_space<vmem>>) offsets(%dma_start3A_83 : memref<125xi32, #tpu.memory_space<vmem>>) semaphore(%arg11 : memref<!tpu.dma_semaphore, #tpu.memory_space<semaphore_mem>>)
    %dma_wait3A_87 = arith.constant 38 : i32
    %dma_wait3A_88 = arith.constant 0 : i32
    %dma_wait3A_89 = tpu.memref_slice %arg5[%dma_wait3A_87, %dma_wait3A_88] : memref<40x125xi32, #tpu.memory_space<vmem>> -> memref<1x125xi32, #tpu.memory_space<vmem>>
    %dma_wait3A_90 = tpu.memref_squeeze %dma_wait3A_89 : memref<1x125xi32, #tpu.memory_space<vmem>> -> memref<125xi32, #tpu.memory_space<vmem>>
    %dma_wait3A_91 = arith.constant 0 : i32
    %dma_wait3A_92 = arith.constant 0 : i32
    %dma_wait3A_93 = tpu.memref_slice %arg2[%dma_wait3A_91, %dma_wait3A_92] : memref<10240x128xf32, #tpu.memory_space<hbm>> -> memref<10240x128xf32, #tpu.memory_space<hbm>>
    tpu.wait_indirect_dma semaphore(%arg10 : memref<!tpu.dma_semaphore, #tpu.memory_space<semaphore_mem>>) src(%dma_wait3A_93 : memref<10240x128xf32, #tpu.memory_space<hbm>>) dst(%arg7 : memref<125x128xf32, #tpu.memory_space<vmem>>)
    %run_scoped3A_94 = arith.constant 38 : i32
    "tpu.region"() ({
      %run_scoped3A_108 = tpu.sem_alloc : memref<!tpu.dma_semaphore, #tpu.memory_space<semaphore_mem>>
      %dma_start3A_109 = arith.constant 0 : i32
      %dma_start3A_110 = tpu.memref_slice %arg6[%run_scoped3A_94, %dma_start3A_109] : memref<40x125xi32, #tpu.memory_space<vmem>> -> memref<1x125xi32, #tpu.memory_space<vmem>>
      %dma_start3A_111 = tpu.memref_squeeze %dma_start3A_110 : memref<1x125xi32, #tpu.memory_space<vmem>> -> memref<125xi32, #tpu.memory_space<vmem>>
      %dma_start3A_112 = arith.constant 0 : i32
      %dma_start3A_113 = arith.constant 0 : i32
      %dma_start3A_114 = tpu.memref_slice %arg9[%dma_start3A_112, %dma_start3A_113] : memref<10240x128xf32, #tpu.memory_space<vmem_shared>> -> memref<10240x128xf32, #tpu.memory_space<vmem_shared>>
      tpu.enqueue_indirect_dma source(%arg7 : memref<125x128xf32, #tpu.memory_space<vmem>>) target(%dma_start3A_114 : memref<10240x128xf32, #tpu.memory_space<vmem_shared>>) offsets(%dma_start3A_111 : memref<125xi32, #tpu.memory_space<vmem>>) semaphore(%run_scoped3A_108 : memref<!tpu.dma_semaphore, #tpu.memory_space<semaphore_mem>>) {add = true}
      %dma_wait3A_115 = arith.constant 0 : i32
      %dma_wait3A_116 = tpu.memref_slice %arg6[%run_scoped3A_94, %dma_wait3A_115] : memref<40x125xi32, #tpu.memory_space<vmem>> -> memref<1x125xi32, #tpu.memory_space<vmem>>
      %dma_wait3A_117 = tpu.memref_squeeze %dma_wait3A_116 : memref<1x125xi32, #tpu.memory_space<vmem>> -> memref<125xi32, #tpu.memory_space<vmem>>
      %dma_wait3A_118 = arith.constant 0 : i32
      %dma_wait3A_119 = arith.constant 0 : i32
      %dma_wait3A_120 = tpu.memref_slice %arg9[%dma_wait3A_118, %dma_wait3A_119] : memref<10240x128xf32, #tpu.memory_space<vmem_shared>> -> memref<10240x128xf32, #tpu.memory_space<vmem_shared>>
      tpu.wait_indirect_dma semaphore(%run_scoped3A_108 : memref<!tpu.dma_semaphore, #tpu.memory_space<semaphore_mem>>) src(%arg7 : memref<125x128xf32, #tpu.memory_space<vmem>>) dst(%dma_wait3A_120 : memref<10240x128xf32, #tpu.memory_space<vmem_shared>>)
      tpu.yield
    }) : () -> ()
    %dma_wait3A_95 = arith.constant 39 : i32
    %dma_wait3A_96 = arith.constant 0 : i32
    %dma_wait3A_97 = tpu.memref_slice %arg5[%dma_wait3A_95, %dma_wait3A_96] : memref<40x125xi32, #tpu.memory_space<vmem>> -> memref<1x125xi32, #tpu.memory_space<vmem>>
    %dma_wait3A_98 = tpu.memref_squeeze %dma_wait3A_97 : memref<1x125xi32, #tpu.memory_space<vmem>> -> memref<125xi32, #tpu.memory_space<vmem>>
    %dma_wait3A_99 = arith.constant 0 : i32
    %dma_wait3A_100 = arith.constant 0 : i32
    %dma_wait3A_101 = tpu.memref_slice %arg2[%dma_wait3A_99, %dma_wait3A_100] : memref<10240x128xf32, #tpu.memory_space<hbm>> -> memref<10240x128xf32, #tpu.memory_space<hbm>>
    tpu.wait_indirect_dma semaphore(%arg11 : memref<!tpu.dma_semaphore, #tpu.memory_space<semaphore_mem>>) src(%dma_wait3A_101 : memref<10240x128xf32, #tpu.memory_space<hbm>>) dst(%arg8 : memref<125x128xf32, #tpu.memory_space<vmem>>)
    %run_scoped3A_102 = arith.constant 39 : i32
    "tpu.region"() ({
      %run_scoped3A_108 = tpu.sem_alloc : memref<!tpu.dma_semaphore, #tpu.memory_space<semaphore_mem>>
      %dma_start3A_109 = arith.constant 0 : i32
      %dma_start3A_110 = tpu.memref_slice %arg6[%run_scoped3A_102, %dma_start3A_109] : memref<40x125xi32, #tpu.memory_space<vmem>> -> memref<1x125xi32, #tpu.memory_space<vmem>>
      %dma_start3A_111 = tpu.memref_squeeze %dma_start3A_110 : memref<1x125xi32, #tpu.memory_space<vmem>> -> memref<125xi32, #tpu.memory_space<vmem>>
      %dma_start3A_112 = arith.constant 0 : i32
      %dma_start3A_113 = arith.constant 0 : i32
      %dma_start3A_114 = tpu.memref_slice %arg9[%dma_start3A_112, %dma_start3A_113] : memref<10240x128xf32, #tpu.memory_space<vmem_shared>> -> memref<10240x128xf32, #tpu.memory_space<vmem_shared>>
      tpu.enqueue_indirect_dma source(%arg8 : memref<125x128xf32, #tpu.memory_space<vmem>>) target(%dma_start3A_114 : memref<10240x128xf32, #tpu.memory_space<vmem_shared>>) offsets(%dma_start3A_111 : memref<125xi32, #tpu.memory_space<vmem>>) semaphore(%run_scoped3A_108 : memref<!tpu.dma_semaphore, #tpu.memory_space<semaphore_mem>>) {add = true}
      %dma_wait3A_115 = arith.constant 0 : i32
      %dma_wait3A_116 = tpu.memref_slice %arg6[%run_scoped3A_102, %dma_wait3A_115] : memref<40x125xi32, #tpu.memory_space<vmem>> -> memref<1x125xi32, #tpu.memory_space<vmem>>
      %dma_wait3A_117 = tpu.memref_squeeze %dma_wait3A_116 : memref<1x125xi32, #tpu.memory_space<vmem>> -> memref<125xi32, #tpu.memory_space<vmem>>
      %dma_wait3A_118 = arith.constant 0 : i32
      %dma_wait3A_119 = arith.constant 0 : i32
      %dma_wait3A_120 = tpu.memref_slice %arg9[%dma_wait3A_118, %dma_wait3A_119] : memref<10240x128xf32, #tpu.memory_space<vmem_shared>> -> memref<10240x128xf32, #tpu.memory_space<vmem_shared>>
      tpu.wait_indirect_dma semaphore(%run_scoped3A_108 : memref<!tpu.dma_semaphore, #tpu.memory_space<semaphore_mem>>) src(%arg8 : memref<125x128xf32, #tpu.memory_space<vmem>>) dst(%dma_wait3A_120 : memref<10240x128xf32, #tpu.memory_space<vmem_shared>>)
      tpu.yield
    }) : () -> ()
    %barrier3A_103 = arith.constant 0 : index
    tpu.barrier barrier_id(%barrier3A_103)
    %mul3A_104 = arith.constant 640 : i32
    %mul3A_105 = arith.muli %arg1, %mul3A_104 : i32
    %mul3A_106 = arith.constant 640 : i32
    %mul3A_107 = arith.muli %arg1, %mul3A_106 : i32
    "tpu.region"() ({
      %run_scoped3A_108 = tpu.sem_alloc : memref<!tpu.dma_semaphore, #tpu.memory_space<semaphore_mem>>
      %dma_start3A_109 = arith.constant 0 : i32
      %dma_start3A_110 = arith.constant 0 : i32
      %dma_start3A_111 = tpu.memref_slice %arg4[%arg0, %dma_start3A_109, %dma_start3A_110] : memref<2x10240x128xf32, #tpu.memory_space<hbm>> -> memref<1x10240x128xf32, #tpu.memory_space<hbm>>
      %dma_start3A_112 = tpu.memref_squeeze %dma_start3A_111 : memref<1x10240x128xf32, #tpu.memory_space<hbm>> -> memref<10240x128xf32, #tpu.memory_space<hbm>>
      %dma_start3A_113 = arith.constant 0 : i32
      %dma_start3A_114 = tpu.memref_slice %dma_start3A_112[%mul3A_107, %dma_start3A_113] : memref<10240x128xf32, #tpu.memory_space<hbm>> -> memref<640x128xf32, #tpu.memory_space<hbm>>
      %dma_start3A_115 = arith.constant 0 : i32
      %dma_start3A_116 = tpu.memref_slice %arg9[%mul3A_105, %dma_start3A_115] : memref<10240x128xf32, #tpu.memory_space<vmem_shared>> -> memref<640x128xf32, #tpu.memory_space<vmem_shared>>
      tpu.enqueue_dma source(%dma_start3A_116 : memref<640x128xf32, #tpu.memory_space<vmem_shared>>) target(%dma_start3A_114 : memref<640x128xf32, #tpu.memory_space<hbm>>) target_semaphore(%run_scoped3A_108 : memref<!tpu.dma_semaphore, #tpu.memory_space<semaphore_mem>>)
      %dma_wait3A_117 = arith.constant 0 : i32
      %dma_wait3A_118 = arith.constant 0 : i32
      %dma_wait3A_119 = tpu.memref_slice %arg4[%arg0, %dma_wait3A_117, %dma_wait3A_118] : memref<2x10240x128xf32, #tpu.memory_space<hbm>> -> memref<1x10240x128xf32, #tpu.memory_space<hbm>>
      %dma_wait3A_120 = tpu.memref_squeeze %dma_wait3A_119 : memref<1x10240x128xf32, #tpu.memory_space<hbm>> -> memref<10240x128xf32, #tpu.memory_space<hbm>>
      %dma_wait3A_121 = arith.constant 0 : i32
      %dma_wait3A_122 = tpu.memref_slice %dma_wait3A_120[%mul3A_107, %dma_wait3A_121] : memref<10240x128xf32, #tpu.memory_space<hbm>> -> memref<640x128xf32, #tpu.memory_space<hbm>>
      %dma_wait3A_123 = arith.constant 0 : i32
      %dma_wait3A_124 = tpu.memref_slice %arg9[%mul3A_105, %dma_wait3A_123] : memref<10240x128xf32, #tpu.memory_space<vmem_shared>> -> memref<640x128xf32, #tpu.memory_space<vmem_shared>>
      tpu.wait_dma2 semaphore(%run_scoped3A_108 : memref<!tpu.dma_semaphore, #tpu.memory_space<semaphore_mem>>) src(%dma_wait3A_124 : memref<640x128xf32, #tpu.memory_space<vmem_shared>>) dst(%dma_wait3A_122 : memref<640x128xf32, #tpu.memory_space<hbm>>)
      tpu.yield
    }) : () -> ()
    return
  }
}

module attributes {stable_mosaic.version = 14 : i64} {
  func.func @_tc1_body(%arg0: i32, %arg1: memref<5120x128xf32, #tpu.memory_space<vmem>>, %arg2: memref<128x128xf32, #tpu.memory_space<vmem>>, %arg3: memref<2x5120xf32, #tpu.memory_space<vmem>>, %arg4: memref<5120x128xf32, #tpu.memory_space<vmem>>, %arg5: memref<1x5120xf32, #tpu.memory_space<vmem>>) attributes {dimension_semantics = [#tpu.dimension_semantics<arbitrary>], iteration_bounds = array<i64: 2>, scalar_prefetch = 0 : i64, scratch_operands = 0 : i64, tpu.core_type = #tpu.core_type<tc>, window_params = [{transform_indices = @transform_0, window_bounds = array<i64: 5120, 128>}, {pipeline_mode = #tpu.pipeline_mode<synchronous>, transform_indices = @transform_1, window_bounds = array<i64: 128, 128>}, {transform_indices = @transform_2, window_bounds = array<i64: 2, 5120>}, {transform_indices = @transform_3, window_bounds = array<i64: 5120, 128>}, {transform_indices = @transform_4, window_bounds = array<i64: 1, 5120>}]} {
    %get3A = arith.constant 0 : index
    %get3A_0 = arith.constant 0 : index
    %get3A_1 = vector.load %arg3[%get3A, %get3A_0] : memref<2x5120xf32, #tpu.memory_space<vmem>>, vector<1x5120xf32>
    %get3A_2 = arith.constant 1 : index
    %get3A_3 = arith.constant 0 : index
    %get3A_4 = vector.load %arg3[%get3A_2, %get3A_3] : memref<2x5120xf32, #tpu.memory_space<vmem>>, vector<1x5120xf32>
    %add3A = arith.addf %get3A_1, %get3A_4 : vector<1x5120xf32>
    %add3A_5 = arith.constant 1.000000e+00 : f32
    %add3A_6 = vector.broadcast %add3A_5 : f32 to vector<1x5120xf32>
    %add3A_7 = arith.addf %add3A, %add3A_6 : vector<1x5120xf32>
    %rsqrt3A = math.rsqrt %add3A_7 : vector<1x5120xf32>
    %reshape3A = vector.shape_cast %rsqrt3A : vector<1x5120xf32> to vector<5120x1xf32>
    %get3A_8 = arith.constant 0 : index
    %get3A_9 = arith.constant 0 : index
    %get3A_10 = vector.load %arg1[%get3A_8, %get3A_9] : memref<5120x128xf32, #tpu.memory_space<vmem>>, vector<5120x128xf32>
    %get3A_11 = arith.constant 0 : index
    %get3A_12 = arith.constant 0 : index
    %get3A_13 = vector.load %arg2[%get3A_11, %get3A_12] : memref<128x128xf32, #tpu.memory_space<vmem>>, vector<128x128xf32>
    %dot_general3A = arith.constant dense<0.000000e+00> : vector<5120x128xf32>
    %dot_general3A_14 = tpu.matmul %get3A_10, %get3A_13, %dot_general3A {dimension_numbers = #tpu.dot_dimension_numbers<[1], [0], [0], [1], [0, 0, 1, 1], [], []>, transpose_lhs_hint = false} : vector<5120x128xf32>, vector<128x128xf32>, vector<5120x128xf32> -> vector<5120x128xf32>
    %mul3A = vector.broadcast %reshape3A : vector<5120x1xf32> to vector<5120x128xf32>
    %mul3A_15 = arith.mulf %dot_general3A_14, %mul3A : vector<5120x128xf32>
    %swap3A = arith.constant 0 : index
    %swap3A_16 = arith.constant 0 : index
    %swap3A_17 = vector.load %arg4[%swap3A, %swap3A_16] : memref<5120x128xf32, #tpu.memory_space<vmem>>, vector<5120x128xf32>
    tpu.vector_store %arg4[%swap3A, %swap3A_16], %mul3A_15 {strides = array<i32>} : memref<5120x128xf32, #tpu.memory_space<vmem>>, vector<5120x128xf32>,
    %swap3A_18 = arith.constant 0 : index
    %swap3A_19 = arith.constant 0 : index
    %swap3A_20 = vector.load %arg5[%swap3A_18, %swap3A_19] : memref<1x5120xf32, #tpu.memory_space<vmem>>, vector<1x5120xf32>
    tpu.vector_store %arg5[%swap3A_18, %swap3A_19], %rsqrt3A {strides = array<i32>} : memref<1x5120xf32, #tpu.memory_space<vmem>>, vector<1x5120xf32>,
    return
  }
  func.func @transform_0(%arg0: i32) -> (i32, i32) {
    %c0_i32 = arith.constant 0 : i32
    %c0_i32_0 = arith.constant 0 : i32
    return %arg0, %c0_i32 : i32, i32
  }
  func.func @transform_1(%arg0: i32) -> (i32, i32) {
    %c0_i32 = arith.constant 0 : i32
    %c0_i32_0 = arith.constant 0 : i32
    %c0_i32_1 = arith.constant 0 : i32
    return %c0_i32, %c0_i32_0 : i32, i32
  }
  func.func @transform_2(%arg0: i32) -> (i32, i32) {
    %c0_i32 = arith.constant 0 : i32
    %c0_i32_0 = arith.constant 0 : i32
    return %c0_i32, %arg0 : i32, i32
  }
  func.func @transform_3(%arg0: i32) -> (i32, i32) {
    %c0_i32 = arith.constant 0 : i32
    %c0_i32_0 = arith.constant 0 : i32
    return %arg0, %c0_i32 : i32, i32
  }
  func.func @transform_4(%arg0: i32) -> (i32, i32) {
    %c0_i32 = arith.constant 0 : i32
    %c0_i32_0 = arith.constant 0 : i32
    return %c0_i32, %arg0 : i32, i32
  }
}

module attributes {stable_mosaic.version = 14 : i64} {
  func.func @_tc2_body(%arg0: i32, %arg1: memref<2x5120x128xf32, #tpu.memory_space<vmem>>, %arg2: memref<1x5120xf32, #tpu.memory_space<vmem>>, %arg3: memref<1x128xf32, #tpu.memory_space<vmem>>, %arg4: memref<128x128xf32, #tpu.memory_space<vmem>>, %arg5: memref<5120x128xf32, #tpu.memory_space<vmem>>) attributes {dimension_semantics = [#tpu.dimension_semantics<arbitrary>], iteration_bounds = array<i64: 2>, scalar_prefetch = 0 : i64, scratch_operands = 0 : i64, tpu.core_type = #tpu.core_type<tc>, window_params = [{transform_indices = @transform_0, window_bounds = array<i64: 2, 5120, 128>}, {transform_indices = @transform_1, window_bounds = array<i64: 1, 5120>}, {pipeline_mode = #tpu.pipeline_mode<synchronous>, transform_indices = @transform_2, window_bounds = array<i64: 1, 128>}, {pipeline_mode = #tpu.pipeline_mode<synchronous>, transform_indices = @transform_3, window_bounds = array<i64: 128, 128>}, {transform_indices = @transform_4, window_bounds = array<i64: 5120, 128>}]} {
    %get3A = arith.constant 0 : index
    %get3A_0 = arith.constant 0 : index
    %get3A_1 = vector.load %arg2[%get3A, %get3A_0] : memref<1x5120xf32, #tpu.memory_space<vmem>>, vector<1x5120xf32>
    %reshape3A = vector.shape_cast %get3A_1 : vector<1x5120xf32> to vector<5120x1xf32>
    %get3A_2 = arith.constant 0 : index
    %get3A_3 = arith.constant 0 : index
    %get3A_4 = arith.constant 0 : index
    %get3A_5 = vector.load %arg1[%get3A_2, %get3A_3, %get3A_4] : memref<2x5120x128xf32, #tpu.memory_space<vmem>>, vector<1x5120x128xf32>
    %get3A_6 = vector.shape_cast %get3A_5 : vector<1x5120x128xf32> to vector<5120x128xf32>
    %get3A_7 = arith.constant 1 : index
    %get3A_8 = arith.constant 0 : index
    %get3A_9 = arith.constant 0 : index
    %get3A_10 = vector.load %arg1[%get3A_7, %get3A_8, %get3A_9] : memref<2x5120x128xf32, #tpu.memory_space<vmem>>, vector<1x5120x128xf32>
    %get3A_11 = vector.shape_cast %get3A_10 : vector<1x5120x128xf32> to vector<5120x128xf32>
    %add3A = arith.addf %get3A_6, %get3A_11 : vector<5120x128xf32>
    %mul3A = vector.broadcast %reshape3A : vector<5120x1xf32> to vector<5120x128xf32>
    %mul3A_12 = arith.mulf %add3A, %mul3A : vector<5120x128xf32>
    %get3A_13 = arith.constant 0 : index
    %get3A_14 = arith.constant 0 : index
    %get3A_15 = vector.load %arg3[%get3A_13, %get3A_14] : memref<1x128xf32, #tpu.memory_space<vmem>>, vector<1x128xf32>
    %add3A_16 = vector.broadcast %get3A_15 : vector<1x128xf32> to vector<5120x128xf32>
    %add3A_17 = arith.addf %mul3A_12, %add3A_16 : vector<5120x128xf32>
    %max3A = arith.constant 0.000000e+00 : f32
    %max3A_18 = vector.broadcast %max3A : f32 to vector<5120x128xf32>
    %max3A_19 = arith.maximumf %add3A_17, %max3A_18 : vector<5120x128xf32>
    %get3A_20 = arith.constant 0 : index
    %get3A_21 = arith.constant 0 : index
    %get3A_22 = vector.load %arg4[%get3A_20, %get3A_21] : memref<128x128xf32, #tpu.memory_space<vmem>>, vector<128x128xf32>
    %dot_general3A = arith.constant dense<0.000000e+00> : vector<5120x128xf32>
    %dot_general3A_23 = tpu.matmul %max3A_19, %get3A_22, %dot_general3A {dimension_numbers = #tpu.dot_dimension_numbers<[1], [0], [0], [1], [0, 0, 1, 1], [], []>, transpose_lhs_hint = false} : vector<5120x128xf32>, vector<128x128xf32>, vector<5120x128xf32> -> vector<5120x128xf32>
    %mul3A_24 = vector.broadcast %reshape3A : vector<5120x1xf32> to vector<5120x128xf32>
    %mul3A_25 = arith.mulf %dot_general3A_23, %mul3A_24 : vector<5120x128xf32>
    %swap3A = arith.constant 0 : index
    %swap3A_26 = arith.constant 0 : index
    %swap3A_27 = vector.load %arg5[%swap3A, %swap3A_26] : memref<5120x128xf32, #tpu.memory_space<vmem>>, vector<5120x128xf32>
    tpu.vector_store %arg5[%swap3A, %swap3A_26], %mul3A_25 {strides = array<i32>} : memref<5120x128xf32, #tpu.memory_space<vmem>>, vector<5120x128xf32>,
    return
  }
  func.func @transform_0(%arg0: i32) -> (i32, i32, i32) {
    %c0_i32 = arith.constant 0 : i32
    %c0_i32_0 = arith.constant 0 : i32
    %c0_i32_1 = arith.constant 0 : i32
    return %c0_i32, %arg0, %c0_i32_0 : i32, i32, i32
  }
  func.func @transform_1(%arg0: i32) -> (i32, i32) {
    %c0_i32 = arith.constant 0 : i32
    %c0_i32_0 = arith.constant 0 : i32
    return %c0_i32, %arg0 : i32, i32
  }
  func.func @transform_2(%arg0: i32) -> (i32, i32) {
    %c0_i32 = arith.constant 0 : i32
    %c0_i32_0 = arith.constant 0 : i32
    %c0_i32_1 = arith.constant 0 : i32
    return %c0_i32, %c0_i32_0 : i32, i32
  }
  func.func @transform_3(%arg0: i32) -> (i32, i32) {
    %c0_i32 = arith.constant 0 : i32
    %c0_i32_0 = arith.constant 0 : i32
    %c0_i32_1 = arith.constant 0 : i32
    return %c0_i32, %c0_i32_0 : i32, i32
  }
  func.func @transform_4(%arg0: i32) -> (i32, i32) {
    %c0_i32 = arith.constant 0 : i32
    %c0_i32_0 = arith.constant 0 : i32
    return %arg0, %c0_i32 : i32, i32
  }
}

module attributes {stable_mosaic.version = 14 : i64} {
  func.func @_tc3_body(%arg0: i32, %arg1: memref<2x5120x128xf32, #tpu.memory_space<vmem>>, %arg2: memref<1x5120xf32, #tpu.memory_space<vmem>>, %arg3: memref<1x128xf32, #tpu.memory_space<vmem>>, %arg4: memref<128x70xf32, #tpu.memory_space<vmem>>, %arg5: memref<1x70xf32, #tpu.memory_space<vmem>>, %arg6: memref<5120x70xf32, #tpu.memory_space<vmem>>) attributes {dimension_semantics = [#tpu.dimension_semantics<arbitrary>], iteration_bounds = array<i64: 2>, scalar_prefetch = 0 : i64, scratch_operands = 0 : i64, tpu.core_type = #tpu.core_type<tc>, window_params = [{transform_indices = @transform_0, window_bounds = array<i64: 2, 5120, 128>}, {transform_indices = @transform_1, window_bounds = array<i64: 1, 5120>}, {pipeline_mode = #tpu.pipeline_mode<synchronous>, transform_indices = @transform_2, window_bounds = array<i64: 1, 128>}, {pipeline_mode = #tpu.pipeline_mode<synchronous>, transform_indices = @transform_3, window_bounds = array<i64: 128, 70>}, {pipeline_mode = #tpu.pipeline_mode<synchronous>, transform_indices = @transform_4, window_bounds = array<i64: 1, 70>}, {transform_indices = @transform_5, window_bounds = array<i64: 5120, 70>}]} {
    %get3A = arith.constant 0 : index
    %get3A_0 = arith.constant 0 : index
    %get3A_1 = vector.load %arg2[%get3A, %get3A_0] : memref<1x5120xf32, #tpu.memory_space<vmem>>, vector<1x5120xf32>
    %reshape3A = vector.shape_cast %get3A_1 : vector<1x5120xf32> to vector<5120x1xf32>
    %get3A_2 = arith.constant 0 : index
    %get3A_3 = arith.constant 0 : index
    %get3A_4 = arith.constant 0 : index
    %get3A_5 = vector.load %arg1[%get3A_2, %get3A_3, %get3A_4] : memref<2x5120x128xf32, #tpu.memory_space<vmem>>, vector<1x5120x128xf32>
    %get3A_6 = vector.shape_cast %get3A_5 : vector<1x5120x128xf32> to vector<5120x128xf32>
    %get3A_7 = arith.constant 1 : index
    %get3A_8 = arith.constant 0 : index
    %get3A_9 = arith.constant 0 : index
    %get3A_10 = vector.load %arg1[%get3A_7, %get3A_8, %get3A_9] : memref<2x5120x128xf32, #tpu.memory_space<vmem>>, vector<1x5120x128xf32>
    %get3A_11 = vector.shape_cast %get3A_10 : vector<1x5120x128xf32> to vector<5120x128xf32>
    %add3A = arith.addf %get3A_6, %get3A_11 : vector<5120x128xf32>
    %mul3A = vector.broadcast %reshape3A : vector<5120x1xf32> to vector<5120x128xf32>
    %mul3A_12 = arith.mulf %add3A, %mul3A : vector<5120x128xf32>
    %get3A_13 = arith.constant 0 : index
    %get3A_14 = arith.constant 0 : index
    %get3A_15 = vector.load %arg3[%get3A_13, %get3A_14] : memref<1x128xf32, #tpu.memory_space<vmem>>, vector<1x128xf32>
    %add3A_16 = vector.broadcast %get3A_15 : vector<1x128xf32> to vector<5120x128xf32>
    %add3A_17 = arith.addf %mul3A_12, %add3A_16 : vector<5120x128xf32>
    %max3A = arith.constant 0.000000e+00 : f32
    %max3A_18 = vector.broadcast %max3A : f32 to vector<5120x128xf32>
    %max3A_19 = arith.maximumf %add3A_17, %max3A_18 : vector<5120x128xf32>
    %get3A_20 = arith.constant 0 : index
    %get3A_21 = arith.constant 0 : index
    %get3A_22 = vector.load %arg4[%get3A_20, %get3A_21] : memref<128x70xf32, #tpu.memory_space<vmem>>, vector<128x70xf32>
    %dot_general3A = arith.constant dense<0.000000e+00> : vector<5120x70xf32>
    %dot_general3A_23 = tpu.matmul %max3A_19, %get3A_22, %dot_general3A {dimension_numbers = #tpu.dot_dimension_numbers<[1], [0], [0], [1], [0, 0, 1, 1], [], []>, transpose_lhs_hint = false} : vector<5120x128xf32>, vector<128x70xf32>, vector<5120x70xf32> -> vector<5120x70xf32>
    %get3A_24 = arith.constant 0 : index
    %get3A_25 = arith.constant 0 : index
    %get3A_26 = vector.load %arg5[%get3A_24, %get3A_25] : memref<1x70xf32, #tpu.memory_space<vmem>>, vector<1x70xf32>
    %add3A_27 = vector.broadcast %get3A_26 : vector<1x70xf32> to vector<5120x70xf32>
    %add3A_28 = arith.addf %dot_general3A_23, %add3A_27 : vector<5120x70xf32>
    %swap3A = arith.constant 0 : index
    %swap3A_29 = arith.constant 0 : index
    %swap3A_30 = vector.load %arg6[%swap3A, %swap3A_29] : memref<5120x70xf32, #tpu.memory_space<vmem>>, vector<5120x70xf32>
    tpu.vector_store %arg6[%swap3A, %swap3A_29], %add3A_28 {strides = array<i32>} : memref<5120x70xf32, #tpu.memory_space<vmem>>, vector<5120x70xf32>,
    return
  }
  func.func @transform_0(%arg0: i32) -> (i32, i32, i32) {
    %c0_i32 = arith.constant 0 : i32
    %c0_i32_0 = arith.constant 0 : i32
    %c0_i32_1 = arith.constant 0 : i32
    return %c0_i32, %arg0, %c0_i32_0 : i32, i32, i32
  }
  func.func @transform_1(%arg0: i32) -> (i32, i32) {
    %c0_i32 = arith.constant 0 : i32
    %c0_i32_0 = arith.constant 0 : i32
    return %c0_i32, %arg0 : i32, i32
  }
  func.func @transform_2(%arg0: i32) -> (i32, i32) {
    %c0_i32 = arith.constant 0 : i32
    %c0_i32_0 = arith.constant 0 : i32
    %c0_i32_1 = arith.constant 0 : i32
    return %c0_i32, %c0_i32_0 : i32, i32
  }
  func.func @transform_3(%arg0: i32) -> (i32, i32) {
    %c0_i32 = arith.constant 0 : i32
    %c0_i32_0 = arith.constant 0 : i32
    %c0_i32_1 = arith.constant 0 : i32
    return %c0_i32, %c0_i32_0 : i32, i32
  }
  func.func @transform_4(%arg0: i32) -> (i32, i32) {
    %c0_i32 = arith.constant 0 : i32
    %c0_i32_0 = arith.constant 0 : i32
    %c0_i32_1 = arith.constant 0 : i32
    return %c0_i32, %c0_i32_0 : i32, i32
  }
  func.func @transform_5(%arg0: i32) -> (i32, i32) {
    %c0_i32 = arith.constant 0 : i32
    %c0_i32_0 = arith.constant 0 : i32
    return %arg0, %c0_i32 : i32, i32
  }
}

</mosaic_0001>

<sc_bundles>
// kernel: kernel.11.cloned.1.call-start
scs
__scs_entry_jumppad:
0x0: {  	(pc) =	sbr.rel $0x88, $3  }
0x1: {  	(tag) =	ssettag $0x0;
	lr =	simm.s32 $0x1  }
0x2: {  	[smem:$0x3F99] =	sst lr;
	_ =	strace $0xD0000000  }
0x3: {  	_ = 	snop  }
0x4: {  	_ = 	snop  }
0x5: {  	_ = 	snop  }
0x6: {  	_ = 	snop  }
0x7: {  	_ = 	snop  }
__scs_overlays_trampoline_lowered:
0x8: {  	[smem:$0x3FA8] =	sst s0  }
0x9: {  	[smem:$0x3FA9] =	sst s1  }
0xa: {  	[smem:$0x3FAA] =	sst s2  }
0xb: {  	[smem:$0x3FAB] =	sst s3  }
0xc: {  	[smem:$0x3FAC] =	sst s4  }
0xd: {  	[smem:$0x3FAD] =	sst s5  }
0xe: {  	[smem:$0x3FAE] =	sst s6  }
0xf: {  	[smem:$0x3FAF] =	sst s7  }
0x10: {  	[smem:$0x3FB0] =	sst s8  }
0x11: {  	[smem:$0x3FB1] =	sst s9;
	s0 =	simm.s32 @!p0 $0x0  }
0x12: {  	s1 =	sld [smem:$0x3F97];
	s0 =	simm.s32 @p0 $0x1  }
0x13: {  	[smem:$0x3FB2] =	sst s0;
	s0 =	simm.s32 @!p1 $0x0  }
0x14: {  	s2 =	sld [smem:$0x3F96];
	s0 =	simm.s32 @p1 $0x1  }
0x15: {  	[smem:$0x3FB3] =	sst s0;
	s0 =	simm.s32 @!p2 $0x0  }
0x16: {  	s3 =	sld [smem:$0x3FDB];
	s0 =	simm.s32 @p2 $0x1  }
0x17: {  	s4 =	simm.s32 $0x1BF5;
	[smem:$0x3FB5] =	sst s0  }
0x18: {  	s0 =	sld [smem:$0x3F98];
	_ =	swait.ge [sflag:s4], $0x0  }
0x19: {  	s7 =	sld [smem:$0x3F99]  }
0x1a: {  	s8 =	sadd.s32 $0xFFFFE003, lr  }
0x1b: {  	s9 =	sadd.s32 $0xFFFFFEF7, lr;
	s5 =	simm.s32 $0xFFFFFFFF;
	p2 =	slt.u32 s8, $0xFFFFF086  }
0x1c: {  	p1 =	slt.u32 s9, $0xF7A;
	s5 =	simm.s32 @!p2 $0x0  }
0x1d: {  	s5 =	simm.s32 @p1 $0x1;
	p0 =	seq.s32 s7, s2  }
0x1e: {  	s7 =	smul.u32 @!p0 $0xF7A, s2;
	p2 =	seq.s32 @!p0 s5, $0x0  }
0x1f: {  	s9 =	smul.u32 $0xF7A, s1;
	s8 =	simm.s32 @!p0 $0x1BF5;
	p2 =	por !p2, p0  }
0x20: {  	[sflag:s8] =	ssyncset.s32 @!p0 $0xFFFFF086;
	s6 =	sadd.s32 @!p0 s3, s7;
	s7 =	simm.s32 @!p0 $0x108  }
0x21: {  	s3 =	sadd.s32 s3, s9;
	s6 =	sadd.s32 @!p0 $0x88, s6;
	s7 =	simm.s32 @p2 $0x1082  }
0x22: {  	[simem:s7], [sflag:s8] =	dma.local @!p0 [hbm:s6], $0xF7A  }
0x23: {  	s9 =	sor.u32 $0xD0000000, s2;
	s6 =	simm.s32 $0x108;
	_ =	swait.ge @!p0 [sflag:s8], $0x0  }
0x24: {  	s3 =	sadd.s32 $0x88, s3;
	s6 =	simm.s32 @!p1 $0x1082;
	[sflag:s4] =	ssyncset.s32 $0xFFFFF086  }
0x25: {  	[simem:s6], [sflag:s4] =	dma.local [hbm:s3], $0xF7A  }
0x26: {  	[smem:$0x3F99] =	sst s1;
	(tag) =	ssettag s2;
	_ =	strace s9  }
0x27: {  	s1 =	sld [smem:$0x3FA9]  }
0x28: {  	s2 =	sld [smem:$0x3FAA]  }
0x29: {  	s4 =	sld [smem:$0x3FAC]  }
0x2a: {  	p0 =	seq.s32 s5, $0x0;
	s5 =	sld [smem:$0x3FAD]  }
0x2b: {  	s6 =	sld [smem:$0x3FAE]  }
0x2c: {  	s7 =	sld [smem:$0x3FAF]  }
0x2d: {  	s3 =	simm.s32 $0x108;
	s8 =	sld [smem:$0x3FB0]  }
0x2e: {  	s3 =	simm.s32 @!p0 $0x1082;
	s9 =	sld [smem:$0x3FB1]  }
0x2f: {  	lr =	sadd.s32 s0, s3;
	s0 =	sld [smem:$0x3FA8]  }
0x30: {  	s3 =	sld [smem:$0x3FAB]  }
0x31: {  	[smem:$0x3FB4] =	sst s10  }
0x32: {  	s10 =	sld [smem:$0x3FB2];
	_ =	sdelay $0x3  }
0x33: {  	p0 =	seq.s32 s10, $0x1;
	s10 =	sld [smem:$0x3FB4];
	_ =	sdelay $0x3  }
0x34: {  	[smem:$0x3FB4] =	sst s10  }
0x35: {  	s10 =	sld [smem:$0x3FB3];
	_ =	sdelay $0x3  }
0x36: {  	p1 =	seq.s32 s10, $0x1;
	s10 =	sld [smem:$0x3FB4];
	_ =	sdelay $0x3  }
0x37: {  	[smem:$0x3FB4] =	sst s10  }
0x38: {  	s10 =	sld [smem:$0x3FB5]  }
0x39: {  	_ = 	snop;
	(pc) =	sbr.ind lr, $3  }
0x3a: {  	_ = 	snop  }
0x3b: {  	_ = 	snop  }
0x3c: {  	p2 =	seq.s32 s10, $0x1;
	s10 =	sld [smem:$0x3FB4]  }
0x3d: {  	_ =	shalt  }
0x3e: {  	_ =	shalt  }
0x3f: {  	_ =	shalt  }
0x40: {  	_ =	shalt  }
0x41: {  	_ =	shalt  }
0x42: {  	_ =	shalt  }
0x43: {  	_ =	shalt  }
0x44: {  	_ =	shalt  }
0x45: {  	_ =	shalt  }
0x46: {  	_ =	shalt  }
0x47: {  	_ =	shalt  }
0x48: {  	_ =	shalt  }
0x49: {  	_ =	shalt  }
0x4a: {  	_ =	shalt  }
0x4b: {  	_ =	shalt  }
0x4c: {  	_ =	shalt  }
0x4d: {  	_ =	shalt  }
0x4e: {  	_ =	shalt  }
0x4f: {  	_ =	shalt  }
0x50: {  	_ =	shalt  }
0x51: {  	_ =	shalt  }
0x52: {  	_ =	shalt  }
0x53: {  	_ =	shalt  }
0x54: {  	_ =	shalt  }
0x55: {  	_ =	shalt  }
0x56: {  	_ =	shalt  }
0x57: {  	_ =	shalt  }
0x58: {  	_ =	shalt  }
0x59: {  	_ =	shalt  }
0x5a: {  	_ =	shalt  }
0x5b: {  	_ =	shalt  }
0x5c: {  	_ =	shalt  }
0x5d: {  	_ =	shalt  }
0x5e: {  	_ =	shalt  }
0x5f: {  	_ =	shalt  }
0x60: {  	_ =	shalt  }
0x61: {  	_ =	shalt  }
0x62: {  	_ =	shalt  }
0x63: {  	_ =	shalt  }
0x64: {  	_ =	shalt  }
0x65: {  	_ =	shalt  }
0x66: {  	_ =	shalt  }
0x67: {  	_ =	shalt  }
0x68: {  	_ =	shalt  }
0x69: {  	_ =	shalt  }
0x6a: {  	_ =	shalt  }
0x6b: {  	_ =	shalt  }
0x6c: {  	_ =	shalt  }
0x6d: {  	_ =	shalt  }
0x6e: {  	_ =	shalt  }
0x6f: {  	_ =	shalt  }
0x70: {  	_ =	shalt  }
0x71: {  	_ =	shalt  }
0x72: {  	_ =	shalt  }
0x73: {  	_ =	shalt  }
0x74: {  	_ =	shalt  }
0x75: {  	_ =	shalt  }
0x76: {  	_ =	shalt  }
0x77: {  	_ =	shalt  }
0x78: {  	_ =	shalt  }
0x79: {  	_ =	shalt  }
0x7a: {  	_ =	shalt  }
0x7b: {  	_ =	shalt  }
0x7c: {  	_ =	shalt  }
0x7d: {  	_ =	shalt  }
0x7e: {  	_ =	shalt  }
0x7f: {  	_ =	shalt  }
0x80: {  	_ =	shalt  }
0x81: {  	_ =	shalt  }
0x82: {  	_ =	shalt  }
0x83: {  	_ =	shalt  }
0x84: {  	_ =	shalt  }
0x85: {  	_ =	shalt  }
0x86: {  	_ =	shalt  }
0x87: {  	_ =	shalt  }
.Lfunc_end0:
.L_simem_size_0:
called_computation.1_lowered:
.L_overlay_start_0:
0x88: {  	s2 =	sld [smem:$0x3FD9]  }
0x89: {  	s3 =	sld [smem:$0x3FFE];
	_ =	sdelay $0x1  }
0x8a: {  	s1 =	srdreg.scid  }
0x8b: {  	s0 =	sand.u32 $0x1, s1  }
0x8c: {  	s17 =	sshll.u32 s0, $0xA;
	s2 =	sadd.s32 s3, s2  }
0x8d: {  	s2 =	sadd.s32 s2, s17  }
0x8e: {  	[smem:$0x3FC0] =	sst s2  }
0x8f: {  	_ = 	snop  }
0x90: {  	s2 =	sld [smem:$0x3FD0];
	(tm) =	ssettm $0x1  }
0x91: {  	s18 =	sld [smem:$0x3FFB];
	_ =	sdelay $0x3  }
0x92: {  	_ =	strace s18  }
0x93: {  	s3 =	sld [smem:$0x3FFC];
	_ =	sdelay $0x3  }
0x94: {  	_ =	strace s3  }
0x95: {  	s3 =	sld [smem:$0x3FFD];
	_ =	sdelay $0x3  }
0x96: {  	_ =	strace s3  }
0x97: {  	_ =	strace $0x8FFFFFFF  }
0x98: {  	s19 =	sld [smem:$0x3FDB];
	_ =	sdelay $0x1  }
0x99: {  	s4 =	simm.s32 $_scs_section_size  }
0x9a: {  	s5 =	simm.s32 $_size__tile_overlayer_lowered;
	s6 =	simm.s32 $_tile_overlayer_lowered  }
0x9b: {  	s22 =	simm.s32 $0x1BFF;
	s21 =	sshll.u32 s6, $0x1;
	s3 =	sadd.s32 s4, s19  }
0x9c: {  	s7 =	simm.s32 $0x0;
	s20 =	sshll.u32 s5, $0x1;
	s5 =	sadd.s32 s21, s3  }
0x9d: {  	[timem:s7], [sflag:s22] =	dma.local [hbm:s5], s20  }
0x9e: {  	_ =	swait.ge [sflag:s22], s20  }
0x9f: {  	s4 =	ssub.s32 $0x0, s20;
	[sflag:s22] =	ssyncset.done $0x0  }
0xa0: {  	[sflag:s22] =	ssyncadd.s32 s4;
	_ =	sdelay $0x1  }
0xa1: {  	s23 =	simm.s32 $0x1B8B  }
0xa2: {  	_ =	swait.ge [sflag:s23], $0x1  }
0xa3: {  	[sflag:s23] =	ssyncset.done $0x0  }
0xa4: {  	s25 =	simm.s32 $0x1B8E;
	s24 =	sld [smem:$0x3FFE];
	[sflag:s23] =	ssyncadd.s32 $0xFFFFFFFF  }
0xa5: {  	s26 =	simm.s32 $execute0_lowered;
	[smem:$0x3FD2] =	sst s25  }
0xa6: {  	s5 =	sshll.u32 s26, $0x1;
	_ =	strace $0x80000049;
	[dreg:$0x1] =	wrdreg $0xFFFFFFFF  }
0xa7: {  	s28 =	simm.s32 $_size_execute0_lowered;
	s3 =	sadd.s32 s3, s5;
	[dreg:$0x0] =	wrdreg $0x0  }
0xa8: {  	s5 =	sshll.u32 s28, $0x1;
	[dreg:$0x2] =	wrdreg s3  }
0xa9: {  	[dreg:$0x3] =	wrdreg s5  }
0xaa: {  	[dreg:$0x4] =	wrdreg $0xC0  }
0xab: {  	_ =	task [dreg:s7], $0x5FFFF  }
0xac: {  	[dreg:$0x1] =	wrdreg $0xFFFFFFFF  }
0xad: {  	[dreg:$0x0] =	wrdreg $0x60  }
0xae: {  	[dreg:$0x2] =	wrdreg s24  }
0xaf: {  	[dreg:$0x3] =	wrdreg s2  }
0xb0: {  	[dreg:$0x4] =	wrdreg $0xA8000  }
0xb1: {  	[dreg:$0x5] =	wrdreg $0x9  }
0xb2: {  	_ =	task.clear_ibuf [dreg:s7], $0x6FFFF;
	_ =	strace $0x90000049  }
0xb3: {  	s29 =	simm.s32 $0x9;
	_ =	strace $0x8000004B  }
0xb4: {  	_ =	swait.ge [sflag:s29], $0x1  }
0xb5: {  	[sflag:s29] =	ssyncadd.s32 $0xFFFFFFFF  }
0xb6: {  	_ =	strace $0x9000004B  }
0xb7: {  	_ =	sfence  }
0xb8: {  	s30 =	sld [smem:$0x0];
	_ =	sdelay $0x2  }
0xb9: {  	s31 =	sshll.u32 s1, $0xD;
	s1 =	sshrl.u32 s1, $0x2  }
0xba: {  	s3 =	sand.u32 $0x4000, s31;
	s1 =	sadd.s32 s1, s30  }
0xbb: {  	s0 =	sor.u32 s3, s0;
	s1 =	sshll.u32 s1, $0x11  }
0xbc: {  	s0 =	sor.u32 s1, s0  }
0xbd: {  	s0 =	sadd.s32 $0x8F2B, s0  }
0xbe: {  	[sflag:s0] =	ssyncadd.remote.s32 $0x1  }
0xbf: {  	_ =	sfence.sel $0xFFFF  }
0xc0: {  	[dreg:$0x0] =	wrdreg $0xFFFFFFFF;
	(pc) =	sbr.abs _section_cstart, $3  }
0xc1: {  	[dreg:$0x1] =	wrdreg $0xFFFFFFFF  }
0xc2: {  	_ =	task.clear_ibuf [dreg:s7], $0x2FFFF;
	_ =	strace $0x9FFFFFFF  }
0xc3: {  	(tm) =	ssettm $0x7FFFFFFF  }
tec
execute0_lowered:
.L_overlay_start_1:
0x0: {  	(tag) =	ssettag $0x1  }
0x1: {  	s5 =	rddreg [dreg:$0x0]  }
0x2: {  	s12 =	rddreg [dreg:$0x1]  }
0x3: {  	s1 =	rddreg [dreg:$0x2]  }
0x4: {  	s0 =	rddreg [dreg:$0x3];
	s2 =	simm.s32 $0x0;
	s3 =	srdreg.scid  }
0x5: {  	s17 =	simm.s32 $0x7D;
	s18 =	simm.s32 $0x6800;
	s19 =	simm.s32 $0x1  }
0x6: {  	s20 =	simm.s32 $0x2;
	s21 =	simm.s32 $0x1380;
	s22 =	simm.s32 $0x2700  }
0x7: {  	s23 =	simm.s32 $0x2780;
	[smem:$0x7FF] =	sst s2;
	s6 =	sand.u32 $0x1, s3  }
0x8: {  	s3 =	stileid.u32;
	s4 =	sadd.s32 $0x2C00, s5;
	s7 =	smul.u32 $0x28000, s6  }
0x9: {  	s16 =	sadd.s32 $0xA000, s12;
	_ =	strace $0x8000004A;
	s8 =	smul.u32 $0x50000, s3  }
0xa: {  	s30 =	ssub.s32 $0x2, s6;
	s6 =	sshll.u32 s6, $0x4;
	s25 =	smul.u32 $0x2800, s3  }
0xb: {  	s31 =	sshrl.u32 s30, $0x1;
	s9 =	sor.u32 s3, s6;
	s13 =	sadd.s32 s7, s5  }
0xc: {  	s8 =	sshrl.u32 s8, $0x2;
	s14 =	ssub.s32 s30, s31;
	s15 =	smul.u32 $0x500, s9  }
0xd: {  	s5 =	sadd.s32 s8, s1;
	s24 =	sadd.s32 $0x2AC00, s13;
	s13 =	simm.s32 $0x2800  }
0xe: {  	s6 =	sadd.s32 $0x3E80, s5;
	s7 =	sadd.s32 $0x7D00, s5;
	s8 =	sadd.s32 $0xBB80, s5  }
0xf: {  	s9 =	sadd.s32 $0xFA00, s5;
	s10 =	sadd.s32 $0x13880, s5;
	s11 =	sadd.s32 s12, s15  }
0x10: {  	s12 =	smax.u32 s14, $0x1;
	s14 =	simm.s32 $0x3;
	s15 =	sadd.s32 s15, s16  }
0x11: {  	v0 =	vimm.f32 $0.0e+00;
	s16 =	simm.s32 $0x1400;
	s24 =	sadd.s32 s25, s24;
	s25 =	simm.s32 $0x0  }
.LBB2_1:
0x12: {  	s26 =	sand.u32 $0xFE00, s2  }
0x13: {  	s28 =	sand.u32 $0x70, s2;
	s29 =	sshrl.u32 s26, $0x2  }
0x14: {  	s26 =	simm.s32 $0x40;
	s29 =	sor.u32 s28, s29;
	s28 =	simm.s32 $0x0  }
.LBB2_2:
0x15: {  	p0 =	sne.s32 s26, $0xF9C0  }
0x16: {  	[tilespmem:s29+$0x2800] =	vst v0;
	s28 =	sadd.s32 $0x10, s28;
	s29 =	smov.u32 s26;
	s26 =	sadd.s32 $0x40, s26  }
.Ltmp0:
0x17: {  	(pc) =	sbr.rel @p0 .LBB2_2-.Ltmp0, $4  }
0x18: {  	_ = 	snop  }
0x19: {  	s29 =	sand.u32 $0xFE00, s29  }
0x1a: {  	s30 =	sand.u32 $0x70, s28;
	s29 =	sshrl.u32 s29, $0x2  }
0x1b: {  	s29 =	sor.u32 s30, s29  }
0x1c: {  	[tilespmem:s29+$0x2800] =	vst v0  }
0x1d: {  	[spmem:s5] =	stream.linear.scatter [tilespmem:s13], [sflag:$0x3], $0x3E80, $0x38;
	[tilespmem:$0x1E800] =	vst v63  }
0x1e: {  	_ =	swait.ge [sflag:s14], $0x3E80  }
0x1f: {  	[sflag:s14] =	ssyncset.done $0x0  }
0x20: {  	[sflag:s14] =	ssyncadd.s32 $0xFFFFC180  }
0x21: {  	[spmem:s6] =	stream.linear.scatter [tilespmem:s13], [sflag:$0x3], $0x3E80, $0x38;
	[tilespmem:$0x1E800] =	vst v63  }
0x22: {  	_ =	swait.ge [sflag:s14], $0x3E80  }
0x23: {  	[sflag:s14] =	ssyncset.done $0x0  }
0x24: {  	[sflag:s14] =	ssyncadd.s32 $0xFFFFC180  }
0x25: {  	[spmem:s7] =	stream.linear.scatter [tilespmem:s13], [sflag:$0x3], $0x3E80, $0x38;
	[tilespmem:$0x1E800] =	vst v63  }
0x26: {  	_ =	swait.ge [sflag:s14], $0x3E80  }
0x27: {  	[sflag:s14] =	ssyncset.done $0x0  }
0x28: {  	[sflag:s14] =	ssyncadd.s32 $0xFFFFC180  }
0x29: {  	[spmem:s8] =	stream.linear.scatter [tilespmem:s13], [sflag:$0x3], $0x3E80, $0x38;
	[tilespmem:$0x1E800] =	vst v63  }
0x2a: {  	_ =	swait.ge [sflag:s14], $0x3E80  }
0x2b: {  	[sflag:s14] =	ssyncset.done $0x0  }
0x2c: {  	[sflag:s14] =	ssyncadd.s32 $0xFFFFC180  }
0x2d: {  	[spmem:s9] =	stream.linear.scatter [tilespmem:s13], [sflag:$0x3], $0x3E80, $0x38;
	[tilespmem:$0x1E800] =	vst v63  }
0x2e: {  	_ =	swait.ge [sflag:s14], $0x3E80  }
0x2f: {  	[sflag:s14] =	ssyncset.done $0x0  }
0x30: {  	[sflag:s14] =	ssyncadd.s32 $0xFFFFC180  }
0x31: {  	[spmem:s10] =	stream.linear.scatter [tilespmem:s13], [sflag:$0x3], $0x780, $0x38;
	[tilespmem:$0x1E800] =	vst v63  }
0x32: {  	_ =	swait.ge [sflag:s14], $0x780  }
0x33: {  	[sflag:s14] =	ssyncset.done $0x0  }
0x34: {  	s26 =	simm.s32 $0x0;
	[sflag:s14] =	ssyncadd.s32 $0xFFFFF880  }
0x35: {  	[tilespmem:s26], [sflag:$0x3] =	stream.linear.gather [hbm4b:s11+s26], $0x1400, $0x38;
	[tilespmem:$0x1E800] =	vst v63  }
0x36: {  	_ =	swait.ge [sflag:s14], $0x1400  }
0x37: {  	[sflag:s14] =	ssyncset.done $0x0  }
0x38: {  	[sflag:s14] =	ssyncadd.s32 $0xFFFFEC00  }
0x39: {  	[tilespmem:s16], [sflag:$0x3] =	stream.linear.gather [hbm4b:s15+s26], $0x1400, $0x38;
	[tilespmem:$0x1E800] =	vst v63  }
0x3a: {  	_ =	swait.ge [sflag:s14], $0x1400  }
0x3b: {  	[sflag:s14] =	ssyncset.done $0x0  }
0x3c: {  	[sflag:s14] =	ssyncadd.s32 $0xFFFFEC00  }
0x3d: {  	[bflag:$0x0] =	sbarrier.arrive $0xFFFF  }
0x3e: {  	[tilespmem:s13], [sflag:$0x1] =	stream.indirect.gather [hbm4b:s4+s17], $0x80, s26, s17, $0xb8;
	[tilespmem:$0x1E800] =	vst v63  }
0x3f: {  	s31 =	simm.s32 $0x80  }
0x40: {  	[tilespmem:s18], [sflag:$0x2] =	stream.indirect.gather [hbm4b:s4+s17], $0x80, s31, s17, $0xb8;
	[tilespmem:$0x1E800] =	vst v63  }
0x41: {  	_ =	swait.ge [sflag:s19], $0x3E80  }
0x42: {  	[sflag:s19] =	ssyncset.done $0x0  }
0x43: {  	s29 =	simm.s32 $0x1400;
	[sflag:s19] =	ssyncadd.s32 $0xFFFFC180  }
0x44: {  	[spmem:s1] =	stream.indirect.scatter.add.f32 [tilespmem:s13], [sflag:$0x3], $0x80, s29, s17, $0xb8;
	[tilespmem:$0x1E800] =	vst v63  }
0x45: {  	_ =	swait.ge [sflag:s14], $0x3E80  }
0x46: {  	[sflag:s14] =	ssyncset.done $0x0  }
0x47: {  	s30 =	simm.s32 $0x100;
	[sflag:s14] =	ssyncadd.s32 $0xFFFFC180  }
0x48: {  	[tilespmem:s13], [sflag:$0x1] =	stream.indirect.gather [hbm4b:s4+s17], $0x80, s30, s17, $0xb8;
	[tilespmem:$0x1E800] =	vst v63  }
0x49: {  	_ =	swait.ge [sflag:s20], $0x3E80  }
0x4a: {  	[sflag:s20] =	ssyncset.done $0x0  }
0x4b: {  	s31 =	simm.s32 $0x1480;
	[sflag:s20] =	ssyncadd.s32 $0xFFFFC180  }
0x4c: {  	[spmem:s1] =	stream.indirect.scatter.add.f32 [tilespmem:s18], [sflag:$0x3], $0x80, s31, s17, $0xb8;
	[tilespmem:$0x1E800] =	vst v63  }
0x4d: {  	_ =	swait.ge [sflag:s14], $0x3E80  }
0x4e: {  	s28 =	simm.s32 $0x800;
	s26 =	simm.s32 $0x100;
	[sflag:s14] =	ssyncset.done $0x0  }
.LBB2_4:
0x4f: {  	s29 =	sadd.s32 $0x80, s26  }
0x50: {  	[sflag:s14] =	ssyncadd.s32 $0xFFFFC180;
	s30 =	smov.u32 s28;
	s31 =	sadd.s32 $0x400, s28  }
0x51: {  	[tilespmem:s18], [sflag:$0x2] =	stream.indirect.gather [hbm4b:s4+s17], $0x80, s29, s17, $0xb8;
	[tilespmem:$0x1E800] =	vst v63  }
0x52: {  	p0 =	sne.s32 s28, $0x4800;
	_ =	swait.ge [sflag:s19], $0x3E80  }
0x53: {  	[sflag:s19] =	ssyncset.done $0x0  }
0x54: {  	s28 =	sadd.s32 $0x1400, s26;
	[sflag:s19] =	ssyncadd.s32 $0xFFFFC180  }
0x55: {  	[spmem:s1] =	stream.indirect.scatter.add.f32 [tilespmem:s13], [sflag:$0x3], $0x80, s28, s17, $0xb8;
	[tilespmem:$0x1E800] =	vst v63  }
0x56: {  	_ =	swait.ge [sflag:s14], $0x3E80  }
0x57: {  	[sflag:s14] =	ssyncset.done $0x0  }
0x58: {  	s28 =	sadd.s32 $0x100, s26;
	[sflag:s14] =	ssyncadd.s32 $0xFFFFC180  }
0x59: {  	[tilespmem:s13], [sflag:$0x1] =	stream.indirect.gather [hbm4b:s4+s17], $0x80, s28, s17, $0xb8;
	[tilespmem:$0x1E800] =	vst v63  }
0x5a: {  	_ =	swait.ge [sflag:s20], $0x3E80  }
.Ltmp1:
0x5b: {  	[sflag:s20] =	ssyncset.done $0x0;
	(pc) =	sbr.rel @p0 .LBB2_4-.Ltmp1, $4  }
0x5c: {  	s26 =	sadd.s32 $0x1480, s26;
	[sflag:s20] =	ssyncadd.s32 $0xFFFFC180  }
0x5d: {  	[spmem:s1] =	stream.indirect.scatter.add.f32 [tilespmem:s18], [sflag:$0x3], $0x80, s26, s17, $0xb8;
	[tilespmem:$0x1E800] =	vst v63  }
0x5e: {  	_ =	swait.ge [sflag:s14], $0x3E80  }
0x5f: {  	s28 =	smov.u32 s31;
	s26 =	sshra.s32 s30, $0x2;
	[sflag:s14] =	ssyncset.done $0x0  }
0x60: {  	s28 =	sadd.s32 $0x80, s26;
	[sflag:s14] =	ssyncadd.s32 $0xFFFFC180  }
0x61: {  	[tilespmem:s18], [sflag:$0x2] =	stream.indirect.gather [hbm4b:s4+s17], $0x80, s28, s17, $0xb8;
	[tilespmem:$0x1E800] =	vst v63  }
0x62: {  	_ =	swait.ge [sflag:s19], $0x3E80  }
0x63: {  	[sflag:s19] =	ssyncset.done $0x0  }
0x64: {  	s28 =	sadd.s32 $0x1400, s26;
	[sflag:s19] =	ssyncadd.s32 $0xFFFFC180  }
0x65: {  	[spmem:s1] =	stream.indirect.scatter.add.f32 [tilespmem:s13], [sflag:$0x3], $0x80, s28, s17, $0xb8;
	[tilespmem:$0x1E800] =	vst v63  }
0x66: {  	_ =	swait.ge [sflag:s14], $0x3E80  }
0x67: {  	[sflag:s14] =	ssyncset.done $0x0  }
0x68: {  	s28 =	sadd.s32 $0x100, s26;
	[sflag:s14] =	ssyncadd.s32 $0xFFFFC180  }
0x69: {  	[tilespmem:s13], [sflag:$0x1] =	stream.indirect.gather [hbm4b:s4+s17], $0x80, s28, s17, $0xb8;
	[tilespmem:$0x1E800] =	vst v63  }
0x6a: {  	_ =	swait.ge [sflag:s20], $0x3E80  }
0x6b: {  	[sflag:s20] =	ssyncset.done $0x0  }
0x6c: {  	s31 =	sadd.s32 $0x1480, s26;
	[sflag:s20] =	ssyncadd.s32 $0xFFFFC180  }
0x6d: {  	[spmem:s1] =	stream.indirect.scatter.add.f32 [tilespmem:s18], [sflag:$0x3], $0x80, s31, s17, $0xb8;
	[tilespmem:$0x1E800] =	vst v63  }
0x6e: {  	_ =	swait.ge [sflag:s14], $0x3E80  }
0x6f: {  	[sflag:s14] =	ssyncset.done $0x0  }
0x70: {  	[sflag:s14] =	ssyncadd.s32 $0xFFFFC180  }
0x71: {  	[tilespmem:s18], [sflag:$0x2] =	stream.indirect.gather [hbm4b:s4+s17], $0x80, s21, s17, $0xb8;
	[tilespmem:$0x1E800] =	vst v63  }
0x72: {  	_ =	swait.ge [sflag:s19], $0x3E80  }
0x73: {  	[sflag:s19] =	ssyncset.done $0x0  }
0x74: {  	[sflag:s19] =	ssyncadd.s32 $0xFFFFC180  }
0x75: {  	[spmem:s1] =	stream.indirect.scatter.add.f32 [tilespmem:s13], [sflag:$0x3], $0x80, s22, s17, $0xb8;
	[tilespmem:$0x1E800] =	vst v63  }
0x76: {  	_ =	swait.ge [sflag:s14], $0x3E80  }
0x77: {  	[sflag:s14] =	ssyncset.done $0x0  }
0x78: {  	[sflag:s14] =	ssyncadd.s32 $0xFFFFC180  }
0x79: {  	_ =	swait.ge [sflag:s20], $0x3E80  }
0x7a: {  	[sflag:s20] =	ssyncset.done $0x0  }
0x7b: {  	[sflag:s20] =	ssyncadd.s32 $0xFFFFC180  }
0x7c: {  	[spmem:s1] =	stream.indirect.scatter.add.f32 [tilespmem:s18], [sflag:$0x3], $0x80, s23, s17, $0xb8;
	[tilespmem:$0x1E800] =	vst v63  }
0x7d: {  	_ =	swait.ge [sflag:s14], $0x3E80  }
0x7e: {  	[sflag:s14] =	ssyncset.done $0x0  }
0x7f: {  	s29 =	sadd.s32 $0x280, s11;
	s28 =	simm.s32 $0x0;
	[sflag:s14] =	ssyncadd.s32 $0xFFFFC180  }
0x80: {  	[tilespmem:s28], [sflag:$0x3] =	stream.linear.gather [hbm4b:s29+s28], $0x1400, $0x38;
	[tilespmem:$0x1E800] =	vst v63  }
0x81: {  	_ =	swait.ge [sflag:s14], $0x1400  }
0x82: {  	[sflag:s14] =	ssyncset.done $0x0  }
0x83: {  	s30 =	sadd.s32 $0x280, s15;
	[sflag:s14] =	ssyncadd.s32 $0xFFFFEC00  }
0x84: {  	[tilespmem:s16], [sflag:$0x3] =	stream.linear.gather [hbm4b:s30+s28], $0x1400, $0x38;
	[tilespmem:$0x1E800] =	vst v63  }
0x85: {  	_ =	swait.ge [sflag:s14], $0x1400  }
0x86: {  	[sflag:s14] =	ssyncset.done $0x0  }
0x87: {  	[sflag:s14] =	ssyncadd.s32 $0xFFFFEC00  }
0x88: {  	[tilespmem:s13], [sflag:$0x1] =	stream.indirect.gather [hbm4b:s4+s17], $0x80, s28, s17, $0xb8;
	[tilespmem:$0x1E800] =	vst v63  }
0x89: {  	s31 =	simm.s32 $0x80  }
0x8a: {  	[tilespmem:s18], [sflag:$0x2] =	stream.indirect.gather [hbm4b:s4+s17], $0x80, s31, s17, $0xb8;
	[tilespmem:$0x1E800] =	vst v63  }
0x8b: {  	_ =	swait.ge [sflag:s19], $0x3E80  }
0x8c: {  	[sflag:s19] =	ssyncset.done $0x0  }
0x8d: {  	s29 =	simm.s32 $0x1400;
	[sflag:s19] =	ssyncadd.s32 $0xFFFFC180  }
0x8e: {  	[spmem:s1] =	stream.indirect.scatter.add.f32 [tilespmem:s13], [sflag:$0x3], $0x80, s29, s17, $0xb8;
	[tilespmem:$0x1E800] =	vst v63  }
0x8f: {  	_ =	swait.ge [sflag:s14], $0x3E80  }
0x90: {  	[sflag:s14] =	ssyncset.done $0x0  }
0x91: {  	s30 =	simm.s32 $0x100;
	[sflag:s14] =	ssyncadd.s32 $0xFFFFC180  }
0x92: {  	[tilespmem:s13], [sflag:$0x1] =	stream.indirect.gather [hbm4b:s4+s17], $0x80, s30, s17, $0xb8;
	[tilespmem:$0x1E800] =	vst v63  }
0x93: {  	_ =	swait.ge [sflag:s20], $0x3E80  }
0x94: {  	[sflag:s20] =	ssyncset.done $0x0  }
0x95: {  	s31 =	simm.s32 $0x1480;
	[sflag:s20] =	ssyncadd.s32 $0xFFFFC180  }
0x96: {  	[spmem:s1] =	stream.indirect.scatter.add.f32 [tilespmem:s18], [sflag:$0x3], $0x80, s31, s17, $0xb8;
	[tilespmem:$0x1E800] =	vst v63  }
0x97: {  	_ =	swait.ge [sflag:s14], $0x3E80  }
0x98: {  	s26 =	simm.s32 $0x100;
	s28 =	simm.s32 $0x800;
	[sflag:s14] =	ssyncset.done $0x0  }
.LBB2_6:
0x99: {  	s29 =	sadd.s32 $0x80, s26  }
0x9a: {  	[sflag:s14] =	ssyncadd.s32 $0xFFFFC180;
	s30 =	smov.u32 s28;
	s31 =	sadd.s32 $0x400, s28  }
0x9b: {  	[tilespmem:s18], [sflag:$0x2] =	stream.indirect.gather [hbm4b:s4+s17], $0x80, s29, s17, $0xb8;
	[tilespmem:$0x1E800] =	vst v63  }
0x9c: {  	p0 =	sne.s32 s28, $0x4800;
	_ =	swait.ge [sflag:s19], $0x3E80  }
0x9d: {  	[sflag:s19] =	ssyncset.done $0x0  }
0x9e: {  	s28 =	sadd.s32 $0x1400, s26;
	[sflag:s19] =	ssyncadd.s32 $0xFFFFC180  }
0x9f: {  	[spmem:s1] =	stream.indirect.scatter.add.f32 [tilespmem:s13], [sflag:$0x3], $0x80, s28, s17, $0xb8;
	[tilespmem:$0x1E800] =	vst v63  }
0xa0: {  	_ =	swait.ge [sflag:s14], $0x3E80  }
0xa1: {  	[sflag:s14] =	ssyncset.done $0x0  }
0xa2: {  	s28 =	sadd.s32 $0x100, s26;
	[sflag:s14] =	ssyncadd.s32 $0xFFFFC180  }
0xa3: {  	[tilespmem:s13], [sflag:$0x1] =	stream.indirect.gather [hbm4b:s4+s17], $0x80, s28, s17, $0xb8;
	[tilespmem:$0x1E800] =	vst v63  }
0xa4: {  	_ =	swait.ge [sflag:s20], $0x3E80  }
.Ltmp2:
0xa5: {  	[sflag:s20] =	ssyncset.done $0x0;
	(pc) =	sbr.rel @p0 .LBB2_6-.Ltmp2, $4  }
0xa6: {  	s26 =	sadd.s32 $0x1480, s26;
	[sflag:s20] =	ssyncadd.s32 $0xFFFFC180  }
0xa7: {  	[spmem:s1] =	stream.indirect.scatter.add.f32 [tilespmem:s18], [sflag:$0x3], $0x80, s26, s17, $0xb8;
	[tilespmem:$0x1E800] =	vst v63  }
0xa8: {  	_ =	swait.ge [sflag:s14], $0x3E80  }
0xa9: {  	s28 =	smov.u32 s31;
	s26 =	sshra.s32 s30, $0x2;
	[sflag:s14] =	ssyncset.done $0x0  }
0xaa: {  	s28 =	sadd.s32 $0x80, s26;
	[sflag:s14] =	ssyncadd.s32 $0xFFFFC180  }
0xab: {  	[tilespmem:s18], [sflag:$0x2] =	stream.indirect.gather [hbm4b:s4+s17], $0x80, s28, s17, $0xb8;
	[tilespmem:$0x1E800] =	vst v63  }
0xac: {  	_ =	swait.ge [sflag:s19], $0x3E80  }
0xad: {  	[sflag:s19] =	ssyncset.done $0x0  }
0xae: {  	s30 =	sadd.s32 $0x1400, s26;
	[sflag:s19] =	ssyncadd.s32 $0xFFFFC180  }
0xaf: {  	[spmem:s1] =	stream.indirect.scatter.add.f32 [tilespmem:s13], [sflag:$0x3], $0x80, s30, s17, $0xb8;
	[tilespmem:$0x1E800] =	vst v63  }
0xb0: {  	_ =	swait.ge [sflag:s14], $0x3E80  }
0xb1: {  	[sflag:s14] =	ssyncset.done $0x0  }
0xb2: {  	s31 =	sadd.s32 $0x100, s26;
	[sflag:s14] =	ssyncadd.s32 $0xFFFFC180  }
0xb3: {  	[tilespmem:s13], [sflag:$0x1] =	stream.indirect.gather [hbm4b:s4+s17], $0x80, s31, s17, $0xb8;
	[tilespmem:$0x1E800] =	vst v63  }
0xb4: {  	_ =	swait.ge [sflag:s20], $0x3E80  }
0xb5: {  	[sflag:s20] =	ssyncset.done $0x0  }
0xb6: {  	s29 =	sadd.s32 $0x1480, s26;
	[sflag:s20] =	ssyncadd.s32 $0xFFFFC180  }
0xb7: {  	[spmem:s1] =	stream.indirect.scatter.add.f32 [tilespmem:s18], [sflag:$0x3], $0x80, s29, s17, $0xb8;
	[tilespmem:$0x1E800] =	vst v63  }
0xb8: {  	_ =	swait.ge [sflag:s14], $0x3E80  }
0xb9: {  	[sflag:s14] =	ssyncset.done $0x0  }
0xba: {  	[sflag:s14] =	ssyncadd.s32 $0xFFFFC180  }
0xbb: {  	[tilespmem:s18], [sflag:$0x2] =	stream.indirect.gather [hbm4b:s4+s17], $0x80, s21, s17, $0xb8;
	[tilespmem:$0x1E800] =	vst v63  }
0xbc: {  	_ =	swait.ge [sflag:s19], $0x3E80  }
0xbd: {  	[sflag:s19] =	ssyncset.done $0x0  }
0xbe: {  	[sflag:s19] =	ssyncadd.s32 $0xFFFFC180  }
0xbf: {  	[spmem:s1] =	stream.indirect.scatter.add.f32 [tilespmem:s13], [sflag:$0x3], $0x80, s22, s17, $0xb8;
	[tilespmem:$0x1E800] =	vst v63  }
0xc0: {  	_ =	swait.ge [sflag:s14], $0x3E80  }
0xc1: {  	[sflag:s14] =	ssyncset.done $0x0  }
0xc2: {  	[sflag:s14] =	ssyncadd.s32 $0xFFFFC180  }
0xc3: {  	_ =	swait.ge [sflag:s20], $0x3E80  }
0xc4: {  	[sflag:s20] =	ssyncset.done $0x0  }
0xc5: {  	[sflag:s20] =	ssyncadd.s32 $0xFFFFC180  }
0xc6: {  	[spmem:s1] =	stream.indirect.scatter.add.f32 [tilespmem:s18], [sflag:$0x3], $0x80, s23, s17, $0xb8;
	[tilespmem:$0x1E800] =	vst v63  }
0xc7: {  	_ =	swait.ge [sflag:s14], $0x3E80  }
0xc8: {  	s25 =	sadd.s32 $0x1, s25;
	s30 =	sshll.u32 s3, $0x6;
	[sflag:s14] =	ssyncset.done $0x0  }
0xc9: {  	p0 =	sne.s32 s25, s12;
	s26 =	sor.u32 $0x1C03, s30;
	[sflag:s14] =	ssyncadd.s32 $0xFFFFC180  }
.Ltmp3:
0xca: {  	s31 =	sshrl.u32 s5, $0x3;
	[bflag:$0x0] =	sbarrier.arrive $0xFFFF;
	(pc) =	sbr.rel @p0 .LBB2_1-.Ltmp3, $4  }
0xcb: {  	[hbm:s24], [sflag:s26] =	dma.local [spmem:s31], $0x2800  }
0xcc: {  	_ =	swait.ge [sflag:s14], $0x2800  }
0xcd: {  	[sflag:s14] =	ssyncset.done $0x0  }
0xce: {  	[sflag:s14] =	ssyncadd.s32 $0xFFFFD800  }
0xcf: {  	_ =	sfence.sel $0x180000  }
0xd0: {  	[bflag:$0x0] =	sbarrier.arrive $0xFFFF  }
0xd1: {  	p0 =	sne.s32 s3, $0x0;
	_ =	strace $0x9000004A  }
0xd2: {  	s0 =	sadd.s32 @!p0 $0x100000, s0;
	[bflag:$0x2] =	sbarrier.arrive $0xFFFF  }
0xd3: {  	[sflag:s0] =	ssyncadd.tile.s32 @!p0 $0x1;
	_ =	shalt  }
.Lfunc_end2:
_tile_overlayer_lowered:
.L_overlay_start_2:
0xd4: {  	(tag) =	ssettag $0x2  }
0xd5: {  	s0 =	rddreg [dreg:$0x0];
	s2 =	stileid.u32  }
0xd6: {  	s1 =	rddreg [dreg:$0x1];
	p0 =	sne.s32 s2, $0x0  }
0xd7: {  	s3 =	rddreg [dreg:$0x2];
	[bflag:$0x3] =	sbarrier.arrive $0xFFFF;
	s2 =	simm.s32 @!p0 $0x1C03  }
0xd8: {  	[timem:s3], [sflag:s2] =	dma.local @!p0 [hbm:s0], s1  }
0xd9: {  	s0 =	simm.s32 @!p0 $0x3  }
0xda: {  	_ =	swait.ge @!p0 [sflag:s0], s1  }
0xdb: {  	s1 =	ssub.s32 @!p0 $0x0, s1;
	[sflag:s0] =	ssyncset.done @!p0 $0x0  }
0xdc: {  	[sflag:s0] =	ssyncadd.s32 @!p0 s1  }
0xdd: {  	[bflag:$0x3] =	sbarrier.arrive $0xFFFF  }
0xde: {  	_ =	shalt  }

// kernel: kernel.14.cloned.1.call-start
scs
__scs_entry_jumppad:
0x0: {  	(pc) =	sbr.rel $0x88, $3  }
0x1: {  	(tag) =	ssettag $0x0;
	lr =	simm.s32 $0x1  }
0x2: {  	[smem:$0x3F99] =	sst lr;
	_ =	strace $0xD0000000  }
0x3: {  	_ = 	snop  }
0x4: {  	_ = 	snop  }
0x5: {  	_ = 	snop  }
0x6: {  	_ = 	snop  }
0x7: {  	_ = 	snop  }
__scs_overlays_trampoline_lowered:
0x8: {  	[smem:$0x3FA8] =	sst s0  }
0x9: {  	[smem:$0x3FA9] =	sst s1  }
0xa: {  	[smem:$0x3FAA] =	sst s2  }
0xb: {  	[smem:$0x3FAB] =	sst s3  }
0xc: {  	[smem:$0x3FAC] =	sst s4  }
0xd: {  	[smem:$0x3FAD] =	sst s5  }
0xe: {  	[smem:$0x3FAE] =	sst s6  }
0xf: {  	[smem:$0x3FAF] =	sst s7  }
0x10: {  	[smem:$0x3FB0] =	sst s8  }
0x11: {  	[smem:$0x3FB1] =	sst s9;
	s0 =	simm.s32 @!p0 $0x0  }
0x12: {  	s1 =	sld [smem:$0x3F97];
	s0 =	simm.s32 @p0 $0x1  }
0x13: {  	[smem:$0x3FB2] =	sst s0;
	s0 =	simm.s32 @!p1 $0x0  }
0x14: {  	s2 =	sld [smem:$0x3F96];
	s0 =	simm.s32 @p1 $0x1  }
0x15: {  	[smem:$0x3FB3] =	sst s0;
	s0 =	simm.s32 @!p2 $0x0  }
0x16: {  	s3 =	sld [smem:$0x3FDB];
	s0 =	simm.s32 @p2 $0x1  }
0x17: {  	s4 =	simm.s32 $0x1BF5;
	[smem:$0x3FB5] =	sst s0  }
0x18: {  	s0 =	sld [smem:$0x3F98];
	_ =	swait.ge [sflag:s4], $0x0  }
0x19: {  	s7 =	sld [smem:$0x3F99]  }
0x1a: {  	s8 =	sadd.s32 $0xFFFFE003, lr  }
0x1b: {  	s9 =	sadd.s32 $0xFFFFFEF7, lr;
	s5 =	simm.s32 $0xFFFFFFFF;
	p2 =	slt.u32 s8, $0xFFFFF086  }
0x1c: {  	p1 =	slt.u32 s9, $0xF7A;
	s5 =	simm.s32 @!p2 $0x0  }
0x1d: {  	s5 =	simm.s32 @p1 $0x1;
	p0 =	seq.s32 s7, s2  }
0x1e: {  	s7 =	smul.u32 @!p0 $0xF7A, s2;
	p2 =	seq.s32 @!p0 s5, $0x0  }
0x1f: {  	s9 =	smul.u32 $0xF7A, s1;
	s8 =	simm.s32 @!p0 $0x1BF5;
	p2 =	por !p2, p0  }
0x20: {  	[sflag:s8] =	ssyncset.s32 @!p0 $0xFFFFF086;
	s6 =	sadd.s32 @!p0 s3, s7;
	s7 =	simm.s32 @!p0 $0x108  }
0x21: {  	s3 =	sadd.s32 s3, s9;
	s6 =	sadd.s32 @!p0 $0x88, s6;
	s7 =	simm.s32 @p2 $0x1082  }
0x22: {  	[simem:s7], [sflag:s8] =	dma.local @!p0 [hbm:s6], $0xF7A  }
0x23: {  	s9 =	sor.u32 $0xD0000000, s2;
	s6 =	simm.s32 $0x108;
	_ =	swait.ge @!p0 [sflag:s8], $0x0  }
0x24: {  	s3 =	sadd.s32 $0x88, s3;
	s6 =	simm.s32 @!p1 $0x1082;
	[sflag:s4] =	ssyncset.s32 $0xFFFFF086  }
0x25: {  	[simem:s6], [sflag:s4] =	dma.local [hbm:s3], $0xF7A  }
0x26: {  	[smem:$0x3F99] =	sst s1;
	(tag) =	ssettag s2;
	_ =	strace s9  }
0x27: {  	s1 =	sld [smem:$0x3FA9]  }
0x28: {  	s2 =	sld [smem:$0x3FAA]  }
0x29: {  	s4 =	sld [smem:$0x3FAC]  }
0x2a: {  	p0 =	seq.s32 s5, $0x0;
	s5 =	sld [smem:$0x3FAD]  }
0x2b: {  	s6 =	sld [smem:$0x3FAE]  }
0x2c: {  	s7 =	sld [smem:$0x3FAF]  }
0x2d: {  	s3 =	simm.s32 $0x108;
	s8 =	sld [smem:$0x3FB0]  }
0x2e: {  	s3 =	simm.s32 @!p0 $0x1082;
	s9 =	sld [smem:$0x3FB1]  }
0x2f: {  	lr =	sadd.s32 s0, s3;
	s0 =	sld [smem:$0x3FA8]  }
0x30: {  	s3 =	sld [smem:$0x3FAB]  }
0x31: {  	[smem:$0x3FB4] =	sst s10  }
0x32: {  	s10 =	sld [smem:$0x3FB2];
	_ =	sdelay $0x3  }
0x33: {  	p0 =	seq.s32 s10, $0x1;
	s10 =	sld [smem:$0x3FB4];
	_ =	sdelay $0x3  }
0x34: {  	[smem:$0x3FB4] =	sst s10  }
0x35: {  	s10 =	sld [smem:$0x3FB3];
	_ =	sdelay $0x3  }
0x36: {  	p1 =	seq.s32 s10, $0x1;
	s10 =	sld [smem:$0x3FB4];
	_ =	sdelay $0x3  }
0x37: {  	[smem:$0x3FB4] =	sst s10  }
0x38: {  	s10 =	sld [smem:$0x3FB5]  }
0x39: {  	_ = 	snop;
	(pc) =	sbr.ind lr, $3  }
0x3a: {  	_ = 	snop  }
0x3b: {  	_ = 	snop  }
0x3c: {  	p2 =	seq.s32 s10, $0x1;
	s10 =	sld [smem:$0x3FB4]  }
0x3d: {  	_ =	shalt  }
0x3e: {  	_ =	shalt  }
0x3f: {  	_ =	shalt  }
0x40: {  	_ =	shalt  }
0x41: {  	_ =	shalt  }
0x42: {  	_ =	shalt  }
0x43: {  	_ =	shalt  }
0x44: {  	_ =	shalt  }
0x45: {  	_ =	shalt  }
0x46: {  	_ =	shalt  }
0x47: {  	_ =	shalt  }
0x48: {  	_ =	shalt  }
0x49: {  	_ =	shalt  }
0x4a: {  	_ =	shalt  }
0x4b: {  	_ =	shalt  }
0x4c: {  	_ =	shalt  }
0x4d: {  	_ =	shalt  }
0x4e: {  	_ =	shalt  }
0x4f: {  	_ =	shalt  }
0x50: {  	_ =	shalt  }
0x51: {  	_ =	shalt  }
0x52: {  	_ =	shalt  }
0x53: {  	_ =	shalt  }
0x54: {  	_ =	shalt  }
0x55: {  	_ =	shalt  }
0x56: {  	_ =	shalt  }
0x57: {  	_ =	shalt  }
0x58: {  	_ =	shalt  }
0x59: {  	_ =	shalt  }
0x5a: {  	_ =	shalt  }
0x5b: {  	_ =	shalt  }
0x5c: {  	_ =	shalt  }
0x5d: {  	_ =	shalt  }
0x5e: {  	_ =	shalt  }
0x5f: {  	_ =	shalt  }
0x60: {  	_ =	shalt  }
0x61: {  	_ =	shalt  }
0x62: {  	_ =	shalt  }
0x63: {  	_ =	shalt  }
0x64: {  	_ =	shalt  }
0x65: {  	_ =	shalt  }
0x66: {  	_ =	shalt  }
0x67: {  	_ =	shalt  }
0x68: {  	_ =	shalt  }
0x69: {  	_ =	shalt  }
0x6a: {  	_ =	shalt  }
0x6b: {  	_ =	shalt  }
0x6c: {  	_ =	shalt  }
0x6d: {  	_ =	shalt  }
0x6e: {  	_ =	shalt  }
0x6f: {  	_ =	shalt  }
0x70: {  	_ =	shalt  }
0x71: {  	_ =	shalt  }
0x72: {  	_ =	shalt  }
0x73: {  	_ =	shalt  }
0x74: {  	_ =	shalt  }
0x75: {  	_ =	shalt  }
0x76: {  	_ =	shalt  }
0x77: {  	_ =	shalt  }
0x78: {  	_ =	shalt  }
0x79: {  	_ =	shalt  }
0x7a: {  	_ =	shalt  }
0x7b: {  	_ =	shalt  }
0x7c: {  	_ =	shalt  }
0x7d: {  	_ =	shalt  }
0x7e: {  	_ =	shalt  }
0x7f: {  	_ =	shalt  }
0x80: {  	_ =	shalt  }
0x81: {  	_ =	shalt  }
0x82: {  	_ =	shalt  }
0x83: {  	_ =	shalt  }
0x84: {  	_ =	shalt  }
0x85: {  	_ =	shalt  }
0x86: {  	_ =	shalt  }
0x87: {  	_ =	shalt  }
.Lfunc_end0:
.L_simem_size_0:
called_computation.2_lowered:
.L_overlay_start_0:
0x88: {  	s2 =	sld [smem:$0x3FD9]  }
0x89: {  	s3 =	sld [smem:$0x3FFE];
	_ =	sdelay $0x1  }
0x8a: {  	s1 =	srdreg.scid  }
0x8b: {  	s0 =	sand.u32 $0x1, s1  }
0x8c: {  	s17 =	sshll.u32 s0, $0xA;
	s2 =	sadd.s32 s3, s2  }
0x8d: {  	s2 =	sadd.s32 s2, s17  }
0x8e: {  	[smem:$0x3FC0] =	sst s2  }
0x8f: {  	_ = 	snop  }
0x90: {  	s2 =	sld [smem:$0x3FD0];
	(tm) =	ssettm $0x1  }
0x91: {  	s18 =	sld [smem:$0x3FFB];
	_ =	sdelay $0x3  }
0x92: {  	_ =	strace s18  }
0x93: {  	s3 =	sld [smem:$0x3FFC];
	_ =	sdelay $0x3  }
0x94: {  	_ =	strace s3  }
0x95: {  	s3 =	sld [smem:$0x3FFD];
	_ =	sdelay $0x3  }
0x96: {  	_ =	strace s3  }
0x97: {  	_ =	strace $0x8FFFFFFF  }
0x98: {  	s19 =	sld [smem:$0x3FDB];
	_ =	sdelay $0x1  }
0x99: {  	s4 =	simm.s32 $_scs_section_size  }
0x9a: {  	s5 =	simm.s32 $_size__tile_overlayer_lowered;
	s6 =	simm.s32 $_tile_overlayer_lowered  }
0x9b: {  	s22 =	simm.s32 $0x1BFF;
	s21 =	sshll.u32 s6, $0x1;
	s3 =	sadd.s32 s4, s19  }
0x9c: {  	s7 =	simm.s32 $0x0;
	s20 =	sshll.u32 s5, $0x1;
	s5 =	sadd.s32 s21, s3  }
0x9d: {  	[timem:s7], [sflag:s22] =	dma.local [hbm:s5], s20  }
0x9e: {  	_ =	swait.ge [sflag:s22], s20  }
0x9f: {  	s4 =	ssub.s32 $0x0, s20;
	[sflag:s22] =	ssyncset.done $0x0  }
0xa0: {  	[sflag:s22] =	ssyncadd.s32 s4;
	_ =	sdelay $0x1  }
0xa1: {  	s23 =	simm.s32 $0x1B8B  }
0xa2: {  	_ =	swait.ge [sflag:s23], $0x1  }
0xa3: {  	[sflag:s23] =	ssyncset.done $0x0  }
0xa4: {  	s25 =	simm.s32 $0x1B8E;
	s24 =	sld [smem:$0x3FFE];
	[sflag:s23] =	ssyncadd.s32 $0xFFFFFFFF  }
0xa5: {  	s26 =	simm.s32 $execute0_lowered;
	[smem:$0x3FD2] =	sst s25  }
0xa6: {  	s5 =	sshll.u32 s26, $0x1;
	_ =	strace $0x8000004C;
	[dreg:$0x1] =	wrdreg $0xFFFFFFFF  }
0xa7: {  	s28 =	simm.s32 $_size_execute0_lowered;
	s3 =	sadd.s32 s3, s5;
	[dreg:$0x0] =	wrdreg $0x0  }
0xa8: {  	s5 =	sshll.u32 s28, $0x1;
	[dreg:$0x2] =	wrdreg s3  }
0xa9: {  	[dreg:$0x3] =	wrdreg s5  }
0xaa: {  	[dreg:$0x4] =	wrdreg $0xC0  }
0xab: {  	_ =	task [dreg:s7], $0x5FFFF  }
0xac: {  	[dreg:$0x1] =	wrdreg $0xFFFFFFFF  }
0xad: {  	[dreg:$0x0] =	wrdreg $0x60  }
0xae: {  	[dreg:$0x2] =	wrdreg s24  }
0xaf: {  	[dreg:$0x3] =	wrdreg s2  }
0xb0: {  	[dreg:$0x4] =	wrdreg $0xA8000  }
0xb1: {  	[dreg:$0x5] =	wrdreg $0x9  }
0xb2: {  	_ =	task.clear_ibuf [dreg:s7], $0x6FFFF;
	_ =	strace $0x9000004C  }
0xb3: {  	s29 =	simm.s32 $0x9;
	_ =	strace $0x8000004E  }
0xb4: {  	_ =	swait.ge [sflag:s29], $0x1  }
0xb5: {  	[sflag:s29] =	ssyncadd.s32 $0xFFFFFFFF  }
0xb6: {  	_ =	strace $0x9000004E  }
0xb7: {  	_ =	sfence  }
0xb8: {  	s30 =	sld [smem:$0x0];
	_ =	sdelay $0x2  }
0xb9: {  	s31 =	sshll.u32 s1, $0xD;
	s1 =	sshrl.u32 s1, $0x2  }
0xba: {  	s3 =	sand.u32 $0x4000, s31;
	s1 =	sadd.s32 s1, s30  }
0xbb: {  	s0 =	sor.u32 s3, s0;
	s1 =	sshll.u32 s1, $0x11  }
0xbc: {  	s0 =	sor.u32 s1, s0  }
0xbd: {  	s0 =	sadd.s32 $0x8F2B, s0  }
0xbe: {  	[sflag:s0] =	ssyncadd.remote.s32 $0x1  }
0xbf: {  	_ =	sfence.sel $0xFFFF  }
0xc0: {  	[dreg:$0x0] =	wrdreg $0xFFFFFFFF;
	(pc) =	sbr.abs _section_cstart, $3  }
0xc1: {  	[dreg:$0x1] =	wrdreg $0xFFFFFFFF  }
0xc2: {  	_ =	task.clear_ibuf [dreg:s7], $0x2FFFF;
	_ =	strace $0x9FFFFFFF  }
0xc3: {  	(tm) =	ssettm $0x7FFFFFFF  }
tec
execute0_lowered:
.L_overlay_start_1:
0x0: {  	(tag) =	ssettag $0x1  }
0x1: {  	s5 =	rddreg [dreg:$0x0]  }
0x2: {  	s12 =	rddreg [dreg:$0x1]  }
0x3: {  	s1 =	rddreg [dreg:$0x2]  }
0x4: {  	s0 =	rddreg [dreg:$0x3];
	s2 =	simm.s32 $0x0;
	s3 =	srdreg.scid  }
0x5: {  	s17 =	simm.s32 $0x7D;
	s18 =	simm.s32 $0x6800;
	s19 =	simm.s32 $0x1  }
0x6: {  	s20 =	simm.s32 $0x2;
	s21 =	simm.s32 $0x1380;
	s22 =	simm.s32 $0x2700  }
0x7: {  	s23 =	simm.s32 $0x2780;
	[smem:$0x7FF] =	sst s2;
	s6 =	sand.u32 $0x1, s3  }
0x8: {  	s3 =	stileid.u32;
	s4 =	sadd.s32 $0x2C00, s5;
	s7 =	smul.u32 $0x28000, s6  }
0x9: {  	s16 =	sadd.s32 $0xA000, s12;
	_ =	strace $0x8000004D;
	s8 =	smul.u32 $0x50000, s3  }
0xa: {  	s30 =	ssub.s32 $0x2, s6;
	s6 =	sshll.u32 s6, $0x4;
	s25 =	smul.u32 $0x2800, s3  }
0xb: {  	s31 =	sshrl.u32 s30, $0x1;
	s9 =	sor.u32 s3, s6;
	s13 =	sadd.s32 s7, s5  }
0xc: {  	s8 =	sshrl.u32 s8, $0x2;
	s14 =	ssub.s32 s30, s31;
	s15 =	smul.u32 $0x500, s9  }
0xd: {  	s5 =	sadd.s32 s8, s1;
	s24 =	sadd.s32 $0x2AC00, s13;
	s13 =	simm.s32 $0x2800  }
0xe: {  	s6 =	sadd.s32 $0x3E80, s5;
	s7 =	sadd.s32 $0x7D00, s5;
	s8 =	sadd.s32 $0xBB80, s5  }
0xf: {  	s9 =	sadd.s32 $0xFA00, s5;
	s10 =	sadd.s32 $0x13880, s5;
	s11 =	sadd.s32 s12, s15  }
0x10: {  	s12 =	smax.u32 s14, $0x1;
	s14 =	simm.s32 $0x3;
	s15 =	sadd.s32 s15, s16  }
0x11: {  	v0 =	vimm.f32 $0.0e+00;
	s16 =	simm.s32 $0x1400;
	s24 =	sadd.s32 s25, s24;
	s25 =	simm.s32 $0x0  }
.LBB2_1:
0x12: {  	s26 =	sand.u32 $0xFE00, s2  }
0x13: {  	s28 =	sand.u32 $0x70, s2;
	s29 =	sshrl.u32 s26, $0x2  }
0x14: {  	s26 =	simm.s32 $0x40;
	s29 =	sor.u32 s28, s29;
	s28 =	simm.s32 $0x0  }
.LBB2_2:
0x15: {  	p0 =	sne.s32 s26, $0xF9C0  }
0x16: {  	[tilespmem:s29+$0x2800] =	vst v0;
	s28 =	sadd.s32 $0x10, s28;
	s29 =	smov.u32 s26;
	s26 =	sadd.s32 $0x40, s26  }
.Ltmp0:
0x17: {  	(pc) =	sbr.rel @p0 .LBB2_2-.Ltmp0, $4  }
0x18: {  	_ = 	snop  }
0x19: {  	s29 =	sand.u32 $0xFE00, s29  }
0x1a: {  	s30 =	sand.u32 $0x70, s28;
	s29 =	sshrl.u32 s29, $0x2  }
0x1b: {  	s29 =	sor.u32 s30, s29  }
0x1c: {  	[tilespmem:s29+$0x2800] =	vst v0  }
0x1d: {  	[spmem:s5] =	stream.linear.scatter [tilespmem:s13], [sflag:$0x3], $0x3E80, $0x38;
	[tilespmem:$0x1E800] =	vst v63  }
0x1e: {  	_ =	swait.ge [sflag:s14], $0x3E80  }
0x1f: {  	[sflag:s14] =	ssyncset.done $0x0  }
0x20: {  	[sflag:s14] =	ssyncadd.s32 $0xFFFFC180  }
0x21: {  	[spmem:s6] =	stream.linear.scatter [tilespmem:s13], [sflag:$0x3], $0x3E80, $0x38;
	[tilespmem:$0x1E800] =	vst v63  }
0x22: {  	_ =	swait.ge [sflag:s14], $0x3E80  }
0x23: {  	[sflag:s14] =	ssyncset.done $0x0  }
0x24: {  	[sflag:s14] =	ssyncadd.s32 $0xFFFFC180  }
0x25: {  	[spmem:s7] =	stream.linear.scatter [tilespmem:s13], [sflag:$0x3], $0x3E80, $0x38;
	[tilespmem:$0x1E800] =	vst v63  }
0x26: {  	_ =	swait.ge [sflag:s14], $0x3E80  }
0x27: {  	[sflag:s14] =	ssyncset.done $0x0  }
0x28: {  	[sflag:s14] =	ssyncadd.s32 $0xFFFFC180  }
0x29: {  	[spmem:s8] =	stream.linear.scatter [tilespmem:s13], [sflag:$0x3], $0x3E80, $0x38;
	[tilespmem:$0x1E800] =	vst v63  }
0x2a: {  	_ =	swait.ge [sflag:s14], $0x3E80  }
0x2b: {  	[sflag:s14] =	ssyncset.done $0x0  }
0x2c: {  	[sflag:s14] =	ssyncadd.s32 $0xFFFFC180  }
0x2d: {  	[spmem:s9] =	stream.linear.scatter [tilespmem:s13], [sflag:$0x3], $0x3E80, $0x38;
	[tilespmem:$0x1E800] =	vst v63  }
0x2e: {  	_ =	swait.ge [sflag:s14], $0x3E80  }
0x2f: {  	[sflag:s14] =	ssyncset.done $0x0  }
0x30: {  	[sflag:s14] =	ssyncadd.s32 $0xFFFFC180  }
0x31: {  	[spmem:s10] =	stream.linear.scatter [tilespmem:s13], [sflag:$0x3], $0x780, $0x38;
	[tilespmem:$0x1E800] =	vst v63  }
0x32: {  	_ =	swait.ge [sflag:s14], $0x780  }
0x33: {  	[sflag:s14] =	ssyncset.done $0x0  }
0x34: {  	s26 =	simm.s32 $0x0;
	[sflag:s14] =	ssyncadd.s32 $0xFFFFF880  }
0x35: {  	[tilespmem:s26], [sflag:$0x3] =	stream.linear.gather [hbm4b:s11+s26], $0x1400, $0x38;
	[tilespmem:$0x1E800] =	vst v63  }
0x36: {  	_ =	swait.ge [sflag:s14], $0x1400  }
0x37: {  	[sflag:s14] =	ssyncset.done $0x0  }
0x38: {  	[sflag:s14] =	ssyncadd.s32 $0xFFFFEC00  }
0x39: {  	[tilespmem:s16], [sflag:$0x3] =	stream.linear.gather [hbm4b:s15+s26], $0x1400, $0x38;
	[tilespmem:$0x1E800] =	vst v63  }
0x3a: {  	_ =	swait.ge [sflag:s14], $0x1400  }
0x3b: {  	[sflag:s14] =	ssyncset.done $0x0  }
0x3c: {  	[sflag:s14] =	ssyncadd.s32 $0xFFFFEC00  }
0x3d: {  	[bflag:$0x0] =	sbarrier.arrive $0xFFFF  }
0x3e: {  	[tilespmem:s13], [sflag:$0x1] =	stream.indirect.gather [hbm4b:s4+s17], $0x80, s26, s17, $0xb8;
	[tilespmem:$0x1E800] =	vst v63  }
0x3f: {  	s31 =	simm.s32 $0x80  }
0x40: {  	[tilespmem:s18], [sflag:$0x2] =	stream.indirect.gather [hbm4b:s4+s17], $0x80, s31, s17, $0xb8;
	[tilespmem:$0x1E800] =	vst v63  }
0x41: {  	_ =	swait.ge [sflag:s19], $0x3E80  }
0x42: {  	[sflag:s19] =	ssyncset.done $0x0  }
0x43: {  	s29 =	simm.s32 $0x1400;
	[sflag:s19] =	ssyncadd.s32 $0xFFFFC180  }
0x44: {  	[spmem:s1] =	stream.indirect.scatter.add.f32 [tilespmem:s13], [sflag:$0x3], $0x80, s29, s17, $0xb8;
	[tilespmem:$0x1E800] =	vst v63  }
0x45: {  	_ =	swait.ge [sflag:s14], $0x3E80  }
0x46: {  	[sflag:s14] =	ssyncset.done $0x0  }
0x47: {  	s30 =	simm.s32 $0x100;
	[sflag:s14] =	ssyncadd.s32 $0xFFFFC180  }
0x48: {  	[tilespmem:s13], [sflag:$0x1] =	stream.indirect.gather [hbm4b:s4+s17], $0x80, s30, s17, $0xb8;
	[tilespmem:$0x1E800] =	vst v63  }
0x49: {  	_ =	swait.ge [sflag:s20], $0x3E80  }
0x4a: {  	[sflag:s20] =	ssyncset.done $0x0  }
0x4b: {  	s31 =	simm.s32 $0x1480;
	[sflag:s20] =	ssyncadd.s32 $0xFFFFC180  }
0x4c: {  	[spmem:s1] =	stream.indirect.scatter.add.f32 [tilespmem:s18], [sflag:$0x3], $0x80, s31, s17, $0xb8;
	[tilespmem:$0x1E800] =	vst v63  }
0x4d: {  	_ =	swait.ge [sflag:s14], $0x3E80  }
0x4e: {  	s28 =	simm.s32 $0x800;
	s26 =	simm.s32 $0x100;
	[sflag:s14] =	ssyncset.done $0x0  }
.LBB2_4:
0x4f: {  	s29 =	sadd.s32 $0x80, s26  }
0x50: {  	[sflag:s14] =	ssyncadd.s32 $0xFFFFC180;
	s30 =	smov.u32 s28;
	s31 =	sadd.s32 $0x400, s28  }
0x51: {  	[tilespmem:s18], [sflag:$0x2] =	stream.indirect.gather [hbm4b:s4+s17], $0x80, s29, s17, $0xb8;
	[tilespmem:$0x1E800] =	vst v63  }
0x52: {  	p0 =	sne.s32 s28, $0x4800;
	_ =	swait.ge [sflag:s19], $0x3E80  }
0x53: {  	[sflag:s19] =	ssyncset.done $0x0  }
0x54: {  	s28 =	sadd.s32 $0x1400, s26;
	[sflag:s19] =	ssyncadd.s32 $0xFFFFC180  }
0x55: {  	[spmem:s1] =	stream.indirect.scatter.add.f32 [tilespmem:s13], [sflag:$0x3], $0x80, s28, s17, $0xb8;
	[tilespmem:$0x1E800] =	vst v63  }
0x56: {  	_ =	swait.ge [sflag:s14], $0x3E80  }
0x57: {  	[sflag:s14] =	ssyncset.done $0x0  }
0x58: {  	s28 =	sadd.s32 $0x100, s26;
	[sflag:s14] =	ssyncadd.s32 $0xFFFFC180  }
0x59: {  	[tilespmem:s13], [sflag:$0x1] =	stream.indirect.gather [hbm4b:s4+s17], $0x80, s28, s17, $0xb8;
	[tilespmem:$0x1E800] =	vst v63  }
0x5a: {  	_ =	swait.ge [sflag:s20], $0x3E80  }
.Ltmp1:
0x5b: {  	[sflag:s20] =	ssyncset.done $0x0;
	(pc) =	sbr.rel @p0 .LBB2_4-.Ltmp1, $4  }
0x5c: {  	s26 =	sadd.s32 $0x1480, s26;
	[sflag:s20] =	ssyncadd.s32 $0xFFFFC180  }
0x5d: {  	[spmem:s1] =	stream.indirect.scatter.add.f32 [tilespmem:s18], [sflag:$0x3], $0x80, s26, s17, $0xb8;
	[tilespmem:$0x1E800] =	vst v63  }
0x5e: {  	_ =	swait.ge [sflag:s14], $0x3E80  }
0x5f: {  	s28 =	smov.u32 s31;
	s26 =	sshra.s32 s30, $0x2;
	[sflag:s14] =	ssyncset.done $0x0  }
0x60: {  	s28 =	sadd.s32 $0x80, s26;
	[sflag:s14] =	ssyncadd.s32 $0xFFFFC180  }
0x61: {  	[tilespmem:s18], [sflag:$0x2] =	stream.indirect.gather [hbm4b:s4+s17], $0x80, s28, s17, $0xb8;
	[tilespmem:$0x1E800] =	vst v63  }
0x62: {  	_ =	swait.ge [sflag:s19], $0x3E80  }
0x63: {  	[sflag:s19] =	ssyncset.done $0x0  }
0x64: {  	s28 =	sadd.s32 $0x1400, s26;
	[sflag:s19] =	ssyncadd.s32 $0xFFFFC180  }
0x65: {  	[spmem:s1] =	stream.indirect.scatter.add.f32 [tilespmem:s13], [sflag:$0x3], $0x80, s28, s17, $0xb8;
	[tilespmem:$0x1E800] =	vst v63  }
0x66: {  	_ =	swait.ge [sflag:s14], $0x3E80  }
0x67: {  	[sflag:s14] =	ssyncset.done $0x0  }
0x68: {  	s28 =	sadd.s32 $0x100, s26;
	[sflag:s14] =	ssyncadd.s32 $0xFFFFC180  }
0x69: {  	[tilespmem:s13], [sflag:$0x1] =	stream.indirect.gather [hbm4b:s4+s17], $0x80, s28, s17, $0xb8;
	[tilespmem:$0x1E800] =	vst v63  }
0x6a: {  	_ =	swait.ge [sflag:s20], $0x3E80  }
0x6b: {  	[sflag:s20] =	ssyncset.done $0x0  }
0x6c: {  	s31 =	sadd.s32 $0x1480, s26;
	[sflag:s20] =	ssyncadd.s32 $0xFFFFC180  }
0x6d: {  	[spmem:s1] =	stream.indirect.scatter.add.f32 [tilespmem:s18], [sflag:$0x3], $0x80, s31, s17, $0xb8;
	[tilespmem:$0x1E800] =	vst v63  }
0x6e: {  	_ =	swait.ge [sflag:s14], $0x3E80  }
0x6f: {  	[sflag:s14] =	ssyncset.done $0x0  }
0x70: {  	[sflag:s14] =	ssyncadd.s32 $0xFFFFC180  }
0x71: {  	[tilespmem:s18], [sflag:$0x2] =	stream.indirect.gather [hbm4b:s4+s17], $0x80, s21, s17, $0xb8;
	[tilespmem:$0x1E800] =	vst v63  }
0x72: {  	_ =	swait.ge [sflag:s19], $0x3E80  }
0x73: {  	[sflag:s19] =	ssyncset.done $0x0  }
0x74: {  	[sflag:s19] =	ssyncadd.s32 $0xFFFFC180  }
0x75: {  	[spmem:s1] =	stream.indirect.scatter.add.f32 [tilespmem:s13], [sflag:$0x3], $0x80, s22, s17, $0xb8;
	[tilespmem:$0x1E800] =	vst v63  }
0x76: {  	_ =	swait.ge [sflag:s14], $0x3E80  }
0x77: {  	[sflag:s14] =	ssyncset.done $0x0  }
0x78: {  	[sflag:s14] =	ssyncadd.s32 $0xFFFFC180  }
0x79: {  	_ =	swait.ge [sflag:s20], $0x3E80  }
0x7a: {  	[sflag:s20] =	ssyncset.done $0x0  }
0x7b: {  	[sflag:s20] =	ssyncadd.s32 $0xFFFFC180  }
0x7c: {  	[spmem:s1] =	stream.indirect.scatter.add.f32 [tilespmem:s18], [sflag:$0x3], $0x80, s23, s17, $0xb8;
	[tilespmem:$0x1E800] =	vst v63  }
0x7d: {  	_ =	swait.ge [sflag:s14], $0x3E80  }
0x7e: {  	[sflag:s14] =	ssyncset.done $0x0  }
0x7f: {  	s29 =	sadd.s32 $0x280, s11;
	s28 =	simm.s32 $0x0;
	[sflag:s14] =	ssyncadd.s32 $0xFFFFC180  }
0x80: {  	[tilespmem:s28], [sflag:$0x3] =	stream.linear.gather [hbm4b:s29+s28], $0x1400, $0x38;
	[tilespmem:$0x1E800] =	vst v63  }
0x81: {  	_ =	swait.ge [sflag:s14], $0x1400  }
0x82: {  	[sflag:s14] =	ssyncset.done $0x0  }
0x83: {  	s30 =	sadd.s32 $0x280, s15;
	[sflag:s14] =	ssyncadd.s32 $0xFFFFEC00  }
0x84: {  	[tilespmem:s16], [sflag:$0x3] =	stream.linear.gather [hbm4b:s30+s28], $0x1400, $0x38;
	[tilespmem:$0x1E800] =	vst v63  }
0x85: {  	_ =	swait.ge [sflag:s14], $0x1400  }
0x86: {  	[sflag:s14] =	ssyncset.done $0x0  }
0x87: {  	[sflag:s14] =	ssyncadd.s32 $0xFFFFEC00  }
0x88: {  	[tilespmem:s13], [sflag:$0x1] =	stream.indirect.gather [hbm4b:s4+s17], $0x80, s28, s17, $0xb8;
	[tilespmem:$0x1E800] =	vst v63  }
0x89: {  	s31 =	simm.s32 $0x80  }
0x8a: {  	[tilespmem:s18], [sflag:$0x2] =	stream.indirect.gather [hbm4b:s4+s17], $0x80, s31, s17, $0xb8;
	[tilespmem:$0x1E800] =	vst v63  }
0x8b: {  	_ =	swait.ge [sflag:s19], $0x3E80  }
0x8c: {  	[sflag:s19] =	ssyncset.done $0x0  }
0x8d: {  	s29 =	simm.s32 $0x1400;
	[sflag:s19] =	ssyncadd.s32 $0xFFFFC180  }
0x8e: {  	[spmem:s1] =	stream.indirect.scatter.add.f32 [tilespmem:s13], [sflag:$0x3], $0x80, s29, s17, $0xb8;
	[tilespmem:$0x1E800] =	vst v63  }
0x8f: {  	_ =	swait.ge [sflag:s14], $0x3E80  }
0x90: {  	[sflag:s14] =	ssyncset.done $0x0  }
0x91: {  	s30 =	simm.s32 $0x100;
	[sflag:s14] =	ssyncadd.s32 $0xFFFFC180  }
0x92: {  	[tilespmem:s13], [sflag:$0x1] =	stream.indirect.gather [hbm4b:s4+s17], $0x80, s30, s17, $0xb8;
	[tilespmem:$0x1E800] =	vst v63  }
0x93: {  	_ =	swait.ge [sflag:s20], $0x3E80  }
0x94: {  	[sflag:s20] =	ssyncset.done $0x0  }
0x95: {  	s31 =	simm.s32 $0x1480;
	[sflag:s20] =	ssyncadd.s32 $0xFFFFC180  }
0x96: {  	[spmem:s1] =	stream.indirect.scatter.add.f32 [tilespmem:s18], [sflag:$0x3], $0x80, s31, s17, $0xb8;
	[tilespmem:$0x1E800] =	vst v63  }
0x97: {  	_ =	swait.ge [sflag:s14], $0x3E80  }
0x98: {  	s26 =	simm.s32 $0x100;
	s28 =	simm.s32 $0x800;
	[sflag:s14] =	ssyncset.done $0x0  }
.LBB2_6:
0x99: {  	s29 =	sadd.s32 $0x80, s26  }
0x9a: {  	[sflag:s14] =	ssyncadd.s32 $0xFFFFC180;
	s30 =	smov.u32 s28;
	s31 =	sadd.s32 $0x400, s28  }
0x9b: {  	[tilespmem:s18], [sflag:$0x2] =	stream.indirect.gather [hbm4b:s4+s17], $0x80, s29, s17, $0xb8;
	[tilespmem:$0x1E800] =	vst v63  }
0x9c: {  	p0 =	sne.s32 s28, $0x4800;
	_ =	swait.ge [sflag:s19], $0x3E80  }
0x9d: {  	[sflag:s19] =	ssyncset.done $0x0  }
0x9e: {  	s28 =	sadd.s32 $0x1400, s26;
	[sflag:s19] =	ssyncadd.s32 $0xFFFFC180  }
0x9f: {  	[spmem:s1] =	stream.indirect.scatter.add.f32 [tilespmem:s13], [sflag:$0x3], $0x80, s28, s17, $0xb8;
	[tilespmem:$0x1E800] =	vst v63  }
0xa0: {  	_ =	swait.ge [sflag:s14], $0x3E80  }
0xa1: {  	[sflag:s14] =	ssyncset.done $0x0  }
0xa2: {  	s28 =	sadd.s32 $0x100, s26;
	[sflag:s14] =	ssyncadd.s32 $0xFFFFC180  }
0xa3: {  	[tilespmem:s13], [sflag:$0x1] =	stream.indirect.gather [hbm4b:s4+s17], $0x80, s28, s17, $0xb8;
	[tilespmem:$0x1E800] =	vst v63  }
0xa4: {  	_ =	swait.ge [sflag:s20], $0x3E80  }
.Ltmp2:
0xa5: {  	[sflag:s20] =	ssyncset.done $0x0;
	(pc) =	sbr.rel @p0 .LBB2_6-.Ltmp2, $4  }
0xa6: {  	s26 =	sadd.s32 $0x1480, s26;
	[sflag:s20] =	ssyncadd.s32 $0xFFFFC180  }
0xa7: {  	[spmem:s1] =	stream.indirect.scatter.add.f32 [tilespmem:s18], [sflag:$0x3], $0x80, s26, s17, $0xb8;
	[tilespmem:$0x1E800] =	vst v63  }
0xa8: {  	_ =	swait.ge [sflag:s14], $0x3E80  }
0xa9: {  	s28 =	smov.u32 s31;
	s26 =	sshra.s32 s30, $0x2;
	[sflag:s14] =	ssyncset.done $0x0  }
0xaa: {  	s28 =	sadd.s32 $0x80, s26;
	[sflag:s14] =	ssyncadd.s32 $0xFFFFC180  }
0xab: {  	[tilespmem:s18], [sflag:$0x2] =	stream.indirect.gather [hbm4b:s4+s17], $0x80, s28, s17, $0xb8;
	[tilespmem:$0x1E800] =	vst v63  }
0xac: {  	_ =	swait.ge [sflag:s19], $0x3E80  }
0xad: {  	[sflag:s19] =	ssyncset.done $0x0  }
0xae: {  	s30 =	sadd.s32 $0x1400, s26;
	[sflag:s19] =	ssyncadd.s32 $0xFFFFC180  }
0xaf: {  	[spmem:s1] =	stream.indirect.scatter.add.f32 [tilespmem:s13], [sflag:$0x3], $0x80, s30, s17, $0xb8;
	[tilespmem:$0x1E800] =	vst v63  }
0xb0: {  	_ =	swait.ge [sflag:s14], $0x3E80  }
0xb1: {  	[sflag:s14] =	ssyncset.done $0x0  }
0xb2: {  	s31 =	sadd.s32 $0x100, s26;
	[sflag:s14] =	ssyncadd.s32 $0xFFFFC180  }
0xb3: {  	[tilespmem:s13], [sflag:$0x1] =	stream.indirect.gather [hbm4b:s4+s17], $0x80, s31, s17, $0xb8;
	[tilespmem:$0x1E800] =	vst v63  }
0xb4: {  	_ =	swait.ge [sflag:s20], $0x3E80  }
0xb5: {  	[sflag:s20] =	ssyncset.done $0x0  }
0xb6: {  	s29 =	sadd.s32 $0x1480, s26;
	[sflag:s20] =	ssyncadd.s32 $0xFFFFC180  }
0xb7: {  	[spmem:s1] =	stream.indirect.scatter.add.f32 [tilespmem:s18], [sflag:$0x3], $0x80, s29, s17, $0xb8;
	[tilespmem:$0x1E800] =	vst v63  }
0xb8: {  	_ =	swait.ge [sflag:s14], $0x3E80  }
0xb9: {  	[sflag:s14] =	ssyncset.done $0x0  }
0xba: {  	[sflag:s14] =	ssyncadd.s32 $0xFFFFC180  }
0xbb: {  	[tilespmem:s18], [sflag:$0x2] =	stream.indirect.gather [hbm4b:s4+s17], $0x80, s21, s17, $0xb8;
	[tilespmem:$0x1E800] =	vst v63  }
0xbc: {  	_ =	swait.ge [sflag:s19], $0x3E80  }
0xbd: {  	[sflag:s19] =	ssyncset.done $0x0  }
0xbe: {  	[sflag:s19] =	ssyncadd.s32 $0xFFFFC180  }
0xbf: {  	[spmem:s1] =	stream.indirect.scatter.add.f32 [tilespmem:s13], [sflag:$0x3], $0x80, s22, s17, $0xb8;
	[tilespmem:$0x1E800] =	vst v63  }
0xc0: {  	_ =	swait.ge [sflag:s14], $0x3E80  }
0xc1: {  	[sflag:s14] =	ssyncset.done $0x0  }
0xc2: {  	[sflag:s14] =	ssyncadd.s32 $0xFFFFC180  }
0xc3: {  	_ =	swait.ge [sflag:s20], $0x3E80  }
0xc4: {  	[sflag:s20] =	ssyncset.done $0x0  }
0xc5: {  	[sflag:s20] =	ssyncadd.s32 $0xFFFFC180  }
0xc6: {  	[spmem:s1] =	stream.indirect.scatter.add.f32 [tilespmem:s18], [sflag:$0x3], $0x80, s23, s17, $0xb8;
	[tilespmem:$0x1E800] =	vst v63  }
0xc7: {  	_ =	swait.ge [sflag:s14], $0x3E80  }
0xc8: {  	s25 =	sadd.s32 $0x1, s25;
	s30 =	sshll.u32 s3, $0x6;
	[sflag:s14] =	ssyncset.done $0x0  }
0xc9: {  	p0 =	sne.s32 s25, s12;
	s26 =	sor.u32 $0x1C03, s30;
	[sflag:s14] =	ssyncadd.s32 $0xFFFFC180  }
.Ltmp3:
0xca: {  	s31 =	sshrl.u32 s5, $0x3;
	[bflag:$0x0] =	sbarrier.arrive $0xFFFF;
	(pc) =	sbr.rel @p0 .LBB2_1-.Ltmp3, $4  }
0xcb: {  	[hbm:s24], [sflag:s26] =	dma.local [spmem:s31], $0x2800  }
0xcc: {  	_ =	swait.ge [sflag:s14], $0x2800  }
0xcd: {  	[sflag:s14] =	ssyncset.done $0x0  }
0xce: {  	[sflag:s14] =	ssyncadd.s32 $0xFFFFD800  }
0xcf: {  	_ =	sfence.sel $0x180000  }
0xd0: {  	[bflag:$0x0] =	sbarrier.arrive $0xFFFF  }
0xd1: {  	p0 =	sne.s32 s3, $0x0;
	_ =	strace $0x9000004D  }
0xd2: {  	s0 =	sadd.s32 @!p0 $0x100000, s0;
	[bflag:$0x2] =	sbarrier.arrive $0xFFFF  }
0xd3: {  	[sflag:s0] =	ssyncadd.tile.s32 @!p0 $0x1;
	_ =	shalt  }
.Lfunc_end2:
_tile_overlayer_lowered:
.L_overlay_start_2:
0xd4: {  	(tag) =	ssettag $0x2  }
0xd5: {  	s0 =	rddreg [dreg:$0x0];
	s2 =	stileid.u32  }
0xd6: {  	s1 =	rddreg [dreg:$0x1];
	p0 =	sne.s32 s2, $0x0  }
0xd7: {  	s3 =	rddreg [dreg:$0x2];
	[bflag:$0x3] =	sbarrier.arrive $0xFFFF;
	s2 =	simm.s32 @!p0 $0x1C03  }
0xd8: {  	[timem:s3], [sflag:s2] =	dma.local @!p0 [hbm:s0], s1  }
0xd9: {  	s0 =	simm.s32 @!p0 $0x3  }
0xda: {  	_ =	swait.ge @!p0 [sflag:s0], s1  }
0xdb: {  	s1 =	ssub.s32 @!p0 $0x0, s1;
	[sflag:s0] =	ssyncset.done @!p0 $0x0  }
0xdc: {  	[sflag:s0] =	ssyncadd.s32 @!p0 s1  }
0xdd: {  	[bflag:$0x3] =	sbarrier.arrive $0xFFFF  }
0xde: {  	_ =	shalt  }

// kernel: kernel.8.cloned.1.call-start
scs
__scs_entry_jumppad:
0x0: {  	(pc) =	sbr.rel $0x88, $3  }
0x1: {  	(tag) =	ssettag $0x0;
	lr =	simm.s32 $0x1  }
0x2: {  	[smem:$0x3F99] =	sst lr;
	_ =	strace $0xD0000000  }
0x3: {  	_ = 	snop  }
0x4: {  	_ = 	snop  }
0x5: {  	_ = 	snop  }
0x6: {  	_ = 	snop  }
0x7: {  	_ = 	snop  }
__scs_overlays_trampoline_lowered:
0x8: {  	[smem:$0x3FA8] =	sst s0  }
0x9: {  	[smem:$0x3FA9] =	sst s1  }
0xa: {  	[smem:$0x3FAA] =	sst s2  }
0xb: {  	[smem:$0x3FAB] =	sst s3  }
0xc: {  	[smem:$0x3FAC] =	sst s4  }
0xd: {  	[smem:$0x3FAD] =	sst s5  }
0xe: {  	[smem:$0x3FAE] =	sst s6  }
0xf: {  	[smem:$0x3FAF] =	sst s7  }
0x10: {  	[smem:$0x3FB0] =	sst s8  }
0x11: {  	[smem:$0x3FB1] =	sst s9;
	s0 =	simm.s32 @!p0 $0x0  }
0x12: {  	s1 =	sld [smem:$0x3F97];
	s0 =	simm.s32 @p0 $0x1  }
0x13: {  	[smem:$0x3FB2] =	sst s0;
	s0 =	simm.s32 @!p1 $0x0  }
0x14: {  	s2 =	sld [smem:$0x3F96];
	s0 =	simm.s32 @p1 $0x1  }
0x15: {  	[smem:$0x3FB3] =	sst s0;
	s0 =	simm.s32 @!p2 $0x0  }
0x16: {  	s3 =	sld [smem:$0x3FDB];
	s0 =	simm.s32 @p2 $0x1  }
0x17: {  	s4 =	simm.s32 $0x1BF5;
	[smem:$0x3FB5] =	sst s0  }
0x18: {  	s0 =	sld [smem:$0x3F98];
	_ =	swait.ge [sflag:s4], $0x0  }
0x19: {  	s7 =	sld [smem:$0x3F99]  }
0x1a: {  	s8 =	sadd.s32 $0xFFFFE003, lr  }
0x1b: {  	s9 =	sadd.s32 $0xFFFFFEF7, lr;
	s5 =	simm.s32 $0xFFFFFFFF;
	p2 =	slt.u32 s8, $0xFFFFF086  }
0x1c: {  	p1 =	slt.u32 s9, $0xF7A;
	s5 =	simm.s32 @!p2 $0x0  }
0x1d: {  	s5 =	simm.s32 @p1 $0x1;
	p0 =	seq.s32 s7, s2  }
0x1e: {  	s7 =	smul.u32 @!p0 $0xF7A, s2;
	p2 =	seq.s32 @!p0 s5, $0x0  }
0x1f: {  	s9 =	smul.u32 $0xF7A, s1;
	s8 =	simm.s32 @!p0 $0x1BF5;
	p2 =	por !p2, p0  }
0x20: {  	[sflag:s8] =	ssyncset.s32 @!p0 $0xFFFFF086;
	s6 =	sadd.s32 @!p0 s3, s7;
	s7 =	simm.s32 @!p0 $0x108  }
0x21: {  	s3 =	sadd.s32 s3, s9;
	s6 =	sadd.s32 @!p0 $0x88, s6;
	s7 =	simm.s32 @p2 $0x1082  }
0x22: {  	[simem:s7], [sflag:s8] =	dma.local @!p0 [hbm:s6], $0xF7A  }
0x23: {  	s9 =	sor.u32 $0xD0000000, s2;
	s6 =	simm.s32 $0x108;
	_ =	swait.ge @!p0 [sflag:s8], $0x0  }
0x24: {  	s3 =	sadd.s32 $0x88, s3;
	s6 =	simm.s32 @!p1 $0x1082;
	[sflag:s4] =	ssyncset.s32 $0xFFFFF086  }
0x25: {  	[simem:s6], [sflag:s4] =	dma.local [hbm:s3], $0xF7A  }
0x26: {  	[smem:$0x3F99] =	sst s1;
	(tag) =	ssettag s2;
	_ =	strace s9  }
0x27: {  	s1 =	sld [smem:$0x3FA9]  }
0x28: {  	s2 =	sld [smem:$0x3FAA]  }
0x29: {  	s4 =	sld [smem:$0x3FAC]  }
0x2a: {  	p0 =	seq.s32 s5, $0x0;
	s5 =	sld [smem:$0x3FAD]  }
0x2b: {  	s6 =	sld [smem:$0x3FAE]  }
0x2c: {  	s7 =	sld [smem:$0x3FAF]  }
0x2d: {  	s3 =	simm.s32 $0x108;
	s8 =	sld [smem:$0x3FB0]  }
0x2e: {  	s3 =	simm.s32 @!p0 $0x1082;
	s9 =	sld [smem:$0x3FB1]  }
0x2f: {  	lr =	sadd.s32 s0, s3;
	s0 =	sld [smem:$0x3FA8]  }
0x30: {  	s3 =	sld [smem:$0x3FAB]  }
0x31: {  	[smem:$0x3FB4] =	sst s10  }
0x32: {  	s10 =	sld [smem:$0x3FB2];
	_ =	sdelay $0x3  }
0x33: {  	p0 =	seq.s32 s10, $0x1;
	s10 =	sld [smem:$0x3FB4];
	_ =	sdelay $0x3  }
0x34: {  	[smem:$0x3FB4] =	sst s10  }
0x35: {  	s10 =	sld [smem:$0x3FB3];
	_ =	sdelay $0x3  }
0x36: {  	p1 =	seq.s32 s10, $0x1;
	s10 =	sld [smem:$0x3FB4];
	_ =	sdelay $0x3  }
0x37: {  	[smem:$0x3FB4] =	sst s10  }
0x38: {  	s10 =	sld [smem:$0x3FB5]  }
0x39: {  	_ = 	snop;
	(pc) =	sbr.ind lr, $3  }
0x3a: {  	_ = 	snop  }
0x3b: {  	_ = 	snop  }
0x3c: {  	p2 =	seq.s32 s10, $0x1;
	s10 =	sld [smem:$0x3FB4]  }
0x3d: {  	_ =	shalt  }
0x3e: {  	_ =	shalt  }
0x3f: {  	_ =	shalt  }
0x40: {  	_ =	shalt  }
0x41: {  	_ =	shalt  }
0x42: {  	_ =	shalt  }
0x43: {  	_ =	shalt  }
0x44: {  	_ =	shalt  }
0x45: {  	_ =	shalt  }
0x46: {  	_ =	shalt  }
0x47: {  	_ =	shalt  }
0x48: {  	_ =	shalt  }
0x49: {  	_ =	shalt  }
0x4a: {  	_ =	shalt  }
0x4b: {  	_ =	shalt  }
0x4c: {  	_ =	shalt  }
0x4d: {  	_ =	shalt  }
0x4e: {  	_ =	shalt  }
0x4f: {  	_ =	shalt  }
0x50: {  	_ =	shalt  }
0x51: {  	_ =	shalt  }
0x52: {  	_ =	shalt  }
0x53: {  	_ =	shalt  }
0x54: {  	_ =	shalt  }
0x55: {  	_ =	shalt  }
0x56: {  	_ =	shalt  }
0x57: {  	_ =	shalt  }
0x58: {  	_ =	shalt  }
0x59: {  	_ =	shalt  }
0x5a: {  	_ =	shalt  }
0x5b: {  	_ =	shalt  }
0x5c: {  	_ =	shalt  }
0x5d: {  	_ =	shalt  }
0x5e: {  	_ =	shalt  }
0x5f: {  	_ =	shalt  }
0x60: {  	_ =	shalt  }
0x61: {  	_ =	shalt  }
0x62: {  	_ =	shalt  }
0x63: {  	_ =	shalt  }
0x64: {  	_ =	shalt  }
0x65: {  	_ =	shalt  }
0x66: {  	_ =	shalt  }
0x67: {  	_ =	shalt  }
0x68: {  	_ =	shalt  }
0x69: {  	_ =	shalt  }
0x6a: {  	_ =	shalt  }
0x6b: {  	_ =	shalt  }
0x6c: {  	_ =	shalt  }
0x6d: {  	_ =	shalt  }
0x6e: {  	_ =	shalt  }
0x6f: {  	_ =	shalt  }
0x70: {  	_ =	shalt  }
0x71: {  	_ =	shalt  }
0x72: {  	_ =	shalt  }
0x73: {  	_ =	shalt  }
0x74: {  	_ =	shalt  }
0x75: {  	_ =	shalt  }
0x76: {  	_ =	shalt  }
0x77: {  	_ =	shalt  }
0x78: {  	_ =	shalt  }
0x79: {  	_ =	shalt  }
0x7a: {  	_ =	shalt  }
0x7b: {  	_ =	shalt  }
0x7c: {  	_ =	shalt  }
0x7d: {  	_ =	shalt  }
0x7e: {  	_ =	shalt  }
0x7f: {  	_ =	shalt  }
0x80: {  	_ =	shalt  }
0x81: {  	_ =	shalt  }
0x82: {  	_ =	shalt  }
0x83: {  	_ =	shalt  }
0x84: {  	_ =	shalt  }
0x85: {  	_ =	shalt  }
0x86: {  	_ =	shalt  }
0x87: {  	_ =	shalt  }
.Lfunc_end0:
.L_simem_size_0:
called_computation_lowered:
.L_overlay_start_0:
0x88: {  	s2 =	sld [smem:$0x3FD9]  }
0x89: {  	s3 =	sld [smem:$0x3FFE];
	_ =	sdelay $0x1  }
0x8a: {  	s1 =	srdreg.scid  }
0x8b: {  	s0 =	sand.u32 $0x1, s1  }
0x8c: {  	s17 =	sshll.u32 s0, $0xA;
	s2 =	sadd.s32 s3, s2  }
0x8d: {  	s2 =	sadd.s32 s2, s17  }
0x8e: {  	[smem:$0x3FC0] =	sst s2  }
0x8f: {  	_ = 	snop  }
0x90: {  	s2 =	sld [smem:$0x3FD0];
	(tm) =	ssettm $0x1  }
0x91: {  	s18 =	sld [smem:$0x3FFB];
	_ =	sdelay $0x3  }
0x92: {  	_ =	strace s18  }
0x93: {  	s3 =	sld [smem:$0x3FFC];
	_ =	sdelay $0x3  }
0x94: {  	_ =	strace s3  }
0x95: {  	s3 =	sld [smem:$0x3FFD];
	_ =	sdelay $0x3  }
0x96: {  	_ =	strace s3  }
0x97: {  	_ =	strace $0x8FFFFFFF  }
0x98: {  	s19 =	sld [smem:$0x3FDB];
	_ =	sdelay $0x1  }
0x99: {  	s4 =	simm.s32 $_scs_section_size  }
0x9a: {  	s5 =	simm.s32 $_size__tile_overlayer_lowered;
	s6 =	simm.s32 $_tile_overlayer_lowered  }
0x9b: {  	s22 =	simm.s32 $0x1BFF;
	s21 =	sshll.u32 s6, $0x1;
	s3 =	sadd.s32 s4, s19  }
0x9c: {  	s7 =	simm.s32 $0x0;
	s20 =	sshll.u32 s5, $0x1;
	s5 =	sadd.s32 s21, s3  }
0x9d: {  	[timem:s7], [sflag:s22] =	dma.local [hbm:s5], s20  }
0x9e: {  	_ =	swait.ge [sflag:s22], s20  }
0x9f: {  	s4 =	ssub.s32 $0x0, s20;
	[sflag:s22] =	ssyncset.done $0x0  }
0xa0: {  	[sflag:s22] =	ssyncadd.s32 s4;
	_ =	sdelay $0x1  }
0xa1: {  	s23 =	simm.s32 $0x1B8B  }
0xa2: {  	_ =	swait.ge [sflag:s23], $0x1  }
0xa3: {  	[sflag:s23] =	ssyncset.done $0x0  }
0xa4: {  	s25 =	simm.s32 $0x1B8E;
	s24 =	sld [smem:$0x3FFE];
	[sflag:s23] =	ssyncadd.s32 $0xFFFFFFFF  }
0xa5: {  	s26 =	simm.s32 $execute0_lowered;
	[smem:$0x3FD2] =	sst s25  }
0xa6: {  	s5 =	sshll.u32 s26, $0x1;
	_ =	strace $0x80000046;
	[dreg:$0x1] =	wrdreg $0xFFFFFFFF  }
0xa7: {  	s28 =	simm.s32 $_size_execute0_lowered;
	s3 =	sadd.s32 s3, s5;
	[dreg:$0x0] =	wrdreg $0x0  }
0xa8: {  	s5 =	sshll.u32 s28, $0x1;
	[dreg:$0x2] =	wrdreg s3  }
0xa9: {  	[dreg:$0x3] =	wrdreg s5  }
0xaa: {  	[dreg:$0x4] =	wrdreg $0xC0  }
0xab: {  	_ =	task [dreg:s7], $0x5FFFF  }
0xac: {  	[dreg:$0x1] =	wrdreg $0xFFFFFFFF  }
0xad: {  	[dreg:$0x0] =	wrdreg $0x60  }
0xae: {  	[dreg:$0x2] =	wrdreg s2  }
0xaf: {  	[dreg:$0x3] =	wrdreg s24  }
0xb0: {  	[dreg:$0x4] =	wrdreg $0x2B000  }
0xb1: {  	[dreg:$0x5] =	wrdreg $0x9  }
0xb2: {  	_ =	task.clear_ibuf [dreg:s7], $0x6FFFF;
	_ =	strace $0x90000046  }
0xb3: {  	s29 =	simm.s32 $0x9;
	_ =	strace $0x80000048  }
0xb4: {  	_ =	swait.ge [sflag:s29], $0x1  }
0xb5: {  	[sflag:s29] =	ssyncadd.s32 $0xFFFFFFFF  }
0xb6: {  	_ =	strace $0x90000048  }
0xb7: {  	_ =	sfence  }
0xb8: {  	s30 =	sld [smem:$0x0];
	_ =	sdelay $0x2  }
0xb9: {  	s31 =	sshll.u32 s1, $0xD;
	s1 =	sshrl.u32 s1, $0x2  }
0xba: {  	s3 =	sand.u32 $0x4000, s31;
	s1 =	sadd.s32 s1, s30  }
0xbb: {  	s0 =	sor.u32 s3, s0;
	s1 =	sshll.u32 s1, $0x11  }
0xbc: {  	s0 =	sor.u32 s1, s0  }
0xbd: {  	s0 =	sadd.s32 $0x8F2B, s0  }
0xbe: {  	[sflag:s0] =	ssyncadd.remote.s32 $0x1  }
0xbf: {  	_ =	sfence.sel $0xFFFF  }
0xc0: {  	[dreg:$0x0] =	wrdreg $0xFFFFFFFF;
	(pc) =	sbr.abs _section_cstart, $3  }
0xc1: {  	[dreg:$0x1] =	wrdreg $0xFFFFFFFF  }
0xc2: {  	_ =	task.clear_ibuf [dreg:s7], $0x2FFFF;
	_ =	strace $0x9FFFFFFF  }
0xc3: {  	(tm) =	ssettm $0x7FFFFFFF  }
tec
execute0_lowered:
.L_overlay_start_1:
0x0: {  	(tag) =	ssettag $0x1  }
0x1: {  	s5 =	rddreg [dreg:$0x0]  }
0x2: {  	s4 =	rddreg [dreg:$0x1]  }
0x3: {  	s1 =	rddreg [dreg:$0x2]  }
0x4: {  	s0 =	rddreg [dreg:$0x3];
	s3 =	simm.s32 $0x0;
	s2 =	srdreg.scid  }
0x5: {  	s14 =	simm.s32 $0x20;
	s15 =	simm.s32 $0x10;
	s16 =	simm.s32 $0x0  }
0x6: {  	[smem:$0x7FF] =	sst s3;
	s6 =	sand.u32 $0x1, s2;
	s2 =	stileid.u32  }
0x7: {  	s31 =	sadd.s32 $0xA000, s5;
	s7 =	sshll.u32 s6, $0x4;
	s8 =	smul.u32 $0xA00, s2  }
0x8: {  	s6 =	ssub.s32 $0x2, s6;
	_ =	strace $0x80000047;
	s12 =	smul.u32 $0xA0, s2  }
0x9: {  	s13 =	sshll.u32 s2, $0x6;
	s9 =	sadd.s32 s7, s4;
	s29 =	sshrl.u32 s6, $0x1  }
0xa: {  	s7 =	sor.u32 s2, s7;
	s6 =	ssub.s32 s6, s29;
	s30 =	sshrl.u32 s8, $0x2  }
0xb: {  	s10 =	smul.u32 $0x500, s7;
	s11 =	sadd.s32 $0x2C00, s9;
	s7 =	simm.s32 $0x1  }
0xc: {  	s9 =	simm.s32 $0x7D;
	s4 =	sadd.s32 s30, s1;
	s5 =	smax.u32 s6, $0x1  }
0xd: {  	s6 =	simm.s32 $0x2880;
	s11 =	sadd.s32 s12, s11;
	s12 =	sor.u32 $0x1C01, s13  }
0xe: {  	v0 =	vimm.f32 $1.000000000e+00;
	v1 =	vimm.f32 $0.0e+00;
	s8 =	sadd.s32 s10, s31;
	s10 =	simm.s32 $0x2800;
	s13 =	sshrl.u32 s4, $0x3  }
.LBB2_1:
0xf: {  	[tilespmem:$0x2800] =	vst v0  }
0x10: {  	[tilespmem:$0x2810] =	vst v0  }
0x11: {  	[tilespmem:$0x2820] =	vst v0  }
0x12: {  	[tilespmem:$0x2830] =	vst v0  }
0x13: {  	[tilespmem:$0x2840] =	vst v0  }
0x14: {  	[tilespmem:$0x2850] =	vst v0  }
0x15: {  	[tilespmem:$0x2860] =	vst v0  }
0x16: {  	[tilespmem:$0x2870] =	vst v0  }
0x17: {  	[tilespmem:$0x2880] =	vst v1  }
0x18: {  	[tilespmem:$0x2890] =	vst v1  }
0x19: {  	[tilespmem:$0x28A0] =	vst v1  }
0x1a: {  	[tilespmem:$0x28B0] =	vst v1  }
0x1b: {  	[tilespmem:$0x28C0] =	vst v1  }
0x1c: {  	[tilespmem:$0x28D0] =	vst v1  }
0x1d: {  	[tilespmem:$0x28E0] =	vst v1  }
0x1e: {  	[tilespmem:$0x28F0] =	vst v1  }
0x1f: {  	[tilespmem:$0x2900] =	vst v1  }
0x20: {  	[tilespmem:$0x2910] =	vst v1  }
0x21: {  	[tilespmem:$0x2920] =	vst v1  }
0x22: {  	[tilespmem:$0x2930] =	vst v1  }
0x23: {  	[tilespmem:$0x2940] =	vst v1  }
0x24: {  	[tilespmem:$0x2950] =	vst v1  }
0x25: {  	[tilespmem:$0x2960] =	vst v1  }
0x26: {  	[tilespmem:$0x2970] =	vst v1  }
0x27: {  	[tilespmem:$0x2980] =	vst v1  }
0x28: {  	[tilespmem:$0x2990] =	vst v1  }
0x29: {  	[tilespmem:$0x29A0] =	vst v1  }
0x2a: {  	[tilespmem:$0x29B0] =	vst v1  }
0x2b: {  	[tilespmem:$0x29C0] =	vst v1  }
0x2c: {  	[tilespmem:$0x29D0] =	vst v1  }
0x2d: {  	[tilespmem:$0x29E0] =	vst v1  }
0x2e: {  	[tilespmem:$0x29F0] =	vst v1  }
0x2f: {  	[tilespmem:$0x2A00] =	vst v1  }
0x30: {  	[tilespmem:$0x2A10] =	vst v1  }
0x31: {  	[tilespmem:$0x2A20] =	vst v1  }
0x32: {  	[tilespmem:$0x2A30] =	vst v1  }
0x33: {  	[tilespmem:$0x2A40] =	vst v1  }
0x34: {  	[tilespmem:$0x2A50] =	vst v1  }
0x35: {  	[tilespmem:$0x2A60] =	vst v1  }
0x36: {  	[tilespmem:$0x2A70] =	vst v1  }
0x37: {  	[tilespmem:$0x2A80] =	vst v1  }
0x38: {  	[tilespmem:$0x2A90] =	vst v1  }
0x39: {  	[tilespmem:$0x2AA0] =	vst v1  }
0x3a: {  	[tilespmem:$0x2AB0] =	vst v1  }
0x3b: {  	[tilespmem:$0x2AC0] =	vst v1  }
0x3c: {  	[tilespmem:$0x2AD0] =	vst v1  }
0x3d: {  	[tilespmem:$0x2AE0] =	vst v1  }
0x3e: {  	[tilespmem:$0x2AF0] =	vst v1  }
0x3f: {  	[spmem:s4] =	stream.linear.scatter [tilespmem:s6], [sflag:$0x1], $0x280, $0x38;
	[tilespmem:$0x2D80] =	vst v63  }
0x40: {  	_ =	swait.ge [sflag:s7], $0x280  }
0x41: {  	[sflag:s7] =	ssyncset.done $0x0  }
0x42: {  	[sflag:s7] =	ssyncadd.s32 $0xFFFFFD80  }
0x43: {  	[tilespmem:s3], [sflag:$0x1] =	stream.linear.gather [hbm4b:s8+s3], $0x2800, $0x38;
	[tilespmem:$0x2D80] =	vst v63  }
0x44: {  	_ =	swait.ge [sflag:s7], $0x2800  }
0x45: {  	[sflag:s7] =	ssyncset.done $0x0  }
0x46: {  	[sflag:s7] =	ssyncadd.s32 $0xFFFFD800  }
0x47: {  	s17 =	simm.s32 $0x0;
	[bflag:$0x0] =	sbarrier.arrive $0xFFFF  }
0x48: {  	[spmem:s1] =	stream.indirect.scatter.add.f32 [tilespmem:s10], [sflag:$0x1], $0x1, s17, s9, $0xb8;
	[tilespmem:$0x2D80] =	vst v63  }
0x49: {  	_ =	swait.ge [sflag:s7], $0x7D  }
0x4a: {  	s17 =	simm.s32 $0x200;
	[sflag:s7] =	ssyncset.done $0x0  }
.LBB2_2:
0x4b: {  	s18 =	sshra.s32 s17, $0x2;
	[sflag:s7] =	ssyncadd.s32 $0xFFFFFF83;
	p0 =	sne.s32 s17, $0x9E00  }
0x4c: {  	[spmem:s1] =	stream.indirect.scatter.add.f32 [tilespmem:s10], [sflag:$0x1], $0x1, s18, s9, $0xb8;
	[tilespmem:$0x2D80] =	vst v63  }
.Ltmp0:
0x4d: {  	_ = 	snop;
	(pc) =	sbr.rel @p0 .LBB2_2-.Ltmp0, $4  }
0x4e: {  	_ = 	snop  }
0x4f: {  	s17 =	sadd.s32 $0x200, s17  }
0x50: {  	_ =	swait.ge [sflag:s7], $0x7D  }
0x51: {  	[sflag:s7] =	ssyncset.done $0x0  }
0x52: {  	s16 =	sadd.s32 $0x1, s16  }
0x53: {  	[sflag:s7] =	ssyncadd.s32 $0xFFFFFF83;
	p0 =	sne.s32 s16, s5  }
.Ltmp1:
0x54: {  	[bflag:$0x0] =	sbarrier.arrive $0xFFFF;
	(pc) =	sbr.rel @p0 .LBB2_1-.Ltmp1, $4  }
0x55: {  	[hbm:s11@s14], [sflag:s12] =	dma.strided [spmem:s13@s15], $0x50, s7, $0x10   }
0x56: {  	_ =	swait.ge [sflag:s7], $0x50  }
0x57: {  	[sflag:s7] =	ssyncset.done $0x0  }
0x58: {  	[sflag:s7] =	ssyncadd.s32 $0xFFFFFFB0  }
0x59: {  	_ =	sfence.sel $0x180000  }
0x5a: {  	[bflag:$0x0] =	sbarrier.arrive $0xFFFF  }
0x5b: {  	p0 =	sne.s32 s2, $0x0;
	_ =	strace $0x90000047  }
0x5c: {  	s0 =	sadd.s32 @!p0 $0x100000, s0;
	[bflag:$0x2] =	sbarrier.arrive $0xFFFF  }
0x5d: {  	[sflag:s0] =	ssyncadd.tile.s32 @!p0 $0x1;
	_ =	shalt  }
.Lfunc_end2:
_tile_overlayer_lowered:
.L_overlay_start_2:
0x5e: {  	(tag) =	ssettag $0x2  }
0x5f: {  	s0 =	rddreg [dreg:$0x0];
	s2 =	stileid.u32  }
0x60: {  	s1 =	rddreg [dreg:$0x1];
	p0 =	sne.s32 s2, $0x0  }
0x61: {  	s3 =	rddreg [dreg:$0x2];
	[bflag:$0x3] =	sbarrier.arrive $0xFFFF;
	s2 =	simm.s32 @!p0 $0x1C01  }
0x62: {  	[timem:s3], [sflag:s2] =	dma.local @!p0 [hbm:s0], s1  }
0x63: {  	s0 =	simm.s32 @!p0 $0x1  }
0x64: {  	_ =	swait.ge @!p0 [sflag:s0], s1  }
0x65: {  	s1 =	ssub.s32 @!p0 $0x0, s1;
	[sflag:s0] =	ssyncset.done @!p0 $0x0  }
0x66: {  	[sflag:s0] =	ssyncadd.s32 @!p0 s1  }
0x67: {  	[bflag:$0x3] =	sbarrier.arrive $0xFFFF  }
0x68: {  	_ =	shalt  }

</sc_bundles>
